<compile_context>
chip_gen: v7x
topology: tpu7x:2x2x1
jax: 0.10.2.dev20260603
libtpu: 0.0.44.dev20260713+nightly
codegen_flags: <defaults>
</compile_context>

<pallas_src>
import functools
import math

import jax
import jax.numpy as jnp
from jax import lax
from jax.experimental import pallas as pl
from jax.experimental.pallas import tpu as pltpu
from jax.experimental.pallas import tpu_sc as plsc

N = 10000
E = 320000
C_IN = 128
C_OUT = 128
H = 8
DH = 16
ED = 16

NC = 2
NS = 16
NW = NC * NS
EPW = E // NW
CHUNK = 80
NCHUNKS = EPW // CHUNK
GRP = CHUNK // 16
N_PAD = 10112
SROWS = 640
NROW = N_PAD + SROWS
RPT = NROW // NS

_INV_SQRT_DH = 1.0 / math.sqrt(DH)


def _pack64(y):
    lo = y[:, 0:64].astype(jnp.bfloat16).astype(jnp.float32)
    hi = y[:, 64:128].astype(jnp.bfloat16).astype(jnp.float32)
    lo_i = jax.lax.bitcast_convert_type(lo, jnp.int32)
    hi_i = jax.lax.bitcast_convert_type(hi, jnp.int32)
    return jax.lax.shift_right_logical(lo_i, 16) | (hi_i & -65536)


def _proj_body(x_ref, ea_ref, wq_ref, wk_ref, wv_ref, bq_ref, bk_ref, bv_ref,
               w2_ref, ber_ref, q_ref, kv_ref, eb_ref):
    xb = x_ref[...]
    q = jnp.dot(xb, wq_ref[...], preferred_element_type=jnp.float32) + bq_ref[...]
    k = jnp.dot(xb, wk_ref[...], preferred_element_type=jnp.float32) + bk_ref[...]
    v = jnp.dot(xb, wv_ref[...], preferred_element_type=jnp.float32) + bv_ref[...]
    q_ref[:, 0:64] = _pack64(q)
    q_ref[:, 64:128] = jnp.zeros((xb.shape[0], 64), jnp.int32)
    kv_ref[:, 0:64] = _pack64(k)
    kv_ref[:, 64:128] = _pack64(v)
    eb_ref[...] = (jnp.dot(ea_ref[...], w2_ref[...],
                           preferred_element_type=jnp.float32) + ber_ref[...])


def _project(x, edge_attr, Wq, Wk, Wv, bq, bk, bv, We, be):
    B = 1000
    G = E // 16
    BE = G // (N // B)
    grid = (N // B,)
    w2 = jnp.tensordot(jnp.eye(16, dtype=jnp.float32), We, axes=0)
    w2 = w2.transpose(0, 2, 3, 1).reshape(16 * ED, H * 16)
    ber = jnp.repeat(be, 16).reshape(1, H * 16)
    row_spec = pl.BlockSpec((B, C_IN), lambda i: (i, 0))
    w_spec = pl.BlockSpec((C_IN, C_OUT), lambda i: (0, 0))
    b_spec = pl.BlockSpec((1, C_OUT), lambda i: (0, 0))
    return pl.pallas_call(
        _proj_body,
        grid=grid,
        in_specs=[row_spec,
                  pl.BlockSpec((BE, 16 * ED), lambda i: (i, 0)),
                  w_spec, w_spec, w_spec, b_spec, b_spec, b_spec,
                  pl.BlockSpec((16 * ED, H * 16), lambda i: (0, 0)),
                  pl.BlockSpec((1, H * 16), lambda i: (0, 0))],
        out_specs=[row_spec, row_spec,
                   pl.BlockSpec((BE, H * 16), lambda i: (i, 0))],
        out_shape=[jax.ShapeDtypeStruct((N, C_OUT), jnp.int32),
                   jax.ShapeDtypeStruct((N, C_OUT), jnp.int32),
                   jax.ShapeDtypeStruct((G, H * 16), jnp.float32)],
    )(x, edge_attr.reshape(G, 16 * ED), Wq, Wk, Wv,
      bq.reshape(1, C_OUT), bk.reshape(1, C_OUT), bv.reshape(1, C_OUT),
      w2, ber)


def _sc_body(q_hbm, kv_hbm, src_hbm, dst_hbm, eb_hbm, z_hbm, out_hbm,
             acc_sh, srcv, dstv, idx2, ebv, qrows, kvrows, msgv, msge,
             sem, lsem):
    cid = lax.axis_index("c")
    sid = lax.axis_index("s")
    wid = cid * NS + sid

    pltpu.sync_copy(z_hbm.at[pl.ds(sid * RPT, RPT)],
                    acc_sh.at[pl.ds(sid * RPT, RPT)])
    pltpu.sync_copy(z_hbm.at[pl.ds(0, CHUNK)], msge)

    plsc.subcore_barrier()

    lane = lax.iota(jnp.int32, 16)
    zero16 = jnp.zeros((16,), jnp.float32)

    def load_linear(jj, p):
        b = wid * EPW + jj * CHUNK
        cps = pltpu.async_copy(src_hbm.at[pl.ds(b, CHUNK)], srcv, lsem)
        cpd = pltpu.async_copy(dst_hbm.at[pl.ds(b, CHUNK)], dstv.at[p], lsem)
        cpe = pltpu.async_copy(eb_hbm.at[pl.ds(b * H, CHUNK * H)],
                               ebv.at[pl.ds(p * CHUNK * H, CHUNK * H)], lsem)
        return cps, cpd, cpe

    def issue_gathers(p):
        pltpu.async_copy(q_hbm.at[dstv.at[p]], qrows, sem)
        pltpu.async_copy(kv_hbm.at[srcv], kvrows, sem)

    def wait_gathers():
        pltpu.make_async_copy(q_hbm.at[dstv.at[0]], qrows, sem).wait()
        pltpu.make_async_copy(kv_hbm.at[srcv], kvrows, sem).wait()

    cps, cpd, cpe = load_linear(0, 0)
    cps.wait()
    cpd.wait()
    cpe.wait()
    for g in range(GRP):
        dl = dstv[0, pl.ds(g * 16, 16)]
        idx2[0, pl.ds(g * 16, 16)] = N_PAD + (dl >> 4)
    issue_gathers(0)

    def chunk_body(j, carry):
        p = j & 1
        pn = 1 - p
        jn = jnp.minimum(j + 1, NCHUNKS - 1)
        wait_gathers()
        load_linear(jn, pn)

        def group_body(g, carry2):
            row = g * 16 + lane
            dl = dstv[p, pl.ds(g * 16, 16)]
            colbase = (dl & 15) << 3
            def head_body(hp, carry3):
                slo = jnp.zeros((16,), jnp.float32)
                shi = jnp.zeros((16,), jnp.float32)
                for dd in range(DH):
                    col = ((lane + dd) & 15) | (hp << 4)
                    qw = plsc.load_gather(qrows, [row, col])
                    kw = plsc.load_gather(kvrows, [row, col])
                    slo = slo + (plsc.bitcast(qw << 16, jnp.float32)
                                 * plsc.bitcast(kw << 16, jnp.float32))
                    shi = shi + (plsc.bitcast(qw & -65536, jnp.float32)
                                 * plsc.bitcast(kw & -65536, jnp.float32))
                pbase = p * (CHUNK * H) + g * 128
                eb_lo = ebv[pl.ds(pbase + hp * 16, 16)]
                eb_hi = ebv[pl.ds(pbase + (hp + 4) * 16, 16)]
                ex_lo = jnp.exp(slo * _INV_SQRT_DH + eb_lo)
                ex_hi = jnp.exp(shi * _INV_SQRT_DH + eb_hi)
                plsc.store_scatter(msge, [row, colbase + hp], ex_lo)
                plsc.store_scatter(msge, [row, colbase + hp + 4], ex_hi)
                for dd in range(DH):
                    colw = ((lane + dd) & 15) | (hp << 4)
                    vw = plsc.load_gather(kvrows, [row, colw + 64])
                    vlo = plsc.bitcast(vw << 16, jnp.float32)
                    vhi = plsc.bitcast(vw & -65536, jnp.float32)
                    plsc.store_scatter(msgv, [row, colw], vlo * ex_lo)
                    plsc.store_scatter(msgv, [row, colw + 64], vhi * ex_hi)
                return carry3

            lax.fori_loop(0, H // 2, head_body, 0)
            return carry2

        lax.fori_loop(0, GRP, group_body, 0)

        pltpu.make_async_copy(src_hbm.at[pl.ds(0, CHUNK)], srcv,
                              lsem).wait()
        pltpu.make_async_copy(dst_hbm.at[pl.ds(0, CHUNK)], dstv.at[0],
                              lsem).wait()
        pltpu.make_async_copy(eb_hbm.at[pl.ds(0, CHUNK * H)],
                              ebv.at[pl.ds(0, CHUNK * H)], lsem).wait()
        for g in range(GRP):
            dl = dstv[pn, pl.ds(g * 16, 16)]
            idx2[pn, pl.ds(g * 16, 16)] = N_PAD + (dl >> 4)
        issue_gathers(pn)

        cs1 = pltpu.async_copy(msgv, acc_sh.at[dstv.at[p]], lsem, add=True)
        cs2 = pltpu.async_copy(msge, acc_sh.at[idx2.at[p]], lsem, add=True)
        cs1.wait()
        cs2.wait()

        for g in range(GRP):
            row = g * 16 + lane
            dl = dstv[p, pl.ds(g * 16, 16)]
            colbase = (dl & 15) << 3
            for h in range(H):
                plsc.store_scatter(msge, [row, colbase + h], zero16)
        return carry

    lax.fori_loop(0, NCHUNKS, chunk_body, 0)

    wait_gathers()

    plsc.subcore_barrier()
    pltpu.sync_copy(acc_sh.at[pl.ds(sid * RPT, RPT)],
                    out_hbm.at[cid, pl.ds(sid * RPT, RPT)])


def _sc_attention(qpk, kvpk, src, dst, eb, zinit):
    mesh = plsc.VectorSubcoreMesh(core_axis_name="c", subcore_axis_name="s",
                                  num_cores=NC, num_subcores=NS)
    eb = eb.reshape(E * H)
    kern = pl.kernel(
        _sc_body,
        out_type=jax.ShapeDtypeStruct((NC, NROW, C_OUT), jnp.float32),
        mesh=mesh,
        compiler_params=pltpu.CompilerParams(needs_layout_passes=False),
        scratch_types=[
            pltpu.VMEM_SHARED((NROW, C_OUT), jnp.float32),
            pltpu.VMEM((CHUNK,), jnp.int32),
            pltpu.VMEM((2, CHUNK), jnp.int32),
            pltpu.VMEM((2, CHUNK), jnp.int32),
            pltpu.VMEM((2 * CHUNK * H,), jnp.float32),
            pltpu.VMEM((CHUNK, C_OUT), jnp.int32),
            pltpu.VMEM((CHUNK, C_OUT), jnp.int32),
            pltpu.VMEM((CHUNK, C_OUT), jnp.float32),
            pltpu.VMEM((CHUNK, C_OUT), jnp.float32),
            pltpu.SemaphoreType.DMA,
            pltpu.SemaphoreType.DMA,
        ],
    )
    return kern(qpk, kvpk, src, dst, eb, zinit)


def _combine_body(num_ref, den_ref, x_ref, wo_ref, bo_ref, g_ref, b_ref,
                  r_ref, o_ref):
    num = num_ref[0] + num_ref[1]
    den = den_ref[0] + den_ref[1]
    inv = 1.0 / (den + 1e-8)
    rep = jnp.dot(inv, r_ref[...], preferred_element_type=jnp.float32)
    o = num * rep
    y = jnp.dot(o, wo_ref[...], preferred_element_type=jnp.float32) + bo_ref[...]
    hres = y + x_ref[...]
    mu = jnp.mean(hres, axis=-1, keepdims=True)
    var = jnp.mean((hres - mu) ** 2, axis=-1, keepdims=True)
    o_ref[...] = g_ref[...] * (hres - mu) * lax.rsqrt(var + 1e-5) + b_ref[...]


def _combine(num, den, x, Wo, bo, gamma, beta):
    B = 1000
    grid = (N // B,)
    rmat = jnp.repeat(jnp.eye(H, dtype=jnp.float32), DH, axis=1)
    return pl.pallas_call(
        _combine_body,
        grid=grid,
        in_specs=[pl.BlockSpec((NC, B, C_OUT), lambda i: (0, i, 0)),
                  pl.BlockSpec((NC, B, H), lambda i: (0, i, 0)),
                  pl.BlockSpec((B, C_IN), lambda i: (i, 0)),
                  pl.BlockSpec((C_OUT, C_OUT), lambda i: (0, 0)),
                  pl.BlockSpec((1, C_OUT), lambda i: (0, 0)),
                  pl.BlockSpec((1, C_OUT), lambda i: (0, 0)),
                  pl.BlockSpec((1, C_OUT), lambda i: (0, 0)),
                  pl.BlockSpec((H, C_OUT), lambda i: (0, 0))],
        out_specs=pl.BlockSpec((B, C_OUT), lambda i: (i, 0)),
        out_shape=jax.ShapeDtypeStruct((N, C_OUT), jnp.float32),
    )(num, den, x, Wo, bo.reshape(1, C_OUT), gamma.reshape(1, C_OUT),
      beta.reshape(1, C_OUT), rmat)


def kernel(x, edge_index, edge_attr, Wq, bq, Wk, bk, Wv, bv, We, be,
           Wo, bo, gamma, beta):
    qpad, kv, eb = _project(x, edge_attr, Wq, Wk, Wv, bq, bk, bv, We, be)
    src = edge_index[0]
    dst = edge_index[1]
    zinit = jnp.zeros((NROW, C_OUT), jnp.float32)
    acc = _sc_attention(qpad, kv, src, dst, eb, zinit)
    num = acc[:, :N, :]
    den = acc[:, N_PAD:, :].reshape(NC, SROWS * 16, H)[:, :N, :]
    return _combine(num, den, x, Wo, bo, gamma, beta)

# --- scband reference (transcript-rebuilt; emitter-appended) ---
"""Pipeline reference for scband-spatial-attention-44770739094057 (READ-ONLY COPY).

The authoritative reference and input builder live on the scoring server;
editing this copy changes nothing except your own understanding.
"""

import jax, jax.numpy as jnp
import numpy as np
import math

N = 10000
E = 320000
IN_C = 128
OUT_C = 128
H = 8
DH = OUT_C // H
ED = 16


def setup_inputs(seed: int = 0) -> dict:
    key = jax.random.key(seed)
    ks = jax.random.split(key, 16)
    s = 0.05
    inp = {}
    inp["x"] = jax.random.normal(ks[0], (N, IN_C), dtype=jnp.float32)
    inp["edge_index"] = jax.random.randint(ks[1], (2, E), 0, N, dtype=jnp.int32)
    inp["edge_attr"] = jax.random.normal(ks[2], (E, ED), dtype=jnp.float32)
    inp["Wq"] = jax.random.normal(ks[3], (IN_C, OUT_C), dtype=jnp.float32) * s
    inp["bq"] = jnp.zeros((OUT_C,), dtype=jnp.float32)
    inp["Wk"] = jax.random.normal(ks[4], (IN_C, OUT_C), dtype=jnp.float32) * s
    inp["bk"] = jnp.zeros((OUT_C,), dtype=jnp.float32)
    inp["Wv"] = jax.random.normal(ks[5], (IN_C, OUT_C), dtype=jnp.float32) * s
    inp["bv"] = jnp.zeros((OUT_C,), dtype=jnp.float32)
    inp["We"] = jax.random.normal(ks[6], (ED, H), dtype=jnp.float32) * s
    inp["be"] = jnp.zeros((H,), dtype=jnp.float32)
    inp["Wo"] = jax.random.normal(ks[7], (OUT_C, OUT_C), dtype=jnp.float32) * s
    inp["bo"] = jnp.zeros((OUT_C,), dtype=jnp.float32)
    inp["gamma"] = jnp.ones((OUT_C,), dtype=jnp.float32)
    inp["beta"] = jnp.zeros((OUT_C,), dtype=jnp.float32)
    return inp


def _layer_norm(h, gamma, beta, eps=1e-5):
    mu = jnp.mean(h, axis=-1, keepdims=True)
    var = jnp.mean((h - mu) ** 2, axis=-1, keepdims=True)
    return gamma * (h - mu) / jnp.sqrt(var + eps) + beta


def reference(x, edge_index, edge_attr, Wq, bq, Wk, bk, Wv, bv, We, be, Wo, bo, gamma, beta):
    num_nodes = x.shape[0]
    residual = x
    q = (x @ Wq + bq).reshape(num_nodes, H, DH)
    k = (x @ Wk + bk).reshape(num_nodes, H, DH)
    v = (x @ Wv + bv).reshape(num_nodes, H, DH)
    src = edge_index[0]
    dst = edge_index[1]
    q_i = jnp.take(q, dst, axis=0)
    k_j = jnp.take(k, src, axis=0)
    v_j = jnp.take(v, src, axis=0)
    attn_score = (q_i * k_j).sum(axis=-1) / math.sqrt(DH)
    edge_bias = edge_attr @ We + be
    attn_score = attn_score + edge_bias
    max_per_node = jax.ops.segment_max(attn_score, dst, num_segments=num_nodes)
    attn_score_stable = attn_score - jnp.take(max_per_node, dst, axis=0)
    exp_score = jnp.exp(attn_score_stable)
    sum_per_node = jax.ops.segment_sum(exp_score, dst, num_segments=num_nodes)
    attn = exp_score / (jnp.take(sum_per_node, dst, axis=0) + 1e-8)
    msg = attn[..., None] * v_j
    out = jax.ops.segment_sum(msg, dst, num_segments=num_nodes)
    out = out.reshape(num_nodes, OUT_C)
    out = out @ Wo + bo
    out = _layer_norm(out + residual, gamma, beta)
    return out

if __name__ == "__main__":
    import jax
    _d = setup_inputs()
    print(jax.jit(kernel)(*tuple(_d.values())))

</pallas_src>

<mosaic_0001>
#map = affine_map<(d0, d1) -> (0, 0)>
#map1 = affine_map<(d0, d1) -> (0)>
#map2 = affine_map<(d0, d1) -> (0, 0, 0)>
module attributes {stable_mosaic.version = 14 : i64} {
  func.func @_sc_body(%arg0: i32, %arg1: i32, %arg2: memref<10000x128xi32, #tpu.memory_space<hbm>>, %arg3: memref<10000x128xi32, #tpu.memory_space<hbm>>, %arg4: memref<320000xi32, #tpu.memory_space<hbm>>, %arg5: memref<320000xi32, #tpu.memory_space<hbm>>, %arg6: memref<2560000xf32, #tpu.memory_space<hbm>>, %arg7: memref<10752x128xf32, #tpu.memory_space<hbm>>, %arg8: memref<2x10752x128xf32, #tpu.memory_space<hbm>>, %arg9: memref<10752x128xf32, #tpu.memory_space<vmem_shared>>, %arg10: memref<80xi32, #tpu.memory_space<vmem>>, %arg11: memref<2x80xi32, #tpu.memory_space<vmem>>, %arg12: memref<2x80xi32, #tpu.memory_space<vmem>>, %arg13: memref<1280xf32, #tpu.memory_space<vmem>>, %arg14: memref<80x128xi32, #tpu.memory_space<vmem>>, %arg15: memref<80x128xi32, #tpu.memory_space<vmem>>, %arg16: memref<80x128xf32, #tpu.memory_space<vmem>>, %arg17: memref<80x128xf32, #tpu.memory_space<vmem>>, %arg18: memref<!tpu.dma_semaphore, #tpu.memory_space<semaphore_mem>>, %arg19: memref<!tpu.dma_semaphore, #tpu.memory_space<semaphore_mem>>) attributes {dimension_semantics = [#tpu.dimension_semantics<core_parallel>, #tpu.dimension_semantics<subcore_parallel>], iteration_bounds = array<i64: 2, 16>, scalar_prefetch = 0 : i64, scratch_operands = 11 : i64, tpu.core_type = #tpu.core_type<sc_vector_subcore>, window_params = [{transform_indices = #map}, {transform_indices = #map}, {transform_indices = #map1}, {transform_indices = #map1}, {transform_indices = #map1}, {transform_indices = #map}, {transform_indices = #map2}]} {
    %mul3A = arith.constant 16 : i32
    %mul3A_0 = arith.muli %arg0, %mul3A : i32
    %add3A = arith.addi %mul3A_0, %arg1 : i32
    %mul3A_1 = arith.constant 672 : i32
    %mul3A_2 = arith.muli %arg1, %mul3A_1 : i32
    %mul3A_3 = arith.constant 672 : i32
    %mul3A_4 = arith.muli %arg1, %mul3A_3 : i32
    "tpu.region"() ({
      %run_scoped3A = tpu.sem_alloc : memref<!tpu.dma_semaphore, #tpu.memory_space<semaphore_mem>>
      %dma_start3A_141 = arith.constant 0 : i32
      %dma_start3A_142 = tpu.memref_slice %arg9[%mul3A_4, %dma_start3A_141] : memref<10752x128xf32, #tpu.memory_space<vmem_shared>> -> memref<672x128xf32, #tpu.memory_space<vmem_shared>>
      %dma_start3A_143 = arith.constant 0 : i32
      %dma_start3A_144 = tpu.memref_slice %arg7[%mul3A_2, %dma_start3A_143] : memref<10752x128xf32, #tpu.memory_space<hbm>> -> memref<672x128xf32, #tpu.memory_space<hbm>>
      tpu.enqueue_dma source(%dma_start3A_144 : memref<672x128xf32, #tpu.memory_space<hbm>>) target(%dma_start3A_142 : memref<672x128xf32, #tpu.memory_space<vmem_shared>>) target_semaphore(%run_scoped3A : memref<!tpu.dma_semaphore, #tpu.memory_space<semaphore_mem>>)
      %dma_wait3A_145 = arith.constant 0 : i32
      %dma_wait3A_146 = tpu.memref_slice %arg9[%mul3A_4, %dma_wait3A_145] : memref<10752x128xf32, #tpu.memory_space<vmem_shared>> -> memref<672x128xf32, #tpu.memory_space<vmem_shared>>
      %dma_wait3A_147 = arith.constant 0 : i32
      %dma_wait3A_148 = tpu.memref_slice %arg7[%mul3A_2, %dma_wait3A_147] : memref<10752x128xf32, #tpu.memory_space<hbm>> -> memref<672x128xf32, #tpu.memory_space<hbm>>
      tpu.wait_dma2 semaphore(%run_scoped3A : memref<!tpu.dma_semaphore, #tpu.memory_space<semaphore_mem>>) src(%dma_wait3A_148 : memref<672x128xf32, #tpu.memory_space<hbm>>) dst(%dma_wait3A_146 : memref<672x128xf32, #tpu.memory_space<vmem_shared>>)
      tpu.yield
    }) : () -> ()
    "tpu.region"() ({
      %run_scoped3A = tpu.sem_alloc : memref<!tpu.dma_semaphore, #tpu.memory_space<semaphore_mem>>
      %dma_start3A_141 = arith.constant 0 : i32
      %dma_start3A_142 = arith.constant 0 : i32
      %dma_start3A_143 = tpu.memref_slice %arg7[%dma_start3A_141, %dma_start3A_142] : memref<10752x128xf32, #tpu.memory_space<hbm>> -> memref<80x128xf32, #tpu.memory_space<hbm>>
      %dma_start3A_144 = arith.constant 0 : i32
      %dma_start3A_145 = arith.constant 0 : i32
      %dma_start3A_146 = tpu.memref_slice %arg7[%dma_start3A_144, %dma_start3A_145] : memref<10752x128xf32, #tpu.memory_space<hbm>> -> memref<80x128xf32, #tpu.memory_space<hbm>>
      tpu.enqueue_dma source(%dma_start3A_146 : memref<80x128xf32, #tpu.memory_space<hbm>>) target(%arg17 : memref<80x128xf32, #tpu.memory_space<vmem>>) target_semaphore(%run_scoped3A : memref<!tpu.dma_semaphore, #tpu.memory_space<semaphore_mem>>)
      %dma_wait3A_147 = arith.constant 0 : i32
      %dma_wait3A_148 = arith.constant 0 : i32
      %dma_wait3A_149 = tpu.memref_slice %arg7[%dma_wait3A_147, %dma_wait3A_148] : memref<10752x128xf32, #tpu.memory_space<hbm>> -> memref<80x128xf32, #tpu.memory_space<hbm>>
      %dma_wait3A_150 = arith.constant 0 : i32
      %dma_wait3A_151 = arith.constant 0 : i32
      %dma_wait3A_152 = tpu.memref_slice %arg7[%dma_wait3A_150, %dma_wait3A_151] : memref<10752x128xf32, #tpu.memory_space<hbm>> -> memref<80x128xf32, #tpu.memory_space<hbm>>
      tpu.wait_dma2 semaphore(%run_scoped3A : memref<!tpu.dma_semaphore, #tpu.memory_space<semaphore_mem>>) src(%dma_wait3A_152 : memref<80x128xf32, #tpu.memory_space<hbm>>) dst(%arg17 : memref<80x128xf32, #tpu.memory_space<vmem>>)
      tpu.yield
    }) : () -> ()
    %barrier3A = arith.constant 0 : index
    tpu.barrier barrier_id(%barrier3A)
    %iota3A = tpu.iota {dimensions = array<i32: 0>} : vector<16xi32>
    %broadcast_in_dim3A = arith.constant 0.000000e+00 : f32
    %broadcast_in_dim3A_5 = vector.broadcast %broadcast_in_dim3A : f32 to vector<16xf32>
    %mul3A_6 = arith.constant 10000 : i32
    %mul3A_7 = arith.muli %add3A, %mul3A_6 : i32
    %add3A_8 = arith.constant 0 : i32
    %add3A_9 = arith.addi %mul3A_7, %add3A_8 : i32
    %dma_start3A = tpu.memref_slice %arg4[%add3A_9] : memref<320000xi32, #tpu.memory_space<hbm>> -> memref<80xi32, #tpu.memory_space<hbm>>
    %dma_start3A_10 = tpu.memref_slice %arg4[%add3A_9] : memref<320000xi32, #tpu.memory_space<hbm>> -> memref<80xi32, #tpu.memory_space<hbm>>
    tpu.enqueue_dma source(%dma_start3A_10 : memref<80xi32, #tpu.memory_space<hbm>>) target(%arg10 : memref<80xi32, #tpu.memory_space<vmem>>) target_semaphore(%arg19 : memref<!tpu.dma_semaphore, #tpu.memory_space<semaphore_mem>>)
    %dma_start3A_11 = arith.constant 0 : i32
    %dma_start3A_12 = arith.constant 0 : i32
    %dma_start3A_13 = tpu.memref_slice %arg11[%dma_start3A_11, %dma_start3A_12] : memref<2x80xi32, #tpu.memory_space<vmem>> -> memref<1x80xi32, #tpu.memory_space<vmem>>
    %dma_start3A_14 = tpu.memref_squeeze %dma_start3A_13 : memref<1x80xi32, #tpu.memory_space<vmem>> -> memref<80xi32, #tpu.memory_space<vmem>>
    %dma_start3A_15 = tpu.memref_slice %arg5[%add3A_9] : memref<320000xi32, #tpu.memory_space<hbm>> -> memref<80xi32, #tpu.memory_space<hbm>>
    %dma_start3A_16 = arith.constant 0 : i32
    %dma_start3A_17 = tpu.memref_slice %arg11[%dma_start3A_11, %dma_start3A_16] : memref<2x80xi32, #tpu.memory_space<vmem>> -> memref<1x80xi32, #tpu.memory_space<vmem>>
    %dma_start3A_18 = tpu.memref_squeeze %dma_start3A_17 : memref<1x80xi32, #tpu.memory_space<vmem>> -> memref<80xi32, #tpu.memory_space<vmem>>
    %dma_start3A_19 = tpu.memref_slice %arg5[%add3A_9] : memref<320000xi32, #tpu.memory_space<hbm>> -> memref<80xi32, #tpu.memory_space<hbm>>
    tpu.enqueue_dma source(%dma_start3A_19 : memref<80xi32, #tpu.memory_space<hbm>>) target(%dma_start3A_18 : memref<80xi32, #tpu.memory_space<vmem>>) target_semaphore(%arg19 : memref<!tpu.dma_semaphore, #tpu.memory_space<semaphore_mem>>)
    %mul3A_20 = arith.constant 8 : i32
    %mul3A_21 = arith.muli %add3A_9, %mul3A_20 : i32
    %dma_start3A_22 = arith.constant 0 : i32
    %dma_start3A_23 = tpu.memref_slice %arg13[%dma_start3A_22] : memref<1280xf32, #tpu.memory_space<vmem>> -> memref<640xf32, #tpu.memory_space<vmem>>
    %dma_start3A_24 = tpu.memref_slice %arg6[%mul3A_21] : memref<2560000xf32, #tpu.memory_space<hbm>> -> memref<640xf32, #tpu.memory_space<hbm>>
    %dma_start3A_25 = arith.constant 0 : i32
    %dma_start3A_26 = tpu.memref_slice %arg13[%dma_start3A_25] : memref<1280xf32, #tpu.memory_space<vmem>> -> memref<640xf32, #tpu.memory_space<vmem>>
    %dma_start3A_27 = tpu.memref_slice %arg6[%mul3A_21] : memref<2560000xf32, #tpu.memory_space<hbm>> -> memref<640xf32, #tpu.memory_space<hbm>>
    tpu.enqueue_dma source(%dma_start3A_27 : memref<640xf32, #tpu.memory_space<hbm>>) target(%dma_start3A_26 : memref<640xf32, #tpu.memory_space<vmem>>) target_semaphore(%arg19 : memref<!tpu.dma_semaphore, #tpu.memory_space<semaphore_mem>>)
    %dma_wait3A = tpu.memref_slice %arg4[%add3A_9] : memref<320000xi32, #tpu.memory_space<hbm>> -> memref<80xi32, #tpu.memory_space<hbm>>
    %dma_wait3A_28 = tpu.memref_slice %arg4[%add3A_9] : memref<320000xi32, #tpu.memory_space<hbm>> -> memref<80xi32, #tpu.memory_space<hbm>>
    tpu.wait_dma2 semaphore(%arg19 : memref<!tpu.dma_semaphore, #tpu.memory_space<semaphore_mem>>) src(%dma_wait3A_28 : memref<80xi32, #tpu.memory_space<hbm>>) dst(%arg10 : memref<80xi32, #tpu.memory_space<vmem>>)
    %dma_wait3A_29 = arith.constant 0 : i32
    %dma_wait3A_30 = arith.constant 0 : i32
    %dma_wait3A_31 = tpu.memref_slice %arg11[%dma_wait3A_29, %dma_wait3A_30] : memref<2x80xi32, #tpu.memory_space<vmem>> -> memref<1x80xi32, #tpu.memory_space<vmem>>
    %dma_wait3A_32 = tpu.memref_squeeze %dma_wait3A_31 : memref<1x80xi32, #tpu.memory_space<vmem>> -> memref<80xi32, #tpu.memory_space<vmem>>
    %dma_wait3A_33 = tpu.memref_slice %arg5[%add3A_9] : memref<320000xi32, #tpu.memory_space<hbm>> -> memref<80xi32, #tpu.memory_space<hbm>>
    %dma_wait3A_34 = arith.constant 0 : i32
    %dma_wait3A_35 = tpu.memref_slice %arg11[%dma_wait3A_29, %dma_wait3A_34] : memref<2x80xi32, #tpu.memory_space<vmem>> -> memref<1x80xi32, #tpu.memory_space<vmem>>
    %dma_wait3A_36 = tpu.memref_squeeze %dma_wait3A_35 : memref<1x80xi32, #tpu.memory_space<vmem>> -> memref<80xi32, #tpu.memory_space<vmem>>
    %dma_wait3A_37 = tpu.memref_slice %arg5[%add3A_9] : memref<320000xi32, #tpu.memory_space<hbm>> -> memref<80xi32, #tpu.memory_space<hbm>>
    tpu.wait_dma2 semaphore(%arg19 : memref<!tpu.dma_semaphore, #tpu.memory_space<semaphore_mem>>) src(%dma_wait3A_37 : memref<80xi32, #tpu.memory_space<hbm>>) dst(%dma_wait3A_36 : memref<80xi32, #tpu.memory_space<vmem>>)
    %dma_wait3A_38 = arith.constant 0 : i32
    %dma_wait3A_39 = tpu.memref_slice %arg13[%dma_wait3A_38] : memref<1280xf32, #tpu.memory_space<vmem>> -> memref<640xf32, #tpu.memory_space<vmem>>
    %dma_wait3A_40 = tpu.memref_slice %arg6[%mul3A_21] : memref<2560000xf32, #tpu.memory_space<hbm>> -> memref<640xf32, #tpu.memory_space<hbm>>
    %dma_wait3A_41 = arith.constant 0 : i32
    %dma_wait3A_42 = tpu.memref_slice %arg13[%dma_wait3A_41] : memref<1280xf32, #tpu.memory_space<vmem>> -> memref<640xf32, #tpu.memory_space<vmem>>
    %dma_wait3A_43 = tpu.memref_slice %arg6[%mul3A_21] : memref<2560000xf32, #tpu.memory_space<hbm>> -> memref<640xf32, #tpu.memory_space<hbm>>
    tpu.wait_dma2 semaphore(%arg19 : memref<!tpu.dma_semaphore, #tpu.memory_space<semaphore_mem>>) src(%dma_wait3A_43 : memref<640xf32, #tpu.memory_space<hbm>>) dst(%dma_wait3A_42 : memref<640xf32, #tpu.memory_space<vmem>>)
    %get3A = arith.constant 0 : i32
    %get3A_44 = arith.index_cast %get3A : i32 to index
    %get3A_45 = arith.constant 0 : index
    %get3A_46 = tpu.vector_load %arg11[%get3A_44, %get3A_45] {strides = array<i32>} : memref<2x80xi32, #tpu.memory_space<vmem>>, vector<16xi32>,
    %shift_right_arithmetic3A = arith.constant 4 : i32
    %shift_right_arithmetic3A_47 = vector.broadcast %shift_right_arithmetic3A : i32 to vector<16xi32>
    %shift_right_arithmetic3A_48 = arith.shrsi %get3A_46, %shift_right_arithmetic3A_47 : vector<16xi32>
    %add3A_49 = arith.constant 10112 : i32
    %add3A_50 = vector.broadcast %add3A_49 : i32 to vector<16xi32>
    %add3A_51 = arith.addi %add3A_50, %shift_right_arithmetic3A_48 : vector<16xi32>
    %swap3A = arith.constant 0 : i32
    %swap3A_52 = arith.index_cast %swap3A : i32 to index
    %swap3A_53 = arith.constant 0 : index
    %swap3A_54 = tpu.vector_load %arg12[%swap3A_52, %swap3A_53] {strides = array<i32>} : memref<2x80xi32, #tpu.memory_space<vmem>>, vector<16xi32>,
    tpu.vector_store %arg12[%swap3A_52, %swap3A_53], %add3A_51 {strides = array<i32>} : memref<2x80xi32, #tpu.memory_space<vmem>>, vector<16xi32>,
    %get3A_55 = arith.constant 0 : i32
    %get3A_56 = arith.index_cast %get3A_55 : i32 to index
    %get3A_57 = arith.constant 16 : index
    %get3A_58 = tpu.vector_load %arg11[%get3A_56, %get3A_57] {strides = array<i32>} : memref<2x80xi32, #tpu.memory_space<vmem>>, vector<16xi32>,
    %shift_right_arithmetic3A_59 = arith.constant 4 : i32
    %shift_right_arithmetic3A_60 = vector.broadcast %shift_right_arithmetic3A_59 : i32 to vector<16xi32>
    %shift_right_arithmetic3A_61 = arith.shrsi %get3A_58, %shift_right_arithmetic3A_60 : vector<16xi32>
    %add3A_62 = arith.constant 10112 : i32
    %add3A_63 = vector.broadcast %add3A_62 : i32 to vector<16xi32>
    %add3A_64 = arith.addi %add3A_63, %shift_right_arithmetic3A_61 : vector<16xi32>
    %swap3A_65 = arith.constant 0 : i32
    %swap3A_66 = arith.index_cast %swap3A_65 : i32 to index
    %swap3A_67 = arith.constant 16 : index
    %swap3A_68 = tpu.vector_load %arg12[%swap3A_66, %swap3A_67] {strides = array<i32>} : memref<2x80xi32, #tpu.memory_space<vmem>>, vector<16xi32>,
    tpu.vector_store %arg12[%swap3A_66, %swap3A_67], %add3A_64 {strides = array<i32>} : memref<2x80xi32, #tpu.memory_space<vmem>>, vector<16xi32>,
    %get3A_69 = arith.constant 0 : i32
    %get3A_70 = arith.index_cast %get3A_69 : i32 to index
    %get3A_71 = arith.constant 32 : index
    %get3A_72 = tpu.vector_load %arg11[%get3A_70, %get3A_71] {strides = array<i32>} : memref<2x80xi32, #tpu.memory_space<vmem>>, vector<16xi32>,
    %shift_right_arithmetic3A_73 = arith.constant 4 : i32
    %shift_right_arithmetic3A_74 = vector.broadcast %shift_right_arithmetic3A_73 : i32 to vector<16xi32>
    %shift_right_arithmetic3A_75 = arith.shrsi %get3A_72, %shift_right_arithmetic3A_74 : vector<16xi32>
    %add3A_76 = arith.constant 10112 : i32
    %add3A_77 = vector.broadcast %add3A_76 : i32 to vector<16xi32>
    %add3A_78 = arith.addi %add3A_77, %shift_right_arithmetic3A_75 : vector<16xi32>
    %swap3A_79 = arith.constant 0 : i32
    %swap3A_80 = arith.index_cast %swap3A_79 : i32 to index
    %swap3A_81 = arith.constant 32 : index
    %swap3A_82 = tpu.vector_load %arg12[%swap3A_80, %swap3A_81] {strides = array<i32>} : memref<2x80xi32, #tpu.memory_space<vmem>>, vector<16xi32>,
    tpu.vector_store %arg12[%swap3A_80, %swap3A_81], %add3A_78 {strides = array<i32>} : memref<2x80xi32, #tpu.memory_space<vmem>>, vector<16xi32>,
    %get3A_83 = arith.constant 0 : i32
    %get3A_84 = arith.index_cast %get3A_83 : i32 to index
    %get3A_85 = arith.constant 48 : index
    %get3A_86 = tpu.vector_load %arg11[%get3A_84, %get3A_85] {strides = array<i32>} : memref<2x80xi32, #tpu.memory_space<vmem>>, vector<16xi32>,
    %shift_right_arithmetic3A_87 = arith.constant 4 : i32
    %shift_right_arithmetic3A_88 = vector.broadcast %shift_right_arithmetic3A_87 : i32 to vector<16xi32>
    %shift_right_arithmetic3A_89 = arith.shrsi %get3A_86, %shift_right_arithmetic3A_88 : vector<16xi32>
    %add3A_90 = arith.constant 10112 : i32
    %add3A_91 = vector.broadcast %add3A_90 : i32 to vector<16xi32>
    %add3A_92 = arith.addi %add3A_91, %shift_right_arithmetic3A_89 : vector<16xi32>
    %swap3A_93 = arith.constant 0 : i32
    %swap3A_94 = arith.index_cast %swap3A_93 : i32 to index
    %swap3A_95 = arith.constant 48 : index
    %swap3A_96 = tpu.vector_load %arg12[%swap3A_94, %swap3A_95] {strides = array<i32>} : memref<2x80xi32, #tpu.memory_space<vmem>>, vector<16xi32>,
    tpu.vector_store %arg12[%swap3A_94, %swap3A_95], %add3A_92 {strides = array<i32>} : memref<2x80xi32, #tpu.memory_space<vmem>>, vector<16xi32>,
    %get3A_97 = arith.constant 0 : i32
    %get3A_98 = arith.index_cast %get3A_97 : i32 to index
    %get3A_99 = arith.constant 64 : index
    %get3A_100 = tpu.vector_load %arg11[%get3A_98, %get3A_99] {strides = array<i32>} : memref<2x80xi32, #tpu.memory_space<vmem>>, vector<16xi32>,
    %shift_right_arithmetic3A_101 = arith.constant 4 : i32
    %shift_right_arithmetic3A_102 = vector.broadcast %shift_right_arithmetic3A_101 : i32 to vector<16xi32>
    %shift_right_arithmetic3A_103 = arith.shrsi %get3A_100, %shift_right_arithmetic3A_102 : vector<16xi32>
    %add3A_104 = arith.constant 10112 : i32
    %add3A_105 = vector.broadcast %add3A_104 : i32 to vector<16xi32>
    %add3A_106 = arith.addi %add3A_105, %shift_right_arithmetic3A_103 : vector<16xi32>
    %swap3A_107 = arith.constant 0 : i32
    %swap3A_108 = arith.index_cast %swap3A_107 : i32 to index
    %swap3A_109 = arith.constant 64 : index
    %swap3A_110 = tpu.vector_load %arg12[%swap3A_108, %swap3A_109] {strides = array<i32>} : memref<2x80xi32, #tpu.memory_space<vmem>>, vector<16xi32>,
    tpu.vector_store %arg12[%swap3A_108, %swap3A_109], %add3A_106 {strides = array<i32>} : memref<2x80xi32, #tpu.memory_space<vmem>>, vector<16xi32>,
    %dma_start3A_111 = arith.constant 0 : i32
    %dma_start3A_112 = arith.constant 0 : i32
    %dma_start3A_113 = tpu.memref_slice %arg11[%dma_start3A_111, %dma_start3A_112] : memref<2x80xi32, #tpu.memory_space<vmem>> -> memref<1x80xi32, #tpu.memory_space<vmem>>
    %dma_start3A_114 = tpu.memref_squeeze %dma_start3A_113 : memref<1x80xi32, #tpu.memory_space<vmem>> -> memref<80xi32, #tpu.memory_space<vmem>>
    %dma_start3A_115 = arith.constant 0 : i32
    %dma_start3A_116 = arith.constant 0 : i32
    %dma_start3A_117 = tpu.memref_slice %arg2[%dma_start3A_115, %dma_start3A_116] : memref<10000x128xi32, #tpu.memory_space<hbm>> -> memref<10000x128xi32, #tpu.memory_space<hbm>>
    tpu.enqueue_indirect_dma source(%dma_start3A_117 : memref<10000x128xi32, #tpu.memory_space<hbm>>) target(%arg14 : memref<80x128xi32, #tpu.memory_space<vmem>>) offsets(%dma_start3A_114 : memref<80xi32, #tpu.memory_space<vmem>>) semaphore(%arg18 : memref<!tpu.dma_semaphore, #tpu.memory_space<semaphore_mem>>)
    %dma_start3A_118 = arith.constant 0 : i32
    %dma_start3A_119 = arith.constant 0 : i32
    %dma_start3A_120 = tpu.memref_slice %arg3[%dma_start3A_118, %dma_start3A_119] : memref<10000x128xi32, #tpu.memory_space<hbm>> -> memref<10000x128xi32, #tpu.memory_space<hbm>>
    tpu.enqueue_indirect_dma source(%dma_start3A_120 : memref<10000x128xi32, #tpu.memory_space<hbm>>) target(%arg15 : memref<80x128xi32, #tpu.memory_space<vmem>>) offsets(%arg10 : memref<80xi32, #tpu.memory_space<vmem>>) semaphore(%arg18 : memref<!tpu.dma_semaphore, #tpu.memory_space<semaphore_mem>>)
    %scan3A = arith.constant 0 : i32
    %scan3A_121 = arith.constant 0 : i32
    %scan3A_122 = arith.constant 125 : i32
    %scan3A_123 = arith.addi %scan3A_121, %scan3A_122 : i32
    %scan3A_124 = arith.constant 1 : i32
    scf.for %scan3A_141 = %scan3A_121 to %scan3A_123 step %scan3A_124  : i32 {
      %and3A = arith.constant 1 : i32
      %and3A_142 = arith.andi %scan3A_141, %and3A : i32
      %sub3A = arith.constant 1 : i32
      %sub3A_143 = arith.subi %sub3A, %and3A_142 : i32
      %add3A_144 = arith.constant 1 : i32
      %add3A_145 = arith.addi %scan3A_141, %add3A_144 : i32
      %min3A = arith.constant 124 : i32
      %min3A_146 = arith.minsi %add3A_145, %min3A : i32
      %dma_wait3A_147 = arith.constant 0 : i32
      %dma_wait3A_148 = arith.constant 0 : i32
      %dma_wait3A_149 = tpu.memref_slice %arg11[%dma_wait3A_147, %dma_wait3A_148] : memref<2x80xi32, #tpu.memory_space<vmem>> -> memref<1x80xi32, #tpu.memory_space<vmem>>
      %dma_wait3A_150 = tpu.memref_squeeze %dma_wait3A_149 : memref<1x80xi32, #tpu.memory_space<vmem>> -> memref<80xi32, #tpu.memory_space<vmem>>
      %dma_wait3A_151 = arith.constant 0 : i32
      %dma_wait3A_152 = arith.constant 0 : i32
      %dma_wait3A_153 = tpu.memref_slice %arg2[%dma_wait3A_151, %dma_wait3A_152] : memref<10000x128xi32, #tpu.memory_space<hbm>> -> memref<10000x128xi32, #tpu.memory_space<hbm>>
      tpu.wait_indirect_dma semaphore(%arg18 : memref<!tpu.dma_semaphore, #tpu.memory_space<semaphore_mem>>) src(%dma_wait3A_153 : memref<10000x128xi32, #tpu.memory_space<hbm>>) dst(%arg14 : memref<80x128xi32, #tpu.memory_space<vmem>>)
      %dma_wait3A_154 = arith.constant 0 : i32
      %dma_wait3A_155 = arith.constant 0 : i32
      %dma_wait3A_156 = tpu.memref_slice %arg3[%dma_wait3A_154, %dma_wait3A_155] : memref<10000x128xi32, #tpu.memory_space<hbm>> -> memref<10000x128xi32, #tpu.memory_space<hbm>>
      tpu.wait_indirect_dma semaphore(%arg18 : memref<!tpu.dma_semaphore, #tpu.memory_space<semaphore_mem>>) src(%dma_wait3A_156 : memref<10000x128xi32, #tpu.memory_space<hbm>>) dst(%arg15 : memref<80x128xi32, #tpu.memory_space<vmem>>)
      %mul3A_157 = arith.constant 10000 : i32
      %mul3A_158 = arith.muli %add3A, %mul3A_157 : i32
      %mul3A_159 = arith.constant 80 : i32
      %mul3A_160 = arith.muli %min3A_146, %mul3A_159 : i32
      %add3A_161 = arith.addi %mul3A_158, %mul3A_160 : i32
      %dma_start3A_162 = tpu.memref_slice %arg4[%add3A_161] : memref<320000xi32, #tpu.memory_space<hbm>> -> memref<80xi32, #tpu.memory_space<hbm>>
      %dma_start3A_163 = tpu.memref_slice %arg4[%add3A_161] : memref<320000xi32, #tpu.memory_space<hbm>> -> memref<80xi32, #tpu.memory_space<hbm>>
      tpu.enqueue_dma source(%dma_start3A_163 : memref<80xi32, #tpu.memory_space<hbm>>) target(%arg10 : memref<80xi32, #tpu.memory_space<vmem>>) target_semaphore(%arg19 : memref<!tpu.dma_semaphore, #tpu.memory_space<semaphore_mem>>)
      %dma_start3A_164 = arith.constant 0 : i32
      %dma_start3A_165 = tpu.memref_slice %arg11[%sub3A_143, %dma_start3A_164] : memref<2x80xi32, #tpu.memory_space<vmem>> -> memref<1x80xi32, #tpu.memory_space<vmem>>
      %dma_start3A_166 = tpu.memref_squeeze %dma_start3A_165 : memref<1x80xi32, #tpu.memory_space<vmem>> -> memref<80xi32, #tpu.memory_space<vmem>>
      %dma_start3A_167 = tpu.memref_slice %arg5[%add3A_161] : memref<320000xi32, #tpu.memory_space<hbm>> -> memref<80xi32, #tpu.memory_space<hbm>>
      %dma_start3A_168 = arith.constant 0 : i32
      %dma_start3A_169 = tpu.memref_slice %arg11[%sub3A_143, %dma_start3A_168] : memref<2x80xi32, #tpu.memory_space<vmem>> -> memref<1x80xi32, #tpu.memory_space<vmem>>
      %dma_start3A_170 = tpu.memref_squeeze %dma_start3A_169 : memref<1x80xi32, #tpu.memory_space<vmem>> -> memref<80xi32, #tpu.memory_space<vmem>>
      %dma_start3A_171 = tpu.memref_slice %arg5[%add3A_161] : memref<320000xi32, #tpu.memory_space<hbm>> -> memref<80xi32, #tpu.memory_space<hbm>>
      tpu.enqueue_dma source(%dma_start3A_171 : memref<80xi32, #tpu.memory_space<hbm>>) target(%dma_start3A_170 : memref<80xi32, #tpu.memory_space<vmem>>) target_semaphore(%arg19 : memref<!tpu.dma_semaphore, #tpu.memory_space<semaphore_mem>>)
      %mul3A_172 = arith.constant 8 : i32
      %mul3A_173 = arith.muli %add3A_161, %mul3A_172 : i32
      %mul3A_174 = arith.constant 80 : i32
      %mul3A_175 = arith.muli %sub3A_143, %mul3A_174 : i32
      %mul3A_176 = arith.constant 8 : i32
      %mul3A_177 = arith.muli %mul3A_175, %mul3A_176 : i32
      %dma_start3A_178 = tpu.memref_slice %arg13[%mul3A_177] : memref<1280xf32, #tpu.memory_space<vmem>> -> memref<640xf32, #tpu.memory_space<vmem>>
      %dma_start3A_179 = tpu.memref_slice %arg6[%mul3A_173] : memref<2560000xf32, #tpu.memory_space<hbm>> -> memref<640xf32, #tpu.memory_space<hbm>>
      %dma_start3A_180 = tpu.memref_slice %arg13[%mul3A_177] : memref<1280xf32, #tpu.memory_space<vmem>> -> memref<640xf32, #tpu.memory_space<vmem>>
      %dma_start3A_181 = tpu.memref_slice %arg6[%mul3A_173] : memref<2560000xf32, #tpu.memory_space<hbm>> -> memref<640xf32, #tpu.memory_space<hbm>>
      tpu.enqueue_dma source(%dma_start3A_181 : memref<640xf32, #tpu.memory_space<hbm>>) target(%dma_start3A_180 : memref<640xf32, #tpu.memory_space<vmem>>) target_semaphore(%arg19 : memref<!tpu.dma_semaphore, #tpu.memory_space<semaphore_mem>>)
      %scan3A_182 = arith.constant 0 : i32
      %scan3A_183 = arith.constant 0 : i32
      %scan3A_184 = arith.constant 5 : i32
      %scan3A_185 = arith.addi %scan3A_183, %scan3A_184 : i32
      %scan3A_186 = arith.constant 1 : i32
      scf.for %scan3A_483 = %scan3A_183 to %scan3A_185 step %scan3A_186  : i32 {
        %mul3A_484 = arith.constant 16 : i32
        %mul3A_485 = arith.muli %scan3A_483, %mul3A_484 : i32
        %add3A_486 = vector.broadcast %mul3A_485 : i32 to vector<16xi32>
        %add3A_487 = arith.addi %add3A_486, %iota3A : vector<16xi32>
        %mul3A_488 = arith.constant 16 : i32
        %mul3A_489 = arith.muli %scan3A_483, %mul3A_488 : i32
        %get3A_490 = arith.index_cast %and3A_142 : i32 to index
        %get3A_491 = arith.index_cast %mul3A_489 : i32 to index
        %get3A_492 = tpu.vector_load %arg11[%get3A_490, %get3A_491] {strides = array<i32>} : memref<2x80xi32, #tpu.memory_space<vmem>>, vector<16xi32>,
        %and3A_493 = arith.constant 15 : i32
        %and3A_494 = vector.broadcast %and3A_493 : i32 to vector<16xi32>
        %and3A_495 = arith.andi %get3A_492, %and3A_494 : vector<16xi32>
        %shift_left3A_496 = arith.constant 3 : i32
        %shift_left3A_497 = vector.broadcast %shift_left3A_496 : i32 to vector<16xi32>
        %shift_left3A_498 = arith.shli %and3A_495, %shift_left3A_497 : vector<16xi32>
        %scan3A_499 = arith.constant 0 : i32
        %scan3A_500 = arith.constant 0 : i32
        %scan3A_501 = arith.constant 4 : i32
        %scan3A_502 = arith.addi %scan3A_500, %scan3A_501 : i32
        %scan3A_503 = arith.constant 1 : i32
        scf.for %scan3A_505 = %scan3A_500 to %scan3A_502 step %scan3A_503  : i32 {
          %broadcast_in_dim3A_506 = arith.constant 0.000000e+00 : f32
          %broadcast_in_dim3A_507 = vector.broadcast %broadcast_in_dim3A_506 : f32 to vector<16xf32>
          %broadcast_in_dim3A_508 = arith.constant 0.000000e+00 : f32
          %broadcast_in_dim3A_509 = vector.broadcast %broadcast_in_dim3A_508 : f32 to vector<16xf32>
          %add3A_510 = arith.constant 0 : i32
          %add3A_511 = vector.broadcast %add3A_510 : i32 to vector<16xi32>
          %add3A_512 = arith.addi %iota3A, %add3A_511 : vector<16xi32>
          %and3A_513 = arith.constant 15 : i32
          %and3A_514 = vector.broadcast %and3A_513 : i32 to vector<16xi32>
          %and3A_515 = arith.andi %add3A_512, %and3A_514 : vector<16xi32>
          %shift_left3A_516 = arith.constant 4 : i32
          %shift_left3A_517 = arith.shli %scan3A_505, %shift_left3A_516 : i32
          %or3A = vector.broadcast %shift_left3A_517 : i32 to vector<16xi32>
          %or3A_518 = arith.ori %and3A_515, %or3A : vector<16xi32>
          %gather3A = tpu.vector_load_idx %arg14[%add3A_487, %or3A_518] : memref<80x128xi32, #tpu.memory_space<vmem>>[vector<16xi32>, vector<16xi32>], vector<16xi32>,
          %gather3A_519 = tpu.vector_load_idx %arg15[%add3A_487, %or3A_518] : memref<80x128xi32, #tpu.memory_space<vmem>>[vector<16xi32>, vector<16xi32>], vector<16xi32>,
          %shift_left3A_520 = arith.constant 16 : i32
          %shift_left3A_521 = vector.broadcast %shift_left3A_520 : i32 to vector<16xi32>
          %shift_left3A_522 = arith.shli %gather3A, %shift_left3A_521 : vector<16xi32>
          %bitcast3A = vector.bitcast %shift_left3A_522 : vector<16xi32> to vector<16xf32>
          %shift_left3A_523 = arith.constant 16 : i32
          %shift_left3A_524 = vector.broadcast %shift_left3A_523 : i32 to vector<16xi32>
          %shift_left3A_525 = arith.shli %gather3A_519, %shift_left3A_524 : vector<16xi32>
          %bitcast3A_526 = vector.bitcast %shift_left3A_525 : vector<16xi32> to vector<16xf32>
          %mul3A_527 = arith.mulf %bitcast3A, %bitcast3A_526 : vector<16xf32>
          %add3A_528 = arith.addf %broadcast_in_dim3A_507, %mul3A_527 : vector<16xf32>
          %and3A_529 = arith.constant -65536 : i32
          %and3A_530 = vector.broadcast %and3A_529 : i32 to vector<16xi32>
          %and3A_531 = arith.andi %gather3A, %and3A_530 : vector<16xi32>
          %bitcast3A_532 = vector.bitcast %and3A_531 : vector<16xi32> to vector<16xf32>
          %and3A_533 = arith.constant -65536 : i32
          %and3A_534 = vector.broadcast %and3A_533 : i32 to vector<16xi32>
          %and3A_535 = arith.andi %gather3A_519, %and3A_534 : vector<16xi32>
          %bitcast3A_536 = vector.bitcast %and3A_535 : vector<16xi32> to vector<16xf32>
          %mul3A_537 = arith.mulf %bitcast3A_532, %bitcast3A_536 : vector<16xf32>
          %add3A_538 = arith.addf %broadcast_in_dim3A_509, %mul3A_537 : vector<16xf32>
          %add3A_539 = arith.constant 1 : i32
          %add3A_540 = vector.broadcast %add3A_539 : i32 to vector<16xi32>
          %add3A_541 = arith.addi %iota3A, %add3A_540 : vector<16xi32>
          %and3A_542 = arith.constant 15 : i32
          %and3A_543 = vector.broadcast %and3A_542 : i32 to vector<16xi32>
          %and3A_544 = arith.andi %add3A_541, %and3A_543 : vector<16xi32>
          %shift_left3A_545 = arith.constant 4 : i32
          %shift_left3A_546 = arith.shli %scan3A_505, %shift_left3A_545 : i32
          %or3A_547 = vector.broadcast %shift_left3A_546 : i32 to vector<16xi32>
          %or3A_548 = arith.ori %and3A_544, %or3A_547 : vector<16xi32>
          %gather3A_549 = tpu.vector_load_idx %arg14[%add3A_487, %or3A_548] : memref<80x128xi32, #tpu.memory_space<vmem>>[vector<16xi32>, vector<16xi32>], vector<16xi32>,
          %gather3A_550 = tpu.vector_load_idx %arg15[%add3A_487, %or3A_548] : memref<80x128xi32, #tpu.memory_space<vmem>>[vector<16xi32>, vector<16xi32>], vector<16xi32>,
          %shift_left3A_551 = arith.constant 16 : i32
          %shift_left3A_552 = vector.broadcast %shift_left3A_551 : i32 to vector<16xi32>
          %shift_left3A_553 = arith.shli %gather3A_549, %shift_left3A_552 : vector<16xi32>
          %bitcast3A_554 = vector.bitcast %shift_left3A_553 : vector<16xi32> to vector<16xf32>
          %shift_left3A_555 = arith.constant 16 : i32
          %shift_left3A_556 = vector.broadcast %shift_left3A_555 : i32 to vector<16xi32>
          %shift_left3A_557 = arith.shli %gather3A_550, %shift_left3A_556 : vector<16xi32>
          %bitcast3A_558 = vector.bitcast %shift_left3A_557 : vector<16xi32> to vector<16xf32>
          %mul3A_559 = arith.mulf %bitcast3A_554, %bitcast3A_558 : vector<16xf32>
          %add3A_560 = arith.addf %add3A_528, %mul3A_559 : vector<16xf32>
          %and3A_561 = arith.constant -65536 : i32
          %and3A_562 = vector.broadcast %and3A_561 : i32 to vector<16xi32>
          %and3A_563 = arith.andi %gather3A_549, %and3A_562 : vector<16xi32>
          %bitcast3A_564 = vector.bitcast %and3A_563 : vector<16xi32> to vector<16xf32>
          %and3A_565 = arith.constant -65536 : i32
          %and3A_566 = vector.broadcast %and3A_565 : i32 to vector<16xi32>
          %and3A_567 = arith.andi %gather3A_550, %and3A_566 : vector<16xi32>
          %bitcast3A_568 = vector.bitcast %and3A_567 : vector<16xi32> to vector<16xf32>
          %mul3A_569 = arith.mulf %bitcast3A_564, %bitcast3A_568 : vector<16xf32>
          %add3A_570 = arith.addf %add3A_538, %mul3A_569 : vector<16xf32>
          %add3A_571 = arith.constant 2 : i32
          %add3A_572 = vector.broadcast %add3A_571 : i32 to vector<16xi32>
          %add3A_573 = arith.addi %iota3A, %add3A_572 : vector<16xi32>
          %and3A_574 = arith.constant 15 : i32
          %and3A_575 = vector.broadcast %and3A_574 : i32 to vector<16xi32>
          %and3A_576 = arith.andi %add3A_573, %and3A_575 : vector<16xi32>
          %shift_left3A_577 = arith.constant 4 : i32
          %shift_left3A_578 = arith.shli %scan3A_505, %shift_left3A_577 : i32
          %or3A_579 = vector.broadcast %shift_left3A_578 : i32 to vector<16xi32>
          %or3A_580 = arith.ori %and3A_576, %or3A_579 : vector<16xi32>
          %gather3A_581 = tpu.vector_load_idx %arg14[%add3A_487, %or3A_580] : memref<80x128xi32, #tpu.memory_space<vmem>>[vector<16xi32>, vector<16xi32>], vector<16xi32>,
          %gather3A_582 = tpu.vector_load_idx %arg15[%add3A_487, %or3A_580] : memref<80x128xi32, #tpu.memory_space<vmem>>[vector<16xi32>, vector<16xi32>], vector<16xi32>,
          %shift_left3A_583 = arith.constant 16 : i32
          %shift_left3A_584 = vector.broadcast %shift_left3A_583 : i32 to vector<16xi32>
          %shift_left3A_585 = arith.shli %gather3A_581, %shift_left3A_584 : vector<16xi32>
          %bitcast3A_586 = vector.bitcast %shift_left3A_585 : vector<16xi32> to vector<16xf32>
          %shift_left3A_587 = arith.constant 16 : i32
          %shift_left3A_588 = vector.broadcast %shift_left3A_587 : i32 to vector<16xi32>
          %shift_left3A_589 = arith.shli %gather3A_582, %shift_left3A_588 : vector<16xi32>
          %bitcast3A_590 = vector.bitcast %shift_left3A_589 : vector<16xi32> to vector<16xf32>
          %mul3A_591 = arith.mulf %bitcast3A_586, %bitcast3A_590 : vector<16xf32>
          %add3A_592 = arith.addf %add3A_560, %mul3A_591 : vector<16xf32>
          %and3A_593 = arith.constant -65536 : i32
          %and3A_594 = vector.broadcast %and3A_593 : i32 to vector<16xi32>
          %and3A_595 = arith.andi %gather3A_581, %and3A_594 : vector<16xi32>
          %bitcast3A_596 = vector.bitcast %and3A_595 : vector<16xi32> to vector<16xf32>
          %and3A_597 = arith.constant -65536 : i32
          %and3A_598 = vector.broadcast %and3A_597 : i32 to vector<16xi32>
          %and3A_599 = arith.andi %gather3A_582, %and3A_598 : vector<16xi32>
          %bitcast3A_600 = vector.bitcast %and3A_599 : vector<16xi32> to vector<16xf32>
          %mul3A_601 = arith.mulf %bitcast3A_596, %bitcast3A_600 : vector<16xf32>
          %add3A_602 = arith.addf %add3A_570, %mul3A_601 : vector<16xf32>
          %add3A_603 = arith.constant 3 : i32
          %add3A_604 = vector.broadcast %add3A_603 : i32 to vector<16xi32>
          %add3A_605 = arith.addi %iota3A, %add3A_604 : vector<16xi32>
          %and3A_606 = arith.constant 15 : i32
          %and3A_607 = vector.broadcast %and3A_606 : i32 to vector<16xi32>
          %and3A_608 = arith.andi %add3A_605, %and3A_607 : vector<16xi32>
          %shift_left3A_609 = arith.constant 4 : i32
          %shift_left3A_610 = arith.shli %scan3A_505, %shift_left3A_609 : i32
          %or3A_611 = vector.broadcast %shift_left3A_610 : i32 to vector<16xi32>
          %or3A_612 = arith.ori %and3A_608, %or3A_611 : vector<16xi32>
          %gather3A_613 = tpu.vector_load_idx %arg14[%add3A_487, %or3A_612] : memref<80x128xi32, #tpu.memory_space<vmem>>[vector<16xi32>, vector<16xi32>], vector<16xi32>,
          %gather3A_614 = tpu.vector_load_idx %arg15[%add3A_487, %or3A_612] : memref<80x128xi32, #tpu.memory_space<vmem>>[vector<16xi32>, vector<16xi32>], vector<16xi32>,
          %shift_left3A_615 = arith.constant 16 : i32
          %shift_left3A_616 = vector.broadcast %shift_left3A_615 : i32 to vector<16xi32>
          %shift_left3A_617 = arith.shli %gather3A_613, %shift_left3A_616 : vector<16xi32>
          %bitcast3A_618 = vector.bitcast %shift_left3A_617 : vector<16xi32> to vector<16xf32>
          %shift_left3A_619 = arith.constant 16 : i32
          %shift_left3A_620 = vector.broadcast %shift_left3A_619 : i32 to vector<16xi32>
          %shift_left3A_621 = arith.shli %gather3A_614, %shift_left3A_620 : vector<16xi32>
          %bitcast3A_622 = vector.bitcast %shift_left3A_621 : vector<16xi32> to vector<16xf32>
          %mul3A_623 = arith.mulf %bitcast3A_618, %bitcast3A_622 : vector<16xf32>
          %add3A_624 = arith.addf %add3A_592, %mul3A_623 : vector<16xf32>
          %and3A_625 = arith.constant -65536 : i32
          %and3A_626 = vector.broadcast %and3A_625 : i32 to vector<16xi32>
          %and3A_627 = arith.andi %gather3A_613, %and3A_626 : vector<16xi32>
          %bitcast3A_628 = vector.bitcast %and3A_627 : vector<16xi32> to vector<16xf32>
          %and3A_629 = arith.constant -65536 : i32
          %and3A_630 = vector.broadcast %and3A_629 : i32 to vector<16xi32>
          %and3A_631 = arith.andi %gather3A_614, %and3A_630 : vector<16xi32>
          %bitcast3A_632 = vector.bitcast %and3A_631 : vector<16xi32> to vector<16xf32>
          %mul3A_633 = arith.mulf %bitcast3A_628, %bitcast3A_632 : vector<16xf32>
          %add3A_634 = arith.addf %add3A_602, %mul3A_633 : vector<16xf32>
          %add3A_635 = arith.constant 4 : i32
          %add3A_636 = vector.broadcast %add3A_635 : i32 to vector<16xi32>
          %add3A_637 = arith.addi %iota3A, %add3A_636 : vector<16xi32>
          %and3A_638 = arith.constant 15 : i32
          %and3A_639 = vector.broadcast %and3A_638 : i32 to vector<16xi32>
          %and3A_640 = arith.andi %add3A_637, %and3A_639 : vector<16xi32>
          %shift_left3A_641 = arith.constant 4 : i32
          %shift_left3A_642 = arith.shli %scan3A_505, %shift_left3A_641 : i32
          %or3A_643 = vector.broadcast %shift_left3A_642 : i32 to vector<16xi32>
          %or3A_644 = arith.ori %and3A_640, %or3A_643 : vector<16xi32>
          %gather3A_645 = tpu.vector_load_idx %arg14[%add3A_487, %or3A_644] : memref<80x128xi32, #tpu.memory_space<vmem>>[vector<16xi32>, vector<16xi32>], vector<16xi32>,
          %gather3A_646 = tpu.vector_load_idx %arg15[%add3A_487, %or3A_644] : memref<80x128xi32, #tpu.memory_space<vmem>>[vector<16xi32>, vector<16xi32>], vector<16xi32>,
          %shift_left3A_647 = arith.constant 16 : i32
          %shift_left3A_648 = vector.broadcast %shift_left3A_647 : i32 to vector<16xi32>
          %shift_left3A_649 = arith.shli %gather3A_645, %shift_left3A_648 : vector<16xi32>
          %bitcast3A_650 = vector.bitcast %shift_left3A_649 : vector<16xi32> to vector<16xf32>
          %shift_left3A_651 = arith.constant 16 : i32
          %shift_left3A_652 = vector.broadcast %shift_left3A_651 : i32 to vector<16xi32>
          %shift_left3A_653 = arith.shli %gather3A_646, %shift_left3A_652 : vector<16xi32>
          %bitcast3A_654 = vector.bitcast %shift_left3A_653 : vector<16xi32> to vector<16xf32>
          %mul3A_655 = arith.mulf %bitcast3A_650, %bitcast3A_654 : vector<16xf32>
          %add3A_656 = arith.addf %add3A_624, %mul3A_655 : vector<16xf32>
          %and3A_657 = arith.constant -65536 : i32
          %and3A_658 = vector.broadcast %and3A_657 : i32 to vector<16xi32>
          %and3A_659 = arith.andi %gather3A_645, %and3A_658 : vector<16xi32>
          %bitcast3A_660 = vector.bitcast %and3A_659 : vector<16xi32> to vector<16xf32>
          %and3A_661 = arith.constant -65536 : i32
          %and3A_662 = vector.broadcast %and3A_661 : i32 to vector<16xi32>
          %and3A_663 = arith.andi %gather3A_646, %and3A_662 : vector<16xi32>
          %bitcast3A_664 = vector.bitcast %and3A_663 : vector<16xi32> to vector<16xf32>
          %mul3A_665 = arith.mulf %bitcast3A_660, %bitcast3A_664 : vector<16xf32>
          %add3A_666 = arith.addf %add3A_634, %mul3A_665 : vector<16xf32>
          %add3A_667 = arith.constant 5 : i32
          %add3A_668 = vector.broadcast %add3A_667 : i32 to vector<16xi32>
          %add3A_669 = arith.addi %iota3A, %add3A_668 : vector<16xi32>
          %and3A_670 = arith.constant 15 : i32
          %and3A_671 = vector.broadcast %and3A_670 : i32 to vector<16xi32>
          %and3A_672 = arith.andi %add3A_669, %and3A_671 : vector<16xi32>
          %shift_left3A_673 = arith.constant 4 : i32
          %shift_left3A_674 = arith.shli %scan3A_505, %shift_left3A_673 : i32
          %or3A_675 = vector.broadcast %shift_left3A_674 : i32 to vector<16xi32>
          %or3A_676 = arith.ori %and3A_672, %or3A_675 : vector<16xi32>
          %gather3A_677 = tpu.vector_load_idx %arg14[%add3A_487, %or3A_676] : memref<80x128xi32, #tpu.memory_space<vmem>>[vector<16xi32>, vector<16xi32>], vector<16xi32>,
          %gather3A_678 = tpu.vector_load_idx %arg15[%add3A_487, %or3A_676] : memref<80x128xi32, #tpu.memory_space<vmem>>[vector<16xi32>, vector<16xi32>], vector<16xi32>,
          %shift_left3A_679 = arith.constant 16 : i32
          %shift_left3A_680 = vector.broadcast %shift_left3A_679 : i32 to vector<16xi32>
          %shift_left3A_681 = arith.shli %gather3A_677, %shift_left3A_680 : vector<16xi32>
          %bitcast3A_682 = vector.bitcast %shift_left3A_681 : vector<16xi32> to vector<16xf32>
          %shift_left3A_683 = arith.constant 16 : i32
          %shift_left3A_684 = vector.broadcast %shift_left3A_683 : i32 to vector<16xi32>
          %shift_left3A_685 = arith.shli %gather3A_678, %shift_left3A_684 : vector<16xi32>
          %bitcast3A_686 = vector.bitcast %shift_left3A_685 : vector<16xi32> to vector<16xf32>
          %mul3A_687 = arith.mulf %bitcast3A_682, %bitcast3A_686 : vector<16xf32>
          %add3A_688 = arith.addf %add3A_656, %mul3A_687 : vector<16xf32>
          %and3A_689 = arith.constant -65536 : i32
          %and3A_690 = vector.broadcast %and3A_689 : i32 to vector<16xi32>
          %and3A_691 = arith.andi %gather3A_677, %and3A_690 : vector<16xi32>
          %bitcast3A_692 = vector.bitcast %and3A_691 : vector<16xi32> to vector<16xf32>
          %and3A_693 = arith.constant -65536 : i32
          %and3A_694 = vector.broadcast %and3A_693 : i32 to vector<16xi32>
          %and3A_695 = arith.andi %gather3A_678, %and3A_694 : vector<16xi32>
          %bitcast3A_696 = vector.bitcast %and3A_695 : vector<16xi32> to vector<16xf32>
          %mul3A_697 = arith.mulf %bitcast3A_692, %bitcast3A_696 : vector<16xf32>
          %add3A_698 = arith.addf %add3A_666, %mul3A_697 : vector<16xf32>
          %add3A_699 = arith.constant 6 : i32
          %add3A_700 = vector.broadcast %add3A_699 : i32 to vector<16xi32>
          %add3A_701 = arith.addi %iota3A, %add3A_700 : vector<16xi32>
          %and3A_702 = arith.constant 15 : i32
          %and3A_703 = vector.broadcast %and3A_702 : i32 to vector<16xi32>
          %and3A_704 = arith.andi %add3A_701, %and3A_703 : vector<16xi32>
          %shift_left3A_705 = arith.constant 4 : i32
          %shift_left3A_706 = arith.shli %scan3A_505, %shift_left3A_705 : i32
          %or3A_707 = vector.broadcast %shift_left3A_706 : i32 to vector<16xi32>
          %or3A_708 = arith.ori %and3A_704, %or3A_707 : vector<16xi32>
          %gather3A_709 = tpu.vector_load_idx %arg14[%add3A_487, %or3A_708] : memref<80x128xi32, #tpu.memory_space<vmem>>[vector<16xi32>, vector<16xi32>], vector<16xi32>,
          %gather3A_710 = tpu.vector_load_idx %arg15[%add3A_487, %or3A_708] : memref<80x128xi32, #tpu.memory_space<vmem>>[vector<16xi32>, vector<16xi32>], vector<16xi32>,
          %shift_left3A_711 = arith.constant 16 : i32
          %shift_left3A_712 = vector.broadcast %shift_left3A_711 : i32 to vector<16xi32>
          %shift_left3A_713 = arith.shli %gather3A_709, %shift_left3A_712 : vector<16xi32>
          %bitcast3A_714 = vector.bitcast %shift_left3A_713 : vector<16xi32> to vector<16xf32>
          %shift_left3A_715 = arith.constant 16 : i32
          %shift_left3A_716 = vector.broadcast %shift_left3A_715 : i32 to vector<16xi32>
          %shift_left3A_717 = arith.shli %gather3A_710, %shift_left3A_716 : vector<16xi32>
          %bitcast3A_718 = vector.bitcast %shift_left3A_717 : vector<16xi32> to vector<16xf32>
          %mul3A_719 = arith.mulf %bitcast3A_714, %bitcast3A_718 : vector<16xf32>
          %add3A_720 = arith.addf %add3A_688, %mul3A_719 : vector<16xf32>
          %and3A_721 = arith.constant -65536 : i32
          %and3A_722 = vector.broadcast %and3A_721 : i32 to vector<16xi32>
          %and3A_723 = arith.andi %gather3A_709, %and3A_722 : vector<16xi32>
          %bitcast3A_724 = vector.bitcast %and3A_723 : vector<16xi32> to vector<16xf32>
          %and3A_725 = arith.constant -65536 : i32
          %and3A_726 = vector.broadcast %and3A_725 : i32 to vector<16xi32>
          %and3A_727 = arith.andi %gather3A_710, %and3A_726 : vector<16xi32>
          %bitcast3A_728 = vector.bitcast %and3A_727 : vector<16xi32> to vector<16xf32>
          %mul3A_729 = arith.mulf %bitcast3A_724, %bitcast3A_728 : vector<16xf32>
          %add3A_730 = arith.addf %add3A_698, %mul3A_729 : vector<16xf32>
          %add3A_731 = arith.constant 7 : i32
          %add3A_732 = vector.broadcast %add3A_731 : i32 to vector<16xi32>
          %add3A_733 = arith.addi %iota3A, %add3A_732 : vector<16xi32>
          %and3A_734 = arith.constant 15 : i32
          %and3A_735 = vector.broadcast %and3A_734 : i32 to vector<16xi32>
          %and3A_736 = arith.andi %add3A_733, %and3A_735 : vector<16xi32>
          %shift_left3A_737 = arith.constant 4 : i32
          %shift_left3A_738 = arith.shli %scan3A_505, %shift_left3A_737 : i32
          %or3A_739 = vector.broadcast %shift_left3A_738 : i32 to vector<16xi32>
          %or3A_740 = arith.ori %and3A_736, %or3A_739 : vector<16xi32>
          %gather3A_741 = tpu.vector_load_idx %arg14[%add3A_487, %or3A_740] : memref<80x128xi32, #tpu.memory_space<vmem>>[vector<16xi32>, vector<16xi32>], vector<16xi32>,
          %gather3A_742 = tpu.vector_load_idx %arg15[%add3A_487, %or3A_740] : memref<80x128xi32, #tpu.memory_space<vmem>>[vector<16xi32>, vector<16xi32>], vector<16xi32>,
          %shift_left3A_743 = arith.constant 16 : i32
          %shift_left3A_744 = vector.broadcast %shift_left3A_743 : i32 to vector<16xi32>
          %shift_left3A_745 = arith.shli %gather3A_741, %shift_left3A_744 : vector<16xi32>
          %bitcast3A_746 = vector.bitcast %shift_left3A_745 : vector<16xi32> to vector<16xf32>
          %shift_left3A_747 = arith.constant 16 : i32
          %shift_left3A_748 = vector.broadcast %shift_left3A_747 : i32 to vector<16xi32>
          %shift_left3A_749 = arith.shli %gather3A_742, %shift_left3A_748 : vector<16xi32>
          %bitcast3A_750 = vector.bitcast %shift_left3A_749 : vector<16xi32> to vector<16xf32>
          %mul3A_751 = arith.mulf %bitcast3A_746, %bitcast3A_750 : vector<16xf32>
          %add3A_752 = arith.addf %add3A_720, %mul3A_751 : vector<16xf32>
          %and3A_753 = arith.constant -65536 : i32
          %and3A_754 = vector.broadcast %and3A_753 : i32 to vector<16xi32>
          %and3A_755 = arith.andi %gather3A_741, %and3A_754 : vector<16xi32>
          %bitcast3A_756 = vector.bitcast %and3A_755 : vector<16xi32> to vector<16xf32>
          %and3A_757 = arith.constant -65536 : i32
          %and3A_758 = vector.broadcast %and3A_757 : i32 to vector<16xi32>
          %and3A_759 = arith.andi %gather3A_742, %and3A_758 : vector<16xi32>
          %bitcast3A_760 = vector.bitcast %and3A_759 : vector<16xi32> to vector<16xf32>
          %mul3A_761 = arith.mulf %bitcast3A_756, %bitcast3A_760 : vector<16xf32>
          %add3A_762 = arith.addf %add3A_730, %mul3A_761 : vector<16xf32>
          %add3A_763 = arith.constant 8 : i32
          %add3A_764 = vector.broadcast %add3A_763 : i32 to vector<16xi32>
          %add3A_765 = arith.addi %iota3A, %add3A_764 : vector<16xi32>
          %and3A_766 = arith.constant 15 : i32
          %and3A_767 = vector.broadcast %and3A_766 : i32 to vector<16xi32>
          %and3A_768 = arith.andi %add3A_765, %and3A_767 : vector<16xi32>
          %shift_left3A_769 = arith.constant 4 : i32
          %shift_left3A_770 = arith.shli %scan3A_505, %shift_left3A_769 : i32
          %or3A_771 = vector.broadcast %shift_left3A_770 : i32 to vector<16xi32>
          %or3A_772 = arith.ori %and3A_768, %or3A_771 : vector<16xi32>
          %gather3A_773 = tpu.vector_load_idx %arg14[%add3A_487, %or3A_772] : memref<80x128xi32, #tpu.memory_space<vmem>>[vector<16xi32>, vector<16xi32>], vector<16xi32>,
          %gather3A_774 = tpu.vector_load_idx %arg15[%add3A_487, %or3A_772] : memref<80x128xi32, #tpu.memory_space<vmem>>[vector<16xi32>, vector<16xi32>], vector<16xi32>,
          %shift_left3A_775 = arith.constant 16 : i32
          %shift_left3A_776 = vector.broadcast %shift_left3A_775 : i32 to vector<16xi32>
          %shift_left3A_777 = arith.shli %gather3A_773, %shift_left3A_776 : vector<16xi32>
          %bitcast3A_778 = vector.bitcast %shift_left3A_777 : vector<16xi32> to vector<16xf32>
          %shift_left3A_779 = arith.constant 16 : i32
          %shift_left3A_780 = vector.broadcast %shift_left3A_779 : i32 to vector<16xi32>
          %shift_left3A_781 = arith.shli %gather3A_774, %shift_left3A_780 : vector<16xi32>
          %bitcast3A_782 = vector.bitcast %shift_left3A_781 : vector<16xi32> to vector<16xf32>
          %mul3A_783 = arith.mulf %bitcast3A_778, %bitcast3A_782 : vector<16xf32>
          %add3A_784 = arith.addf %add3A_752, %mul3A_783 : vector<16xf32>
          %and3A_785 = arith.constant -65536 : i32
          %and3A_786 = vector.broadcast %and3A_785 : i32 to vector<16xi32>
          %and3A_787 = arith.andi %gather3A_773, %and3A_786 : vector<16xi32>
          %bitcast3A_788 = vector.bitcast %and3A_787 : vector<16xi32> to vector<16xf32>
          %and3A_789 = arith.constant -65536 : i32
          %and3A_790 = vector.broadcast %and3A_789 : i32 to vector<16xi32>
          %and3A_791 = arith.andi %gather3A_774, %and3A_790 : vector<16xi32>
          %bitcast3A_792 = vector.bitcast %and3A_791 : vector<16xi32> to vector<16xf32>
          %mul3A_793 = arith.mulf %bitcast3A_788, %bitcast3A_792 : vector<16xf32>
          %add3A_794 = arith.addf %add3A_762, %mul3A_793 : vector<16xf32>
          %add3A_795 = arith.constant 9 : i32
          %add3A_796 = vector.broadcast %add3A_795 : i32 to vector<16xi32>
          %add3A_797 = arith.addi %iota3A, %add3A_796 : vector<16xi32>
          %and3A_798 = arith.constant 15 : i32
          %and3A_799 = vector.broadcast %and3A_798 : i32 to vector<16xi32>
          %and3A_800 = arith.andi %add3A_797, %and3A_799 : vector<16xi32>
          %shift_left3A_801 = arith.constant 4 : i32
          %shift_left3A_802 = arith.shli %scan3A_505, %shift_left3A_801 : i32
          %or3A_803 = vector.broadcast %shift_left3A_802 : i32 to vector<16xi32>
          %or3A_804 = arith.ori %and3A_800, %or3A_803 : vector<16xi32>
          %gather3A_805 = tpu.vector_load_idx %arg14[%add3A_487, %or3A_804] : memref<80x128xi32, #tpu.memory_space<vmem>>[vector<16xi32>, vector<16xi32>], vector<16xi32>,
          %gather3A_806 = tpu.vector_load_idx %arg15[%add3A_487, %or3A_804] : memref<80x128xi32, #tpu.memory_space<vmem>>[vector<16xi32>, vector<16xi32>], vector<16xi32>,
          %shift_left3A_807 = arith.constant 16 : i32
          %shift_left3A_808 = vector.broadcast %shift_left3A_807 : i32 to vector<16xi32>
          %shift_left3A_809 = arith.shli %gather3A_805, %shift_left3A_808 : vector<16xi32>
          %bitcast3A_810 = vector.bitcast %shift_left3A_809 : vector<16xi32> to vector<16xf32>
          %shift_left3A_811 = arith.constant 16 : i32
          %shift_left3A_812 = vector.broadcast %shift_left3A_811 : i32 to vector<16xi32>
          %shift_left3A_813 = arith.shli %gather3A_806, %shift_left3A_812 : vector<16xi32>
          %bitcast3A_814 = vector.bitcast %shift_left3A_813 : vector<16xi32> to vector<16xf32>
          %mul3A_815 = arith.mulf %bitcast3A_810, %bitcast3A_814 : vector<16xf32>
          %add3A_816 = arith.addf %add3A_784, %mul3A_815 : vector<16xf32>
          %and3A_817 = arith.constant -65536 : i32
          %and3A_818 = vector.broadcast %and3A_817 : i32 to vector<16xi32>
          %and3A_819 = arith.andi %gather3A_805, %and3A_818 : vector<16xi32>
          %bitcast3A_820 = vector.bitcast %and3A_819 : vector<16xi32> to vector<16xf32>
          %and3A_821 = arith.constant -65536 : i32
          %and3A_822 = vector.broadcast %and3A_821 : i32 to vector<16xi32>
          %and3A_823 = arith.andi %gather3A_806, %and3A_822 : vector<16xi32>
          %bitcast3A_824 = vector.bitcast %and3A_823 : vector<16xi32> to vector<16xf32>
          %mul3A_825 = arith.mulf %bitcast3A_820, %bitcast3A_824 : vector<16xf32>
          %add3A_826 = arith.addf %add3A_794, %mul3A_825 : vector<16xf32>
          %add3A_827 = arith.constant 10 : i32
          %add3A_828 = vector.broadcast %add3A_827 : i32 to vector<16xi32>
          %add3A_829 = arith.addi %iota3A, %add3A_828 : vector<16xi32>
          %and3A_830 = arith.constant 15 : i32
          %and3A_831 = vector.broadcast %and3A_830 : i32 to vector<16xi32>
          %and3A_832 = arith.andi %add3A_829, %and3A_831 : vector<16xi32>
          %shift_left3A_833 = arith.constant 4 : i32
          %shift_left3A_834 = arith.shli %scan3A_505, %shift_left3A_833 : i32
          %or3A_835 = vector.broadcast %shift_left3A_834 : i32 to vector<16xi32>
          %or3A_836 = arith.ori %and3A_832, %or3A_835 : vector<16xi32>
          %gather3A_837 = tpu.vector_load_idx %arg14[%add3A_487, %or3A_836] : memref<80x128xi32, #tpu.memory_space<vmem>>[vector<16xi32>, vector<16xi32>], vector<16xi32>,
          %gather3A_838 = tpu.vector_load_idx %arg15[%add3A_487, %or3A_836] : memref<80x128xi32, #tpu.memory_space<vmem>>[vector<16xi32>, vector<16xi32>], vector<16xi32>,
          %shift_left3A_839 = arith.constant 16 : i32
          %shift_left3A_840 = vector.broadcast %shift_left3A_839 : i32 to vector<16xi32>
          %shift_left3A_841 = arith.shli %gather3A_837, %shift_left3A_840 : vector<16xi32>
          %bitcast3A_842 = vector.bitcast %shift_left3A_841 : vector<16xi32> to vector<16xf32>
          %shift_left3A_843 = arith.constant 16 : i32
          %shift_left3A_844 = vector.broadcast %shift_left3A_843 : i32 to vector<16xi32>
          %shift_left3A_845 = arith.shli %gather3A_838, %shift_left3A_844 : vector<16xi32>
          %bitcast3A_846 = vector.bitcast %shift_left3A_845 : vector<16xi32> to vector<16xf32>
          %mul3A_847 = arith.mulf %bitcast3A_842, %bitcast3A_846 : vector<16xf32>
          %add3A_848 = arith.addf %add3A_816, %mul3A_847 : vector<16xf32>
          %and3A_849 = arith.constant -65536 : i32
          %and3A_850 = vector.broadcast %and3A_849 : i32 to vector<16xi32>
          %and3A_851 = arith.andi %gather3A_837, %and3A_850 : vector<16xi32>
          %bitcast3A_852 = vector.bitcast %and3A_851 : vector<16xi32> to vector<16xf32>
          %and3A_853 = arith.constant -65536 : i32
          %and3A_854 = vector.broadcast %and3A_853 : i32 to vector<16xi32>
          %and3A_855 = arith.andi %gather3A_838, %and3A_854 : vector<16xi32>
          %bitcast3A_856 = vector.bitcast %and3A_855 : vector<16xi32> to vector<16xf32>
          %mul3A_857 = arith.mulf %bitcast3A_852, %bitcast3A_856 : vector<16xf32>
          %add3A_858 = arith.addf %add3A_826, %mul3A_857 : vector<16xf32>
          %add3A_859 = arith.constant 11 : i32
          %add3A_860 = vector.broadcast %add3A_859 : i32 to vector<16xi32>
          %add3A_861 = arith.addi %iota3A, %add3A_860 : vector<16xi32>
          %and3A_862 = arith.constant 15 : i32
          %and3A_863 = vector.broadcast %and3A_862 : i32 to vector<16xi32>
          %and3A_864 = arith.andi %add3A_861, %and3A_863 : vector<16xi32>
          %shift_left3A_865 = arith.constant 4 : i32
          %shift_left3A_866 = arith.shli %scan3A_505, %shift_left3A_865 : i32
          %or3A_867 = vector.broadcast %shift_left3A_866 : i32 to vector<16xi32>
          %or3A_868 = arith.ori %and3A_864, %or3A_867 : vector<16xi32>
          %gather3A_869 = tpu.vector_load_idx %arg14[%add3A_487, %or3A_868] : memref<80x128xi32, #tpu.memory_space<vmem>>[vector<16xi32>, vector<16xi32>], vector<16xi32>,
          %gather3A_870 = tpu.vector_load_idx %arg15[%add3A_487, %or3A_868] : memref<80x128xi32, #tpu.memory_space<vmem>>[vector<16xi32>, vector<16xi32>], vector<16xi32>,
          %shift_left3A_871 = arith.constant 16 : i32
          %shift_left3A_872 = vector.broadcast %shift_left3A_871 : i32 to vector<16xi32>
          %shift_left3A_873 = arith.shli %gather3A_869, %shift_left3A_872 : vector<16xi32>
          %bitcast3A_874 = vector.bitcast %shift_left3A_873 : vector<16xi32> to vector<16xf32>
          %shift_left3A_875 = arith.constant 16 : i32
          %shift_left3A_876 = vector.broadcast %shift_left3A_875 : i32 to vector<16xi32>
          %shift_left3A_877 = arith.shli %gather3A_870, %shift_left3A_876 : vector<16xi32>
          %bitcast3A_878 = vector.bitcast %shift_left3A_877 : vector<16xi32> to vector<16xf32>
          %mul3A_879 = arith.mulf %bitcast3A_874, %bitcast3A_878 : vector<16xf32>
          %add3A_880 = arith.addf %add3A_848, %mul3A_879 : vector<16xf32>
          %and3A_881 = arith.constant -65536 : i32
          %and3A_882 = vector.broadcast %and3A_881 : i32 to vector<16xi32>
          %and3A_883 = arith.andi %gather3A_869, %and3A_882 : vector<16xi32>
          %bitcast3A_884 = vector.bitcast %and3A_883 : vector<16xi32> to vector<16xf32>
          %and3A_885 = arith.constant -65536 : i32
          %and3A_886 = vector.broadcast %and3A_885 : i32 to vector<16xi32>
          %and3A_887 = arith.andi %gather3A_870, %and3A_886 : vector<16xi32>
          %bitcast3A_888 = vector.bitcast %and3A_887 : vector<16xi32> to vector<16xf32>
          %mul3A_889 = arith.mulf %bitcast3A_884, %bitcast3A_888 : vector<16xf32>
          %add3A_890 = arith.addf %add3A_858, %mul3A_889 : vector<16xf32>
          %add3A_891 = arith.constant 12 : i32
          %add3A_892 = vector.broadcast %add3A_891 : i32 to vector<16xi32>
          %add3A_893 = arith.addi %iota3A, %add3A_892 : vector<16xi32>
          %and3A_894 = arith.constant 15 : i32
          %and3A_895 = vector.broadcast %and3A_894 : i32 to vector<16xi32>
          %and3A_896 = arith.andi %add3A_893, %and3A_895 : vector<16xi32>
          %shift_left3A_897 = arith.constant 4 : i32
          %shift_left3A_898 = arith.shli %scan3A_505, %shift_left3A_897 : i32
          %or3A_899 = vector.broadcast %shift_left3A_898 : i32 to vector<16xi32>
          %or3A_900 = arith.ori %and3A_896, %or3A_899 : vector<16xi32>
          %gather3A_901 = tpu.vector_load_idx %arg14[%add3A_487, %or3A_900] : memref<80x128xi32, #tpu.memory_space<vmem>>[vector<16xi32>, vector<16xi32>], vector<16xi32>,
          %gather3A_902 = tpu.vector_load_idx %arg15[%add3A_487, %or3A_900] : memref<80x128xi32, #tpu.memory_space<vmem>>[vector<16xi32>, vector<16xi32>], vector<16xi32>,
          %shift_left3A_903 = arith.constant 16 : i32
          %shift_left3A_904 = vector.broadcast %shift_left3A_903 : i32 to vector<16xi32>
          %shift_left3A_905 = arith.shli %gather3A_901, %shift_left3A_904 : vector<16xi32>
          %bitcast3A_906 = vector.bitcast %shift_left3A_905 : vector<16xi32> to vector<16xf32>
          %shift_left3A_907 = arith.constant 16 : i32
          %shift_left3A_908 = vector.broadcast %shift_left3A_907 : i32 to vector<16xi32>
          %shift_left3A_909 = arith.shli %gather3A_902, %shift_left3A_908 : vector<16xi32>
          %bitcast3A_910 = vector.bitcast %shift_left3A_909 : vector<16xi32> to vector<16xf32>
          %mul3A_911 = arith.mulf %bitcast3A_906, %bitcast3A_910 : vector<16xf32>
          %add3A_912 = arith.addf %add3A_880, %mul3A_911 : vector<16xf32>
          %and3A_913 = arith.constant -65536 : i32
          %and3A_914 = vector.broadcast %and3A_913 : i32 to vector<16xi32>
          %and3A_915 = arith.andi %gather3A_901, %and3A_914 : vector<16xi32>
          %bitcast3A_916 = vector.bitcast %and3A_915 : vector<16xi32> to vector<16xf32>
          %and3A_917 = arith.constant -65536 : i32
          %and3A_918 = vector.broadcast %and3A_917 : i32 to vector<16xi32>
          %and3A_919 = arith.andi %gather3A_902, %and3A_918 : vector<16xi32>
          %bitcast3A_920 = vector.bitcast %and3A_919 : vector<16xi32> to vector<16xf32>
          %mul3A_921 = arith.mulf %bitcast3A_916, %bitcast3A_920 : vector<16xf32>
          %add3A_922 = arith.addf %add3A_890, %mul3A_921 : vector<16xf32>
          %add3A_923 = arith.constant 13 : i32
          %add3A_924 = vector.broadcast %add3A_923 : i32 to vector<16xi32>
          %add3A_925 = arith.addi %iota3A, %add3A_924 : vector<16xi32>
          %and3A_926 = arith.constant 15 : i32
          %and3A_927 = vector.broadcast %and3A_926 : i32 to vector<16xi32>
          %and3A_928 = arith.andi %add3A_925, %and3A_927 : vector<16xi32>
          %shift_left3A_929 = arith.constant 4 : i32
          %shift_left3A_930 = arith.shli %scan3A_505, %shift_left3A_929 : i32
          %or3A_931 = vector.broadcast %shift_left3A_930 : i32 to vector<16xi32>
          %or3A_932 = arith.ori %and3A_928, %or3A_931 : vector<16xi32>
          %gather3A_933 = tpu.vector_load_idx %arg14[%add3A_487, %or3A_932] : memref<80x128xi32, #tpu.memory_space<vmem>>[vector<16xi32>, vector<16xi32>], vector<16xi32>,
          %gather3A_934 = tpu.vector_load_idx %arg15[%add3A_487, %or3A_932] : memref<80x128xi32, #tpu.memory_space<vmem>>[vector<16xi32>, vector<16xi32>], vector<16xi32>,
          %shift_left3A_935 = arith.constant 16 : i32
          %shift_left3A_936 = vector.broadcast %shift_left3A_935 : i32 to vector<16xi32>
          %shift_left3A_937 = arith.shli %gather3A_933, %shift_left3A_936 : vector<16xi32>
          %bitcast3A_938 = vector.bitcast %shift_left3A_937 : vector<16xi32> to vector<16xf32>
          %shift_left3A_939 = arith.constant 16 : i32
          %shift_left3A_940 = vector.broadcast %shift_left3A_939 : i32 to vector<16xi32>
          %shift_left3A_941 = arith.shli %gather3A_934, %shift_left3A_940 : vector<16xi32>
          %bitcast3A_942 = vector.bitcast %shift_left3A_941 : vector<16xi32> to vector<16xf32>
          %mul3A_943 = arith.mulf %bitcast3A_938, %bitcast3A_942 : vector<16xf32>
          %add3A_944 = arith.addf %add3A_912, %mul3A_943 : vector<16xf32>
          %and3A_945 = arith.constant -65536 : i32
          %and3A_946 = vector.broadcast %and3A_945 : i32 to vector<16xi32>
          %and3A_947 = arith.andi %gather3A_933, %and3A_946 : vector<16xi32>
          %bitcast3A_948 = vector.bitcast %and3A_947 : vector<16xi32> to vector<16xf32>
          %and3A_949 = arith.constant -65536 : i32
          %and3A_950 = vector.broadcast %and3A_949 : i32 to vector<16xi32>
          %and3A_951 = arith.andi %gather3A_934, %and3A_950 : vector<16xi32>
          %bitcast3A_952 = vector.bitcast %and3A_951 : vector<16xi32> to vector<16xf32>
          %mul3A_953 = arith.mulf %bitcast3A_948, %bitcast3A_952 : vector<16xf32>
          %add3A_954 = arith.addf %add3A_922, %mul3A_953 : vector<16xf32>
          %add3A_955 = arith.constant 14 : i32
          %add3A_956 = vector.broadcast %add3A_955 : i32 to vector<16xi32>
          %add3A_957 = arith.addi %iota3A, %add3A_956 : vector<16xi32>
          %and3A_958 = arith.constant 15 : i32
          %and3A_959 = vector.broadcast %and3A_958 : i32 to vector<16xi32>
          %and3A_960 = arith.andi %add3A_957, %and3A_959 : vector<16xi32>
          %shift_left3A_961 = arith.constant 4 : i32
          %shift_left3A_962 = arith.shli %scan3A_505, %shift_left3A_961 : i32
          %or3A_963 = vector.broadcast %shift_left3A_962 : i32 to vector<16xi32>
          %or3A_964 = arith.ori %and3A_960, %or3A_963 : vector<16xi32>
          %gather3A_965 = tpu.vector_load_idx %arg14[%add3A_487, %or3A_964] : memref<80x128xi32, #tpu.memory_space<vmem>>[vector<16xi32>, vector<16xi32>], vector<16xi32>,
          %gather3A_966 = tpu.vector_load_idx %arg15[%add3A_487, %or3A_964] : memref<80x128xi32, #tpu.memory_space<vmem>>[vector<16xi32>, vector<16xi32>], vector<16xi32>,
          %shift_left3A_967 = arith.constant 16 : i32
          %shift_left3A_968 = vector.broadcast %shift_left3A_967 : i32 to vector<16xi32>
          %shift_left3A_969 = arith.shli %gather3A_965, %shift_left3A_968 : vector<16xi32>
          %bitcast3A_970 = vector.bitcast %shift_left3A_969 : vector<16xi32> to vector<16xf32>
          %shift_left3A_971 = arith.constant 16 : i32
          %shift_left3A_972 = vector.broadcast %shift_left3A_971 : i32 to vector<16xi32>
          %shift_left3A_973 = arith.shli %gather3A_966, %shift_left3A_972 : vector<16xi32>
          %bitcast3A_974 = vector.bitcast %shift_left3A_973 : vector<16xi32> to vector<16xf32>
          %mul3A_975 = arith.mulf %bitcast3A_970, %bitcast3A_974 : vector<16xf32>
          %add3A_976 = arith.addf %add3A_944, %mul3A_975 : vector<16xf32>
          %and3A_977 = arith.constant -65536 : i32
          %and3A_978 = vector.broadcast %and3A_977 : i32 to vector<16xi32>
          %and3A_979 = arith.andi %gather3A_965, %and3A_978 : vector<16xi32>
          %bitcast3A_980 = vector.bitcast %and3A_979 : vector<16xi32> to vector<16xf32>
          %and3A_981 = arith.constant -65536 : i32
          %and3A_982 = vector.broadcast %and3A_981 : i32 to vector<16xi32>
          %and3A_983 = arith.andi %gather3A_966, %and3A_982 : vector<16xi32>
          %bitcast3A_984 = vector.bitcast %and3A_983 : vector<16xi32> to vector<16xf32>
          %mul3A_985 = arith.mulf %bitcast3A_980, %bitcast3A_984 : vector<16xf32>
          %add3A_986 = arith.addf %add3A_954, %mul3A_985 : vector<16xf32>
          %add3A_987 = arith.constant 15 : i32
          %add3A_988 = vector.broadcast %add3A_987 : i32 to vector<16xi32>
          %add3A_989 = arith.addi %iota3A, %add3A_988 : vector<16xi32>
          %and3A_990 = arith.constant 15 : i32
          %and3A_991 = vector.broadcast %and3A_990 : i32 to vector<16xi32>
          %and3A_992 = arith.andi %add3A_989, %and3A_991 : vector<16xi32>
          %shift_left3A_993 = arith.constant 4 : i32
          %shift_left3A_994 = arith.shli %scan3A_505, %shift_left3A_993 : i32
          %or3A_995 = vector.broadcast %shift_left3A_994 : i32 to vector<16xi32>
          %or3A_996 = arith.ori %and3A_992, %or3A_995 : vector<16xi32>
          %gather3A_997 = tpu.vector_load_idx %arg14[%add3A_487, %or3A_996] : memref<80x128xi32, #tpu.memory_space<vmem>>[vector<16xi32>, vector<16xi32>], vector<16xi32>,
          %gather3A_998 = tpu.vector_load_idx %arg15[%add3A_487, %or3A_996] : memref<80x128xi32, #tpu.memory_space<vmem>>[vector<16xi32>, vector<16xi32>], vector<16xi32>,
          %shift_left3A_999 = arith.constant 16 : i32
          %shift_left3A_1000 = vector.broadcast %shift_left3A_999 : i32 to vector<16xi32>
          %shift_left3A_1001 = arith.shli %gather3A_997, %shift_left3A_1000 : vector<16xi32>
          %bitcast3A_1002 = vector.bitcast %shift_left3A_1001 : vector<16xi32> to vector<16xf32>
          %shift_left3A_1003 = arith.constant 16 : i32
          %shift_left3A_1004 = vector.broadcast %shift_left3A_1003 : i32 to vector<16xi32>
          %shift_left3A_1005 = arith.shli %gather3A_998, %shift_left3A_1004 : vector<16xi32>
          %bitcast3A_1006 = vector.bitcast %shift_left3A_1005 : vector<16xi32> to vector<16xf32>
          %mul3A_1007 = arith.mulf %bitcast3A_1002, %bitcast3A_1006 : vector<16xf32>
          %add3A_1008 = arith.addf %add3A_976, %mul3A_1007 : vector<16xf32>
          %and3A_1009 = arith.constant -65536 : i32
          %and3A_1010 = vector.broadcast %and3A_1009 : i32 to vector<16xi32>
          %and3A_1011 = arith.andi %gather3A_997, %and3A_1010 : vector<16xi32>
          %bitcast3A_1012 = vector.bitcast %and3A_1011 : vector<16xi32> to vector<16xf32>
          %and3A_1013 = arith.constant -65536 : i32
          %and3A_1014 = vector.broadcast %and3A_1013 : i32 to vector<16xi32>
          %and3A_1015 = arith.andi %gather3A_998, %and3A_1014 : vector<16xi32>
          %bitcast3A_1016 = vector.bitcast %and3A_1015 : vector<16xi32> to vector<16xf32>
          %mul3A_1017 = arith.mulf %bitcast3A_1012, %bitcast3A_1016 : vector<16xf32>
          %add3A_1018 = arith.addf %add3A_986, %mul3A_1017 : vector<16xf32>
          %mul3A_1019 = arith.constant 640 : i32
          %mul3A_1020 = arith.muli %and3A_142, %mul3A_1019 : i32
          %mul3A_1021 = arith.constant 128 : i32
          %mul3A_1022 = arith.muli %scan3A_483, %mul3A_1021 : i32
          %add3A_1023 = arith.addi %mul3A_1020, %mul3A_1022 : i32
          %mul3A_1024 = arith.constant 16 : i32
          %mul3A_1025 = arith.muli %scan3A_505, %mul3A_1024 : i32
          %add3A_1026 = arith.addi %add3A_1023, %mul3A_1025 : i32
          %get3A_1027 = arith.index_cast %add3A_1026 : i32 to index
          %get3A_1028 = tpu.vector_load %arg13[%get3A_1027] {strides = array<i32>} : memref<1280xf32, #tpu.memory_space<vmem>>, vector<16xf32>,
          %add3A_1029 = arith.constant 4 : i32
          %add3A_1030 = arith.addi %scan3A_505, %add3A_1029 : i32
          %mul3A_1031 = arith.constant 16 : i32
          %mul3A_1032 = arith.muli %add3A_1030, %mul3A_1031 : i32
          %add3A_1033 = arith.addi %add3A_1023, %mul3A_1032 : i32
          %get3A_1034 = arith.index_cast %add3A_1033 : i32 to index
          %get3A_1035 = tpu.vector_load %arg13[%get3A_1034] {strides = array<i32>} : memref<1280xf32, #tpu.memory_space<vmem>>, vector<16xf32>,
          %mul3A_1036 = arith.constant 2.500000e-01 : f32
          %mul3A_1037 = vector.broadcast %mul3A_1036 : f32 to vector<16xf32>
          %mul3A_1038 = arith.mulf %add3A_1008, %mul3A_1037 : vector<16xf32>
          %add3A_1039 = arith.addf %mul3A_1038, %get3A_1028 : vector<16xf32>
          %exp3A = math.exp %add3A_1039 : vector<16xf32>
          %mul3A_1040 = arith.constant 2.500000e-01 : f32
          %mul3A_1041 = vector.broadcast %mul3A_1040 : f32 to vector<16xf32>
          %mul3A_1042 = arith.mulf %add3A_1018, %mul3A_1041 : vector<16xf32>
          %add3A_1043 = arith.addf %mul3A_1042, %get3A_1035 : vector<16xf32>
          %exp3A_1044 = math.exp %add3A_1043 : vector<16xf32>
          %add3A_1045 = vector.broadcast %scan3A_505 : i32 to vector<16xi32>
          %add3A_1046 = arith.addi %shift_left3A_498, %add3A_1045 : vector<16xi32>
          tpu.vector_store_idx %arg17[%add3A_487, %add3A_1046], %exp3A : memref<80x128xf32, #tpu.memory_space<vmem>>[vector<16xi32>, vector<16xi32>], vector<16xf32>,
          %add3A_1047 = vector.broadcast %scan3A_505 : i32 to vector<16xi32>
          %add3A_1048 = arith.addi %shift_left3A_498, %add3A_1047 : vector<16xi32>
          %add3A_1049 = arith.constant 4 : i32
          %add3A_1050 = vector.broadcast %add3A_1049 : i32 to vector<16xi32>
          %add3A_1051 = arith.addi %add3A_1048, %add3A_1050 : vector<16xi32>
          tpu.vector_store_idx %arg17[%add3A_487, %add3A_1051], %exp3A_1044 : memref<80x128xf32, #tpu.memory_space<vmem>>[vector<16xi32>, vector<16xi32>], vector<16xf32>,
          %add3A_1052 = arith.constant 0 : i32
          %add3A_1053 = vector.broadcast %add3A_1052 : i32 to vector<16xi32>
          %add3A_1054 = arith.addi %iota3A, %add3A_1053 : vector<16xi32>
          %and3A_1055 = arith.constant 15 : i32
          %and3A_1056 = vector.broadcast %and3A_1055 : i32 to vector<16xi32>
          %and3A_1057 = arith.andi %add3A_1054, %and3A_1056 : vector<16xi32>
          %shift_left3A_1058 = arith.constant 4 : i32
          %shift_left3A_1059 = arith.shli %scan3A_505, %shift_left3A_1058 : i32
          %or3A_1060 = vector.broadcast %shift_left3A_1059 : i32 to vector<16xi32>
          %or3A_1061 = arith.ori %and3A_1057, %or3A_1060 : vector<16xi32>
          %add3A_1062 = arith.constant 64 : i32
          %add3A_1063 = vector.broadcast %add3A_1062 : i32 to vector<16xi32>
          %add3A_1064 = arith.addi %or3A_1061, %add3A_1063 : vector<16xi32>
          %gather3A_1065 = tpu.vector_load_idx %arg15[%add3A_487, %add3A_1064] : memref<80x128xi32, #tpu.memory_space<vmem>>[vector<16xi32>, vector<16xi32>], vector<16xi32>,
          %shift_left3A_1066 = arith.constant 16 : i32
          %shift_left3A_1067 = vector.broadcast %shift_left3A_1066 : i32 to vector<16xi32>
          %shift_left3A_1068 = arith.shli %gather3A_1065, %shift_left3A_1067 : vector<16xi32>
          %bitcast3A_1069 = vector.bitcast %shift_left3A_1068 : vector<16xi32> to vector<16xf32>
          %and3A_1070 = arith.constant -65536 : i32
          %and3A_1071 = vector.broadcast %and3A_1070 : i32 to vector<16xi32>
          %and3A_1072 = arith.andi %gather3A_1065, %and3A_1071 : vector<16xi32>
          %bitcast3A_1073 = vector.bitcast %and3A_1072 : vector<16xi32> to vector<16xf32>
          %mul3A_1074 = arith.mulf %bitcast3A_1069, %exp3A : vector<16xf32>
          tpu.vector_store_idx %arg16[%add3A_487, %or3A_1061], %mul3A_1074 : memref<80x128xf32, #tpu.memory_space<vmem>>[vector<16xi32>, vector<16xi32>], vector<16xf32>,
          %add3A_1075 = arith.constant 64 : i32
          %add3A_1076 = vector.broadcast %add3A_1075 : i32 to vector<16xi32>
          %add3A_1077 = arith.addi %or3A_1061, %add3A_1076 : vector<16xi32>
          %mul3A_1078 = arith.mulf %bitcast3A_1073, %exp3A_1044 : vector<16xf32>
          tpu.vector_store_idx %arg16[%add3A_487, %add3A_1077], %mul3A_1078 : memref<80x128xf32, #tpu.memory_space<vmem>>[vector<16xi32>, vector<16xi32>], vector<16xf32>,
          %add3A_1079 = arith.constant 1 : i32
          %add3A_1080 = vector.broadcast %add3A_1079 : i32 to vector<16xi32>
          %add3A_1081 = arith.addi %iota3A, %add3A_1080 : vector<16xi32>
          %and3A_1082 = arith.constant 15 : i32
          %and3A_1083 = vector.broadcast %and3A_1082 : i32 to vector<16xi32>
          %and3A_1084 = arith.andi %add3A_1081, %and3A_1083 : vector<16xi32>
          %shift_left3A_1085 = arith.constant 4 : i32
          %shift_left3A_1086 = arith.shli %scan3A_505, %shift_left3A_1085 : i32
          %or3A_1087 = vector.broadcast %shift_left3A_1086 : i32 to vector<16xi32>
          %or3A_1088 = arith.ori %and3A_1084, %or3A_1087 : vector<16xi32>
          %add3A_1089 = arith.constant 64 : i32
          %add3A_1090 = vector.broadcast %add3A_1089 : i32 to vector<16xi32>
          %add3A_1091 = arith.addi %or3A_1088, %add3A_1090 : vector<16xi32>
          %gather3A_1092 = tpu.vector_load_idx %arg15[%add3A_487, %add3A_1091] : memref<80x128xi32, #tpu.memory_space<vmem>>[vector<16xi32>, vector<16xi32>], vector<16xi32>,
          %shift_left3A_1093 = arith.constant 16 : i32
          %shift_left3A_1094 = vector.broadcast %shift_left3A_1093 : i32 to vector<16xi32>
          %shift_left3A_1095 = arith.shli %gather3A_1092, %shift_left3A_1094 : vector<16xi32>
          %bitcast3A_1096 = vector.bitcast %shift_left3A_1095 : vector<16xi32> to vector<16xf32>
          %and3A_1097 = arith.constant -65536 : i32
          %and3A_1098 = vector.broadcast %and3A_1097 : i32 to vector<16xi32>
          %and3A_1099 = arith.andi %gather3A_1092, %and3A_1098 : vector<16xi32>
          %bitcast3A_1100 = vector.bitcast %and3A_1099 : vector<16xi32> to vector<16xf32>
          %mul3A_1101 = arith.mulf %bitcast3A_1096, %exp3A : vector<16xf32>
          tpu.vector_store_idx %arg16[%add3A_487, %or3A_1088], %mul3A_1101 : memref<80x128xf32, #tpu.memory_space<vmem>>[vector<16xi32>, vector<16xi32>], vector<16xf32>,
          %add3A_1102 = arith.constant 64 : i32
          %add3A_1103 = vector.broadcast %add3A_1102 : i32 to vector<16xi32>
          %add3A_1104 = arith.addi %or3A_1088, %add3A_1103 : vector<16xi32>
          %mul3A_1105 = arith.mulf %bitcast3A_1100, %exp3A_1044 : vector<16xf32>
          tpu.vector_store_idx %arg16[%add3A_487, %add3A_1104], %mul3A_1105 : memref<80x128xf32, #tpu.memory_space<vmem>>[vector<16xi32>, vector<16xi32>], vector<16xf32>,
          %add3A_1106 = arith.constant 2 : i32
          %add3A_1107 = vector.broadcast %add3A_1106 : i32 to vector<16xi32>
          %add3A_1108 = arith.addi %iota3A, %add3A_1107 : vector<16xi32>
          %and3A_1109 = arith.constant 15 : i32
          %and3A_1110 = vector.broadcast %and3A_1109 : i32 to vector<16xi32>
          %and3A_1111 = arith.andi %add3A_1108, %and3A_1110 : vector<16xi32>
          %shift_left3A_1112 = arith.constant 4 : i32
          %shift_left3A_1113 = arith.shli %scan3A_505, %shift_left3A_1112 : i32
          %or3A_1114 = vector.broadcast %shift_left3A_1113 : i32 to vector<16xi32>
          %or3A_1115 = arith.ori %and3A_1111, %or3A_1114 : vector<16xi32>
          %add3A_1116 = arith.constant 64 : i32
          %add3A_1117 = vector.broadcast %add3A_1116 : i32 to vector<16xi32>
          %add3A_1118 = arith.addi %or3A_1115, %add3A_1117 : vector<16xi32>
          %gather3A_1119 = tpu.vector_load_idx %arg15[%add3A_487, %add3A_1118] : memref<80x128xi32, #tpu.memory_space<vmem>>[vector<16xi32>, vector<16xi32>], vector<16xi32>,
          %shift_left3A_1120 = arith.constant 16 : i32
          %shift_left3A_1121 = vector.broadcast %shift_left3A_1120 : i32 to vector<16xi32>
          %shift_left3A_1122 = arith.shli %gather3A_1119, %shift_left3A_1121 : vector<16xi32>
          %bitcast3A_1123 = vector.bitcast %shift_left3A_1122 : vector<16xi32> to vector<16xf32>
          %and3A_1124 = arith.constant -65536 : i32
          %and3A_1125 = vector.broadcast %and3A_1124 : i32 to vector<16xi32>
          %and3A_1126 = arith.andi %gather3A_1119, %and3A_1125 : vector<16xi32>
          %bitcast3A_1127 = vector.bitcast %and3A_1126 : vector<16xi32> to vector<16xf32>
          %mul3A_1128 = arith.mulf %bitcast3A_1123, %exp3A : vector<16xf32>
          tpu.vector_store_idx %arg16[%add3A_487, %or3A_1115], %mul3A_1128 : memref<80x128xf32, #tpu.memory_space<vmem>>[vector<16xi32>, vector<16xi32>], vector<16xf32>,
          %add3A_1129 = arith.constant 64 : i32
          %add3A_1130 = vector.broadcast %add3A_1129 : i32 to vector<16xi32>
          %add3A_1131 = arith.addi %or3A_1115, %add3A_1130 : vector<16xi32>
          %mul3A_1132 = arith.mulf %bitcast3A_1127, %exp3A_1044 : vector<16xf32>
          tpu.vector_store_idx %arg16[%add3A_487, %add3A_1131], %mul3A_1132 : memref<80x128xf32, #tpu.memory_space<vmem>>[vector<16xi32>, vector<16xi32>], vector<16xf32>,
          %add3A_1133 = arith.constant 3 : i32
          %add3A_1134 = vector.broadcast %add3A_1133 : i32 to vector<16xi32>
          %add3A_1135 = arith.addi %iota3A, %add3A_1134 : vector<16xi32>
          %and3A_1136 = arith.constant 15 : i32
          %and3A_1137 = vector.broadcast %and3A_1136 : i32 to vector<16xi32>
          %and3A_1138 = arith.andi %add3A_1135, %and3A_1137 : vector<16xi32>
          %shift_left3A_1139 = arith.constant 4 : i32
          %shift_left3A_1140 = arith.shli %scan3A_505, %shift_left3A_1139 : i32
          %or3A_1141 = vector.broadcast %shift_left3A_1140 : i32 to vector<16xi32>
          %or3A_1142 = arith.ori %and3A_1138, %or3A_1141 : vector<16xi32>
          %add3A_1143 = arith.constant 64 : i32
          %add3A_1144 = vector.broadcast %add3A_1143 : i32 to vector<16xi32>
          %add3A_1145 = arith.addi %or3A_1142, %add3A_1144 : vector<16xi32>
          %gather3A_1146 = tpu.vector_load_idx %arg15[%add3A_487, %add3A_1145] : memref<80x128xi32, #tpu.memory_space<vmem>>[vector<16xi32>, vector<16xi32>], vector<16xi32>,
          %shift_left3A_1147 = arith.constant 16 : i32
          %shift_left3A_1148 = vector.broadcast %shift_left3A_1147 : i32 to vector<16xi32>
          %shift_left3A_1149 = arith.shli %gather3A_1146, %shift_left3A_1148 : vector<16xi32>
          %bitcast3A_1150 = vector.bitcast %shift_left3A_1149 : vector<16xi32> to vector<16xf32>
          %and3A_1151 = arith.constant -65536 : i32
          %and3A_1152 = vector.broadcast %and3A_1151 : i32 to vector<16xi32>
          %and3A_1153 = arith.andi %gather3A_1146, %and3A_1152 : vector<16xi32>
          %bitcast3A_1154 = vector.bitcast %and3A_1153 : vector<16xi32> to vector<16xf32>
          %mul3A_1155 = arith.mulf %bitcast3A_1150, %exp3A : vector<16xf32>
          tpu.vector_store_idx %arg16[%add3A_487, %or3A_1142], %mul3A_1155 : memref<80x128xf32, #tpu.memory_space<vmem>>[vector<16xi32>, vector<16xi32>], vector<16xf32>,
          %add3A_1156 = arith.constant 64 : i32
          %add3A_1157 = vector.broadcast %add3A_1156 : i32 to vector<16xi32>
          %add3A_1158 = arith.addi %or3A_1142, %add3A_1157 : vector<16xi32>
          %mul3A_1159 = arith.mulf %bitcast3A_1154, %exp3A_1044 : vector<16xf32>
          tpu.vector_store_idx %arg16[%add3A_487, %add3A_1158], %mul3A_1159 : memref<80x128xf32, #tpu.memory_space<vmem>>[vector<16xi32>, vector<16xi32>], vector<16xf32>,
          %add3A_1160 = arith.constant 4 : i32
          %add3A_1161 = vector.broadcast %add3A_1160 : i32 to vector<16xi32>
          %add3A_1162 = arith.addi %iota3A, %add3A_1161 : vector<16xi32>
          %and3A_1163 = arith.constant 15 : i32
          %and3A_1164 = vector.broadcast %and3A_1163 : i32 to vector<16xi32>
          %and3A_1165 = arith.andi %add3A_1162, %and3A_1164 : vector<16xi32>
          %shift_left3A_1166 = arith.constant 4 : i32
          %shift_left3A_1167 = arith.shli %scan3A_505, %shift_left3A_1166 : i32
          %or3A_1168 = vector.broadcast %shift_left3A_1167 : i32 to vector<16xi32>
          %or3A_1169 = arith.ori %and3A_1165, %or3A_1168 : vector<16xi32>
          %add3A_1170 = arith.constant 64 : i32
          %add3A_1171 = vector.broadcast %add3A_1170 : i32 to vector<16xi32>
          %add3A_1172 = arith.addi %or3A_1169, %add3A_1171 : vector<16xi32>
          %gather3A_1173 = tpu.vector_load_idx %arg15[%add3A_487, %add3A_1172] : memref<80x128xi32, #tpu.memory_space<vmem>>[vector<16xi32>, vector<16xi32>], vector<16xi32>,
          %shift_left3A_1174 = arith.constant 16 : i32
          %shift_left3A_1175 = vector.broadcast %shift_left3A_1174 : i32 to vector<16xi32>
          %shift_left3A_1176 = arith.shli %gather3A_1173, %shift_left3A_1175 : vector<16xi32>
          %bitcast3A_1177 = vector.bitcast %shift_left3A_1176 : vector<16xi32> to vector<16xf32>
          %and3A_1178 = arith.constant -65536 : i32
          %and3A_1179 = vector.broadcast %and3A_1178 : i32 to vector<16xi32>
          %and3A_1180 = arith.andi %gather3A_1173, %and3A_1179 : vector<16xi32>
          %bitcast3A_1181 = vector.bitcast %and3A_1180 : vector<16xi32> to vector<16xf32>
          %mul3A_1182 = arith.mulf %bitcast3A_1177, %exp3A : vector<16xf32>
          tpu.vector_store_idx %arg16[%add3A_487, %or3A_1169], %mul3A_1182 : memref<80x128xf32, #tpu.memory_space<vmem>>[vector<16xi32>, vector<16xi32>], vector<16xf32>,
          %add3A_1183 = arith.constant 64 : i32
          %add3A_1184 = vector.broadcast %add3A_1183 : i32 to vector<16xi32>
          %add3A_1185 = arith.addi %or3A_1169, %add3A_1184 : vector<16xi32>
          %mul3A_1186 = arith.mulf %bitcast3A_1181, %exp3A_1044 : vector<16xf32>
          tpu.vector_store_idx %arg16[%add3A_487, %add3A_1185], %mul3A_1186 : memref<80x128xf32, #tpu.memory_space<vmem>>[vector<16xi32>, vector<16xi32>], vector<16xf32>,
          %add3A_1187 = arith.constant 5 : i32
          %add3A_1188 = vector.broadcast %add3A_1187 : i32 to vector<16xi32>
          %add3A_1189 = arith.addi %iota3A, %add3A_1188 : vector<16xi32>
          %and3A_1190 = arith.constant 15 : i32
          %and3A_1191 = vector.broadcast %and3A_1190 : i32 to vector<16xi32>
          %and3A_1192 = arith.andi %add3A_1189, %and3A_1191 : vector<16xi32>
          %shift_left3A_1193 = arith.constant 4 : i32
          %shift_left3A_1194 = arith.shli %scan3A_505, %shift_left3A_1193 : i32
          %or3A_1195 = vector.broadcast %shift_left3A_1194 : i32 to vector<16xi32>
          %or3A_1196 = arith.ori %and3A_1192, %or3A_1195 : vector<16xi32>
          %add3A_1197 = arith.constant 64 : i32
          %add3A_1198 = vector.broadcast %add3A_1197 : i32 to vector<16xi32>
          %add3A_1199 = arith.addi %or3A_1196, %add3A_1198 : vector<16xi32>
          %gather3A_1200 = tpu.vector_load_idx %arg15[%add3A_487, %add3A_1199] : memref<80x128xi32, #tpu.memory_space<vmem>>[vector<16xi32>, vector<16xi32>], vector<16xi32>,
          %shift_left3A_1201 = arith.constant 16 : i32
          %shift_left3A_1202 = vector.broadcast %shift_left3A_1201 : i32 to vector<16xi32>
          %shift_left3A_1203 = arith.shli %gather3A_1200, %shift_left3A_1202 : vector<16xi32>
          %bitcast3A_1204 = vector.bitcast %shift_left3A_1203 : vector<16xi32> to vector<16xf32>
          %and3A_1205 = arith.constant -65536 : i32
          %and3A_1206 = vector.broadcast %and3A_1205 : i32 to vector<16xi32>
          %and3A_1207 = arith.andi %gather3A_1200, %and3A_1206 : vector<16xi32>
          %bitcast3A_1208 = vector.bitcast %and3A_1207 : vector<16xi32> to vector<16xf32>
          %mul3A_1209 = arith.mulf %bitcast3A_1204, %exp3A : vector<16xf32>
          tpu.vector_store_idx %arg16[%add3A_487, %or3A_1196], %mul3A_1209 : memref<80x128xf32, #tpu.memory_space<vmem>>[vector<16xi32>, vector<16xi32>], vector<16xf32>,
          %add3A_1210 = arith.constant 64 : i32
          %add3A_1211 = vector.broadcast %add3A_1210 : i32 to vector<16xi32>
          %add3A_1212 = arith.addi %or3A_1196, %add3A_1211 : vector<16xi32>
          %mul3A_1213 = arith.mulf %bitcast3A_1208, %exp3A_1044 : vector<16xf32>
          tpu.vector_store_idx %arg16[%add3A_487, %add3A_1212], %mul3A_1213 : memref<80x128xf32, #tpu.memory_space<vmem>>[vector<16xi32>, vector<16xi32>], vector<16xf32>,
          %add3A_1214 = arith.constant 6 : i32
          %add3A_1215 = vector.broadcast %add3A_1214 : i32 to vector<16xi32>
          %add3A_1216 = arith.addi %iota3A, %add3A_1215 : vector<16xi32>
          %and3A_1217 = arith.constant 15 : i32
          %and3A_1218 = vector.broadcast %and3A_1217 : i32 to vector<16xi32>
          %and3A_1219 = arith.andi %add3A_1216, %and3A_1218 : vector<16xi32>
          %shift_left3A_1220 = arith.constant 4 : i32
          %shift_left3A_1221 = arith.shli %scan3A_505, %shift_left3A_1220 : i32
          %or3A_1222 = vector.broadcast %shift_left3A_1221 : i32 to vector<16xi32>
          %or3A_1223 = arith.ori %and3A_1219, %or3A_1222 : vector<16xi32>
          %add3A_1224 = arith.constant 64 : i32
          %add3A_1225 = vector.broadcast %add3A_1224 : i32 to vector<16xi32>
          %add3A_1226 = arith.addi %or3A_1223, %add3A_1225 : vector<16xi32>
          %gather3A_1227 = tpu.vector_load_idx %arg15[%add3A_487, %add3A_1226] : memref<80x128xi32, #tpu.memory_space<vmem>>[vector<16xi32>, vector<16xi32>], vector<16xi32>,
          %shift_left3A_1228 = arith.constant 16 : i32
          %shift_left3A_1229 = vector.broadcast %shift_left3A_1228 : i32 to vector<16xi32>
          %shift_left3A_1230 = arith.shli %gather3A_1227, %shift_left3A_1229 : vector<16xi32>
          %bitcast3A_1231 = vector.bitcast %shift_left3A_1230 : vector<16xi32> to vector<16xf32>
          %and3A_1232 = arith.constant -65536 : i32
          %and3A_1233 = vector.broadcast %and3A_1232 : i32 to vector<16xi32>
          %and3A_1234 = arith.andi %gather3A_1227, %and3A_1233 : vector<16xi32>
          %bitcast3A_1235 = vector.bitcast %and3A_1234 : vector<16xi32> to vector<16xf32>
          %mul3A_1236 = arith.mulf %bitcast3A_1231, %exp3A : vector<16xf32>
          tpu.vector_store_idx %arg16[%add3A_487, %or3A_1223], %mul3A_1236 : memref<80x128xf32, #tpu.memory_space<vmem>>[vector<16xi32>, vector<16xi32>], vector<16xf32>,
          %add3A_1237 = arith.constant 64 : i32
          %add3A_1238 = vector.broadcast %add3A_1237 : i32 to vector<16xi32>
          %add3A_1239 = arith.addi %or3A_1223, %add3A_1238 : vector<16xi32>
          %mul3A_1240 = arith.mulf %bitcast3A_1235, %exp3A_1044 : vector<16xf32>
          tpu.vector_store_idx %arg16[%add3A_487, %add3A_1239], %mul3A_1240 : memref<80x128xf32, #tpu.memory_space<vmem>>[vector<16xi32>, vector<16xi32>], vector<16xf32>,
          %add3A_1241 = arith.constant 7 : i32
          %add3A_1242 = vector.broadcast %add3A_1241 : i32 to vector<16xi32>
          %add3A_1243 = arith.addi %iota3A, %add3A_1242 : vector<16xi32>
          %and3A_1244 = arith.constant 15 : i32
          %and3A_1245 = vector.broadcast %and3A_1244 : i32 to vector<16xi32>
          %and3A_1246 = arith.andi %add3A_1243, %and3A_1245 : vector<16xi32>
          %shift_left3A_1247 = arith.constant 4 : i32
          %shift_left3A_1248 = arith.shli %scan3A_505, %shift_left3A_1247 : i32
          %or3A_1249 = vector.broadcast %shift_left3A_1248 : i32 to vector<16xi32>
          %or3A_1250 = arith.ori %and3A_1246, %or3A_1249 : vector<16xi32>
          %add3A_1251 = arith.constant 64 : i32
          %add3A_1252 = vector.broadcast %add3A_1251 : i32 to vector<16xi32>
          %add3A_1253 = arith.addi %or3A_1250, %add3A_1252 : vector<16xi32>
          %gather3A_1254 = tpu.vector_load_idx %arg15[%add3A_487, %add3A_1253] : memref<80x128xi32, #tpu.memory_space<vmem>>[vector<16xi32>, vector<16xi32>], vector<16xi32>,
          %shift_left3A_1255 = arith.constant 16 : i32
          %shift_left3A_1256 = vector.broadcast %shift_left3A_1255 : i32 to vector<16xi32>
          %shift_left3A_1257 = arith.shli %gather3A_1254, %shift_left3A_1256 : vector<16xi32>
          %bitcast3A_1258 = vector.bitcast %shift_left3A_1257 : vector<16xi32> to vector<16xf32>
          %and3A_1259 = arith.constant -65536 : i32
          %and3A_1260 = vector.broadcast %and3A_1259 : i32 to vector<16xi32>
          %and3A_1261 = arith.andi %gather3A_1254, %and3A_1260 : vector<16xi32>
          %bitcast3A_1262 = vector.bitcast %and3A_1261 : vector<16xi32> to vector<16xf32>
          %mul3A_1263 = arith.mulf %bitcast3A_1258, %exp3A : vector<16xf32>
          tpu.vector_store_idx %arg16[%add3A_487, %or3A_1250], %mul3A_1263 : memref<80x128xf32, #tpu.memory_space<vmem>>[vector<16xi32>, vector<16xi32>], vector<16xf32>,
          %add3A_1264 = arith.constant 64 : i32
          %add3A_1265 = vector.broadcast %add3A_1264 : i32 to vector<16xi32>
          %add3A_1266 = arith.addi %or3A_1250, %add3A_1265 : vector<16xi32>
          %mul3A_1267 = arith.mulf %bitcast3A_1262, %exp3A_1044 : vector<16xf32>
          tpu.vector_store_idx %arg16[%add3A_487, %add3A_1266], %mul3A_1267 : memref<80x128xf32, #tpu.memory_space<vmem>>[vector<16xi32>, vector<16xi32>], vector<16xf32>,
          %add3A_1268 = arith.constant 8 : i32
          %add3A_1269 = vector.broadcast %add3A_1268 : i32 to vector<16xi32>
          %add3A_1270 = arith.addi %iota3A, %add3A_1269 : vector<16xi32>
          %and3A_1271 = arith.constant 15 : i32
          %and3A_1272 = vector.broadcast %and3A_1271 : i32 to vector<16xi32>
          %and3A_1273 = arith.andi %add3A_1270, %and3A_1272 : vector<16xi32>
          %shift_left3A_1274 = arith.constant 4 : i32
          %shift_left3A_1275 = arith.shli %scan3A_505, %shift_left3A_1274 : i32
          %or3A_1276 = vector.broadcast %shift_left3A_1275 : i32 to vector<16xi32>
          %or3A_1277 = arith.ori %and3A_1273, %or3A_1276 : vector<16xi32>
          %add3A_1278 = arith.constant 64 : i32
          %add3A_1279 = vector.broadcast %add3A_1278 : i32 to vector<16xi32>
          %add3A_1280 = arith.addi %or3A_1277, %add3A_1279 : vector<16xi32>
          %gather3A_1281 = tpu.vector_load_idx %arg15[%add3A_487, %add3A_1280] : memref<80x128xi32, #tpu.memory_space<vmem>>[vector<16xi32>, vector<16xi32>], vector<16xi32>,
          %shift_left3A_1282 = arith.constant 16 : i32
          %shift_left3A_1283 = vector.broadcast %shift_left3A_1282 : i32 to vector<16xi32>
          %shift_left3A_1284 = arith.shli %gather3A_1281, %shift_left3A_1283 : vector<16xi32>
          %bitcast3A_1285 = vector.bitcast %shift_left3A_1284 : vector<16xi32> to vector<16xf32>
          %and3A_1286 = arith.constant -65536 : i32
          %and3A_1287 = vector.broadcast %and3A_1286 : i32 to vector<16xi32>
          %and3A_1288 = arith.andi %gather3A_1281, %and3A_1287 : vector<16xi32>
          %bitcast3A_1289 = vector.bitcast %and3A_1288 : vector<16xi32> to vector<16xf32>
          %mul3A_1290 = arith.mulf %bitcast3A_1285, %exp3A : vector<16xf32>
          tpu.vector_store_idx %arg16[%add3A_487, %or3A_1277], %mul3A_1290 : memref<80x128xf32, #tpu.memory_space<vmem>>[vector<16xi32>, vector<16xi32>], vector<16xf32>,
          %add3A_1291 = arith.constant 64 : i32
          %add3A_1292 = vector.broadcast %add3A_1291 : i32 to vector<16xi32>
          %add3A_1293 = arith.addi %or3A_1277, %add3A_1292 : vector<16xi32>
          %mul3A_1294 = arith.mulf %bitcast3A_1289, %exp3A_1044 : vector<16xf32>
          tpu.vector_store_idx %arg16[%add3A_487, %add3A_1293], %mul3A_1294 : memref<80x128xf32, #tpu.memory_space<vmem>>[vector<16xi32>, vector<16xi32>], vector<16xf32>,
          %add3A_1295 = arith.constant 9 : i32
          %add3A_1296 = vector.broadcast %add3A_1295 : i32 to vector<16xi32>
          %add3A_1297 = arith.addi %iota3A, %add3A_1296 : vector<16xi32>
          %and3A_1298 = arith.constant 15 : i32
          %and3A_1299 = vector.broadcast %and3A_1298 : i32 to vector<16xi32>
          %and3A_1300 = arith.andi %add3A_1297, %and3A_1299 : vector<16xi32>
          %shift_left3A_1301 = arith.constant 4 : i32
          %shift_left3A_1302 = arith.shli %scan3A_505, %shift_left3A_1301 : i32
          %or3A_1303 = vector.broadcast %shift_left3A_1302 : i32 to vector<16xi32>
          %or3A_1304 = arith.ori %and3A_1300, %or3A_1303 : vector<16xi32>
          %add3A_1305 = arith.constant 64 : i32
          %add3A_1306 = vector.broadcast %add3A_1305 : i32 to vector<16xi32>
          %add3A_1307 = arith.addi %or3A_1304, %add3A_1306 : vector<16xi32>
          %gather3A_1308 = tpu.vector_load_idx %arg15[%add3A_487, %add3A_1307] : memref<80x128xi32, #tpu.memory_space<vmem>>[vector<16xi32>, vector<16xi32>], vector<16xi32>,
          %shift_left3A_1309 = arith.constant 16 : i32
          %shift_left3A_1310 = vector.broadcast %shift_left3A_1309 : i32 to vector<16xi32>
          %shift_left3A_1311 = arith.shli %gather3A_1308, %shift_left3A_1310 : vector<16xi32>
          %bitcast3A_1312 = vector.bitcast %shift_left3A_1311 : vector<16xi32> to vector<16xf32>
          %and3A_1313 = arith.constant -65536 : i32
          %and3A_1314 = vector.broadcast %and3A_1313 : i32 to vector<16xi32>
          %and3A_1315 = arith.andi %gather3A_1308, %and3A_1314 : vector<16xi32>
          %bitcast3A_1316 = vector.bitcast %and3A_1315 : vector<16xi32> to vector<16xf32>
          %mul3A_1317 = arith.mulf %bitcast3A_1312, %exp3A : vector<16xf32>
          tpu.vector_store_idx %arg16[%add3A_487, %or3A_1304], %mul3A_1317 : memref<80x128xf32, #tpu.memory_space<vmem>>[vector<16xi32>, vector<16xi32>], vector<16xf32>,
          %add3A_1318 = arith.constant 64 : i32
          %add3A_1319 = vector.broadcast %add3A_1318 : i32 to vector<16xi32>
          %add3A_1320 = arith.addi %or3A_1304, %add3A_1319 : vector<16xi32>
          %mul3A_1321 = arith.mulf %bitcast3A_1316, %exp3A_1044 : vector<16xf32>
          tpu.vector_store_idx %arg16[%add3A_487, %add3A_1320], %mul3A_1321 : memref<80x128xf32, #tpu.memory_space<vmem>>[vector<16xi32>, vector<16xi32>], vector<16xf32>,
          %add3A_1322 = arith.constant 10 : i32
          %add3A_1323 = vector.broadcast %add3A_1322 : i32 to vector<16xi32>
          %add3A_1324 = arith.addi %iota3A, %add3A_1323 : vector<16xi32>
          %and3A_1325 = arith.constant 15 : i32
          %and3A_1326 = vector.broadcast %and3A_1325 : i32 to vector<16xi32>
          %and3A_1327 = arith.andi %add3A_1324, %and3A_1326 : vector<16xi32>
          %shift_left3A_1328 = arith.constant 4 : i32
          %shift_left3A_1329 = arith.shli %scan3A_505, %shift_left3A_1328 : i32
          %or3A_1330 = vector.broadcast %shift_left3A_1329 : i32 to vector<16xi32>
          %or3A_1331 = arith.ori %and3A_1327, %or3A_1330 : vector<16xi32>
          %add3A_1332 = arith.constant 64 : i32
          %add3A_1333 = vector.broadcast %add3A_1332 : i32 to vector<16xi32>
          %add3A_1334 = arith.addi %or3A_1331, %add3A_1333 : vector<16xi32>
          %gather3A_1335 = tpu.vector_load_idx %arg15[%add3A_487, %add3A_1334] : memref<80x128xi32, #tpu.memory_space<vmem>>[vector<16xi32>, vector<16xi32>], vector<16xi32>,
          %shift_left3A_1336 = arith.constant 16 : i32
          %shift_left3A_1337 = vector.broadcast %shift_left3A_1336 : i32 to vector<16xi32>
          %shift_left3A_1338 = arith.shli %gather3A_1335, %shift_left3A_1337 : vector<16xi32>
          %bitcast3A_1339 = vector.bitcast %shift_left3A_1338 : vector<16xi32> to vector<16xf32>
          %and3A_1340 = arith.constant -65536 : i32
          %and3A_1341 = vector.broadcast %and3A_1340 : i32 to vector<16xi32>
          %and3A_1342 = arith.andi %gather3A_1335, %and3A_1341 : vector<16xi32>
          %bitcast3A_1343 = vector.bitcast %and3A_1342 : vector<16xi32> to vector<16xf32>
          %mul3A_1344 = arith.mulf %bitcast3A_1339, %exp3A : vector<16xf32>
          tpu.vector_store_idx %arg16[%add3A_487, %or3A_1331], %mul3A_1344 : memref<80x128xf32, #tpu.memory_space<vmem>>[vector<16xi32>, vector<16xi32>], vector<16xf32>,
          %add3A_1345 = arith.constant 64 : i32
          %add3A_1346 = vector.broadcast %add3A_1345 : i32 to vector<16xi32>
          %add3A_1347 = arith.addi %or3A_1331, %add3A_1346 : vector<16xi32>
          %mul3A_1348 = arith.mulf %bitcast3A_1343, %exp3A_1044 : vector<16xf32>
          tpu.vector_store_idx %arg16[%add3A_487, %add3A_1347], %mul3A_1348 : memref<80x128xf32, #tpu.memory_space<vmem>>[vector<16xi32>, vector<16xi32>], vector<16xf32>,
          %add3A_1349 = arith.constant 11 : i32
          %add3A_1350 = vector.broadcast %add3A_1349 : i32 to vector<16xi32>
          %add3A_1351 = arith.addi %iota3A, %add3A_1350 : vector<16xi32>
          %and3A_1352 = arith.constant 15 : i32
          %and3A_1353 = vector.broadcast %and3A_1352 : i32 to vector<16xi32>
          %and3A_1354 = arith.andi %add3A_1351, %and3A_1353 : vector<16xi32>
          %shift_left3A_1355 = arith.constant 4 : i32
          %shift_left3A_1356 = arith.shli %scan3A_505, %shift_left3A_1355 : i32
          %or3A_1357 = vector.broadcast %shift_left3A_1356 : i32 to vector<16xi32>
          %or3A_1358 = arith.ori %and3A_1354, %or3A_1357 : vector<16xi32>
          %add3A_1359 = arith.constant 64 : i32
          %add3A_1360 = vector.broadcast %add3A_1359 : i32 to vector<16xi32>
          %add3A_1361 = arith.addi %or3A_1358, %add3A_1360 : vector<16xi32>
          %gather3A_1362 = tpu.vector_load_idx %arg15[%add3A_487, %add3A_1361] : memref<80x128xi32, #tpu.memory_space<vmem>>[vector<16xi32>, vector<16xi32>], vector<16xi32>,
          %shift_left3A_1363 = arith.constant 16 : i32
          %shift_left3A_1364 = vector.broadcast %shift_left3A_1363 : i32 to vector<16xi32>
          %shift_left3A_1365 = arith.shli %gather3A_1362, %shift_left3A_1364 : vector<16xi32>
          %bitcast3A_1366 = vector.bitcast %shift_left3A_1365 : vector<16xi32> to vector<16xf32>
          %and3A_1367 = arith.constant -65536 : i32
          %and3A_1368 = vector.broadcast %and3A_1367 : i32 to vector<16xi32>
          %and3A_1369 = arith.andi %gather3A_1362, %and3A_1368 : vector<16xi32>
          %bitcast3A_1370 = vector.bitcast %and3A_1369 : vector<16xi32> to vector<16xf32>
          %mul3A_1371 = arith.mulf %bitcast3A_1366, %exp3A : vector<16xf32>
          tpu.vector_store_idx %arg16[%add3A_487, %or3A_1358], %mul3A_1371 : memref<80x128xf32, #tpu.memory_space<vmem>>[vector<16xi32>, vector<16xi32>], vector<16xf32>,
          %add3A_1372 = arith.constant 64 : i32
          %add3A_1373 = vector.broadcast %add3A_1372 : i32 to vector<16xi32>
          %add3A_1374 = arith.addi %or3A_1358, %add3A_1373 : vector<16xi32>
          %mul3A_1375 = arith.mulf %bitcast3A_1370, %exp3A_1044 : vector<16xf32>
          tpu.vector_store_idx %arg16[%add3A_487, %add3A_1374], %mul3A_1375 : memref<80x128xf32, #tpu.memory_space<vmem>>[vector<16xi32>, vector<16xi32>], vector<16xf32>,
          %add3A_1376 = arith.constant 12 : i32
          %add3A_1377 = vector.broadcast %add3A_1376 : i32 to vector<16xi32>
          %add3A_1378 = arith.addi %iota3A, %add3A_1377 : vector<16xi32>
          %and3A_1379 = arith.constant 15 : i32
          %and3A_1380 = vector.broadcast %and3A_1379 : i32 to vector<16xi32>
          %and3A_1381 = arith.andi %add3A_1378, %and3A_1380 : vector<16xi32>
          %shift_left3A_1382 = arith.constant 4 : i32
          %shift_left3A_1383 = arith.shli %scan3A_505, %shift_left3A_1382 : i32
          %or3A_1384 = vector.broadcast %shift_left3A_1383 : i32 to vector<16xi32>
          %or3A_1385 = arith.ori %and3A_1381, %or3A_1384 : vector<16xi32>
          %add3A_1386 = arith.constant 64 : i32
          %add3A_1387 = vector.broadcast %add3A_1386 : i32 to vector<16xi32>
          %add3A_1388 = arith.addi %or3A_1385, %add3A_1387 : vector<16xi32>
          %gather3A_1389 = tpu.vector_load_idx %arg15[%add3A_487, %add3A_1388] : memref<80x128xi32, #tpu.memory_space<vmem>>[vector<16xi32>, vector<16xi32>], vector<16xi32>,
          %shift_left3A_1390 = arith.constant 16 : i32
          %shift_left3A_1391 = vector.broadcast %shift_left3A_1390 : i32 to vector<16xi32>
          %shift_left3A_1392 = arith.shli %gather3A_1389, %shift_left3A_1391 : vector<16xi32>
          %bitcast3A_1393 = vector.bitcast %shift_left3A_1392 : vector<16xi32> to vector<16xf32>
          %and3A_1394 = arith.constant -65536 : i32
          %and3A_1395 = vector.broadcast %and3A_1394 : i32 to vector<16xi32>
          %and3A_1396 = arith.andi %gather3A_1389, %and3A_1395 : vector<16xi32>
          %bitcast3A_1397 = vector.bitcast %and3A_1396 : vector<16xi32> to vector<16xf32>
          %mul3A_1398 = arith.mulf %bitcast3A_1393, %exp3A : vector<16xf32>
          tpu.vector_store_idx %arg16[%add3A_487, %or3A_1385], %mul3A_1398 : memref<80x128xf32, #tpu.memory_space<vmem>>[vector<16xi32>, vector<16xi32>], vector<16xf32>,
          %add3A_1399 = arith.constant 64 : i32
          %add3A_1400 = vector.broadcast %add3A_1399 : i32 to vector<16xi32>
          %add3A_1401 = arith.addi %or3A_1385, %add3A_1400 : vector<16xi32>
          %mul3A_1402 = arith.mulf %bitcast3A_1397, %exp3A_1044 : vector<16xf32>
          tpu.vector_store_idx %arg16[%add3A_487, %add3A_1401], %mul3A_1402 : memref<80x128xf32, #tpu.memory_space<vmem>>[vector<16xi32>, vector<16xi32>], vector<16xf32>,
          %add3A_1403 = arith.constant 13 : i32
          %add3A_1404 = vector.broadcast %add3A_1403 : i32 to vector<16xi32>
          %add3A_1405 = arith.addi %iota3A, %add3A_1404 : vector<16xi32>
          %and3A_1406 = arith.constant 15 : i32
          %and3A_1407 = vector.broadcast %and3A_1406 : i32 to vector<16xi32>
          %and3A_1408 = arith.andi %add3A_1405, %and3A_1407 : vector<16xi32>
          %shift_left3A_1409 = arith.constant 4 : i32
          %shift_left3A_1410 = arith.shli %scan3A_505, %shift_left3A_1409 : i32
          %or3A_1411 = vector.broadcast %shift_left3A_1410 : i32 to vector<16xi32>
          %or3A_1412 = arith.ori %and3A_1408, %or3A_1411 : vector<16xi32>
          %add3A_1413 = arith.constant 64 : i32
          %add3A_1414 = vector.broadcast %add3A_1413 : i32 to vector<16xi32>
          %add3A_1415 = arith.addi %or3A_1412, %add3A_1414 : vector<16xi32>
          %gather3A_1416 = tpu.vector_load_idx %arg15[%add3A_487, %add3A_1415] : memref<80x128xi32, #tpu.memory_space<vmem>>[vector<16xi32>, vector<16xi32>], vector<16xi32>,
          %shift_left3A_1417 = arith.constant 16 : i32
          %shift_left3A_1418 = vector.broadcast %shift_left3A_1417 : i32 to vector<16xi32>
          %shift_left3A_1419 = arith.shli %gather3A_1416, %shift_left3A_1418 : vector<16xi32>
          %bitcast3A_1420 = vector.bitcast %shift_left3A_1419 : vector<16xi32> to vector<16xf32>
          %and3A_1421 = arith.constant -65536 : i32
          %and3A_1422 = vector.broadcast %and3A_1421 : i32 to vector<16xi32>
          %and3A_1423 = arith.andi %gather3A_1416, %and3A_1422 : vector<16xi32>
          %bitcast3A_1424 = vector.bitcast %and3A_1423 : vector<16xi32> to vector<16xf32>
          %mul3A_1425 = arith.mulf %bitcast3A_1420, %exp3A : vector<16xf32>
          tpu.vector_store_idx %arg16[%add3A_487, %or3A_1412], %mul3A_1425 : memref<80x128xf32, #tpu.memory_space<vmem>>[vector<16xi32>, vector<16xi32>], vector<16xf32>,
          %add3A_1426 = arith.constant 64 : i32
          %add3A_1427 = vector.broadcast %add3A_1426 : i32 to vector<16xi32>
          %add3A_1428 = arith.addi %or3A_1412, %add3A_1427 : vector<16xi32>
          %mul3A_1429 = arith.mulf %bitcast3A_1424, %exp3A_1044 : vector<16xf32>
          tpu.vector_store_idx %arg16[%add3A_487, %add3A_1428], %mul3A_1429 : memref<80x128xf32, #tpu.memory_space<vmem>>[vector<16xi32>, vector<16xi32>], vector<16xf32>,
          %add3A_1430 = arith.constant 14 : i32
          %add3A_1431 = vector.broadcast %add3A_1430 : i32 to vector<16xi32>
          %add3A_1432 = arith.addi %iota3A, %add3A_1431 : vector<16xi32>
          %and3A_1433 = arith.constant 15 : i32
          %and3A_1434 = vector.broadcast %and3A_1433 : i32 to vector<16xi32>
          %and3A_1435 = arith.andi %add3A_1432, %and3A_1434 : vector<16xi32>
          %shift_left3A_1436 = arith.constant 4 : i32
          %shift_left3A_1437 = arith.shli %scan3A_505, %shift_left3A_1436 : i32
          %or3A_1438 = vector.broadcast %shift_left3A_1437 : i32 to vector<16xi32>
          %or3A_1439 = arith.ori %and3A_1435, %or3A_1438 : vector<16xi32>
          %add3A_1440 = arith.constant 64 : i32
          %add3A_1441 = vector.broadcast %add3A_1440 : i32 to vector<16xi32>
          %add3A_1442 = arith.addi %or3A_1439, %add3A_1441 : vector<16xi32>
          %gather3A_1443 = tpu.vector_load_idx %arg15[%add3A_487, %add3A_1442] : memref<80x128xi32, #tpu.memory_space<vmem>>[vector<16xi32>, vector<16xi32>], vector<16xi32>,
          %shift_left3A_1444 = arith.constant 16 : i32
          %shift_left3A_1445 = vector.broadcast %shift_left3A_1444 : i32 to vector<16xi32>
          %shift_left3A_1446 = arith.shli %gather3A_1443, %shift_left3A_1445 : vector<16xi32>
          %bitcast3A_1447 = vector.bitcast %shift_left3A_1446 : vector<16xi32> to vector<16xf32>
          %and3A_1448 = arith.constant -65536 : i32
          %and3A_1449 = vector.broadcast %and3A_1448 : i32 to vector<16xi32>
          %and3A_1450 = arith.andi %gather3A_1443, %and3A_1449 : vector<16xi32>
          %bitcast3A_1451 = vector.bitcast %and3A_1450 : vector<16xi32> to vector<16xf32>
          %mul3A_1452 = arith.mulf %bitcast3A_1447, %exp3A : vector<16xf32>
          tpu.vector_store_idx %arg16[%add3A_487, %or3A_1439], %mul3A_1452 : memref<80x128xf32, #tpu.memory_space<vmem>>[vector<16xi32>, vector<16xi32>], vector<16xf32>,
          %add3A_1453 = arith.constant 64 : i32
          %add3A_1454 = vector.broadcast %add3A_1453 : i32 to vector<16xi32>
          %add3A_1455 = arith.addi %or3A_1439, %add3A_1454 : vector<16xi32>
          %mul3A_1456 = arith.mulf %bitcast3A_1451, %exp3A_1044 : vector<16xf32>
          tpu.vector_store_idx %arg16[%add3A_487, %add3A_1455], %mul3A_1456 : memref<80x128xf32, #tpu.memory_space<vmem>>[vector<16xi32>, vector<16xi32>], vector<16xf32>,
          %add3A_1457 = arith.constant 15 : i32
          %add3A_1458 = vector.broadcast %add3A_1457 : i32 to vector<16xi32>
          %add3A_1459 = arith.addi %iota3A, %add3A_1458 : vector<16xi32>
          %and3A_1460 = arith.constant 15 : i32
          %and3A_1461 = vector.broadcast %and3A_1460 : i32 to vector<16xi32>
          %and3A_1462 = arith.andi %add3A_1459, %and3A_1461 : vector<16xi32>
          %shift_left3A_1463 = arith.constant 4 : i32
          %shift_left3A_1464 = arith.shli %scan3A_505, %shift_left3A_1463 : i32
          %or3A_1465 = vector.broadcast %shift_left3A_1464 : i32 to vector<16xi32>
          %or3A_1466 = arith.ori %and3A_1462, %or3A_1465 : vector<16xi32>
          %add3A_1467 = arith.constant 64 : i32
          %add3A_1468 = vector.broadcast %add3A_1467 : i32 to vector<16xi32>
          %add3A_1469 = arith.addi %or3A_1466, %add3A_1468 : vector<16xi32>
          %gather3A_1470 = tpu.vector_load_idx %arg15[%add3A_487, %add3A_1469] : memref<80x128xi32, #tpu.memory_space<vmem>>[vector<16xi32>, vector<16xi32>], vector<16xi32>,
          %shift_left3A_1471 = arith.constant 16 : i32
          %shift_left3A_1472 = vector.broadcast %shift_left3A_1471 : i32 to vector<16xi32>
          %shift_left3A_1473 = arith.shli %gather3A_1470, %shift_left3A_1472 : vector<16xi32>
          %bitcast3A_1474 = vector.bitcast %shift_left3A_1473 : vector<16xi32> to vector<16xf32>
          %and3A_1475 = arith.constant -65536 : i32
          %and3A_1476 = vector.broadcast %and3A_1475 : i32 to vector<16xi32>
          %and3A_1477 = arith.andi %gather3A_1470, %and3A_1476 : vector<16xi32>
          %bitcast3A_1478 = vector.bitcast %and3A_1477 : vector<16xi32> to vector<16xf32>
          %mul3A_1479 = arith.mulf %bitcast3A_1474, %exp3A : vector<16xf32>
          tpu.vector_store_idx %arg16[%add3A_487, %or3A_1466], %mul3A_1479 : memref<80x128xf32, #tpu.memory_space<vmem>>[vector<16xi32>, vector<16xi32>], vector<16xf32>,
          %add3A_1480 = arith.constant 64 : i32
          %add3A_1481 = vector.broadcast %add3A_1480 : i32 to vector<16xi32>
          %add3A_1482 = arith.addi %or3A_1466, %add3A_1481 : vector<16xi32>
          %mul3A_1483 = arith.mulf %bitcast3A_1478, %exp3A_1044 : vector<16xf32>
          tpu.vector_store_idx %arg16[%add3A_487, %add3A_1482], %mul3A_1483 : memref<80x128xf32, #tpu.memory_space<vmem>>[vector<16xi32>, vector<16xi32>], vector<16xf32>,
        }
        %scan3A_504 = arith.constant 4 : i32
      }
      %scan3A_187 = arith.constant 5 : i32
      %dma_wait3A_188 = arith.constant 0 : i32
      %dma_wait3A_189 = tpu.memref_slice %arg4[%dma_wait3A_188] : memref<320000xi32, #tpu.memory_space<hbm>> -> memref<80xi32, #tpu.memory_space<hbm>>
      %dma_wait3A_190 = arith.constant 0 : i32
      %dma_wait3A_191 = tpu.memref_slice %arg4[%dma_wait3A_190] : memref<320000xi32, #tpu.memory_space<hbm>> -> memref<80xi32, #tpu.memory_space<hbm>>
      tpu.wait_dma2 semaphore(%arg19 : memref<!tpu.dma_semaphore, #tpu.memory_space<semaphore_mem>>) src(%dma_wait3A_191 : memref<80xi32, #tpu.memory_space<hbm>>) dst(%arg10 : memref<80xi32, #tpu.memory_space<vmem>>)
      %dma_wait3A_192 = arith.constant 0 : i32
      %dma_wait3A_193 = arith.constant 0 : i32
      %dma_wait3A_194 = tpu.memref_slice %arg11[%dma_wait3A_192, %dma_wait3A_193] : memref<2x80xi32, #tpu.memory_space<vmem>> -> memref<1x80xi32, #tpu.memory_space<vmem>>
      %dma_wait3A_195 = tpu.memref_squeeze %dma_wait3A_194 : memref<1x80xi32, #tpu.memory_space<vmem>> -> memref<80xi32, #tpu.memory_space<vmem>>
      %dma_wait3A_196 = arith.constant 0 : i32
      %dma_wait3A_197 = tpu.memref_slice %arg5[%dma_wait3A_196] : memref<320000xi32, #tpu.memory_space<hbm>> -> memref<80xi32, #tpu.memory_space<hbm>>
      %dma_wait3A_198 = arith.constant 0 : i32
      %dma_wait3A_199 = tpu.memref_slice %arg11[%dma_wait3A_192, %dma_wait3A_198] : memref<2x80xi32, #tpu.memory_space<vmem>> -> memref<1x80xi32, #tpu.memory_space<vmem>>
      %dma_wait3A_200 = tpu.memref_squeeze %dma_wait3A_199 : memref<1x80xi32, #tpu.memory_space<vmem>> -> memref<80xi32, #tpu.memory_space<vmem>>
      %dma_wait3A_201 = arith.constant 0 : i32
      %dma_wait3A_202 = tpu.memref_slice %arg5[%dma_wait3A_201] : memref<320000xi32, #tpu.memory_space<hbm>> -> memref<80xi32, #tpu.memory_space<hbm>>
      tpu.wait_dma2 semaphore(%arg19 : memref<!tpu.dma_semaphore, #tpu.memory_space<semaphore_mem>>) src(%dma_wait3A_202 : memref<80xi32, #tpu.memory_space<hbm>>) dst(%dma_wait3A_200 : memref<80xi32, #tpu.memory_space<vmem>>)
      %dma_wait3A_203 = arith.constant 0 : i32
      %dma_wait3A_204 = tpu.memref_slice %arg13[%dma_wait3A_203] : memref<1280xf32, #tpu.memory_space<vmem>> -> memref<640xf32, #tpu.memory_space<vmem>>
      %dma_wait3A_205 = arith.constant 0 : i32
      %dma_wait3A_206 = tpu.memref_slice %arg6[%dma_wait3A_205] : memref<2560000xf32, #tpu.memory_space<hbm>> -> memref<640xf32, #tpu.memory_space<hbm>>
      %dma_wait3A_207 = arith.constant 0 : i32
      %dma_wait3A_208 = tpu.memref_slice %arg13[%dma_wait3A_207] : memref<1280xf32, #tpu.memory_space<vmem>> -> memref<640xf32, #tpu.memory_space<vmem>>
      %dma_wait3A_209 = arith.constant 0 : i32
      %dma_wait3A_210 = tpu.memref_slice %arg6[%dma_wait3A_209] : memref<2560000xf32, #tpu.memory_space<hbm>> -> memref<640xf32, #tpu.memory_space<hbm>>
      tpu.wait_dma2 semaphore(%arg19 : memref<!tpu.dma_semaphore, #tpu.memory_space<semaphore_mem>>) src(%dma_wait3A_210 : memref<640xf32, #tpu.memory_space<hbm>>) dst(%dma_wait3A_208 : memref<640xf32, #tpu.memory_space<vmem>>)
      %get3A_211 = arith.index_cast %sub3A_143 : i32 to index
      %get3A_212 = arith.constant 0 : index
      %get3A_213 = tpu.vector_load %arg11[%get3A_211, %get3A_212] {strides = array<i32>} : memref<2x80xi32, #tpu.memory_space<vmem>>, vector<16xi32>,
      %shift_right_arithmetic3A_214 = arith.constant 4 : i32
      %shift_right_arithmetic3A_215 = vector.broadcast %shift_right_arithmetic3A_214 : i32 to vector<16xi32>
      %shift_right_arithmetic3A_216 = arith.shrsi %get3A_213, %shift_right_arithmetic3A_215 : vector<16xi32>
      %add3A_217 = arith.constant 10112 : i32
      %add3A_218 = vector.broadcast %add3A_217 : i32 to vector<16xi32>
      %add3A_219 = arith.addi %add3A_218, %shift_right_arithmetic3A_216 : vector<16xi32>
      %swap3A_220 = arith.index_cast %sub3A_143 : i32 to index
      %swap3A_221 = arith.constant 0 : index
      %swap3A_222 = tpu.vector_load %arg12[%swap3A_220, %swap3A_221] {strides = array<i32>} : memref<2x80xi32, #tpu.memory_space<vmem>>, vector<16xi32>,
      tpu.vector_store %arg12[%swap3A_220, %swap3A_221], %add3A_219 {strides = array<i32>} : memref<2x80xi32, #tpu.memory_space<vmem>>, vector<16xi32>,
      %get3A_223 = arith.index_cast %sub3A_143 : i32 to index
      %get3A_224 = arith.constant 16 : index
      %get3A_225 = tpu.vector_load %arg11[%get3A_223, %get3A_224] {strides = array<i32>} : memref<2x80xi32, #tpu.memory_space<vmem>>, vector<16xi32>,
      %shift_right_arithmetic3A_226 = arith.constant 4 : i32
      %shift_right_arithmetic3A_227 = vector.broadcast %shift_right_arithmetic3A_226 : i32 to vector<16xi32>
      %shift_right_arithmetic3A_228 = arith.shrsi %get3A_225, %shift_right_arithmetic3A_227 : vector<16xi32>
      %add3A_229 = arith.constant 10112 : i32
      %add3A_230 = vector.broadcast %add3A_229 : i32 to vector<16xi32>
      %add3A_231 = arith.addi %add3A_230, %shift_right_arithmetic3A_228 : vector<16xi32>
      %swap3A_232 = arith.index_cast %sub3A_143 : i32 to index
      %swap3A_233 = arith.constant 16 : index
      %swap3A_234 = tpu.vector_load %arg12[%swap3A_232, %swap3A_233] {strides = array<i32>} : memref<2x80xi32, #tpu.memory_space<vmem>>, vector<16xi32>,
      tpu.vector_store %arg12[%swap3A_232, %swap3A_233], %add3A_231 {strides = array<i32>} : memref<2x80xi32, #tpu.memory_space<vmem>>, vector<16xi32>,
      %get3A_235 = arith.index_cast %sub3A_143 : i32 to index
      %get3A_236 = arith.constant 32 : index
      %get3A_237 = tpu.vector_load %arg11[%get3A_235, %get3A_236] {strides = array<i32>} : memref<2x80xi32, #tpu.memory_space<vmem>>, vector<16xi32>,
      %shift_right_arithmetic3A_238 = arith.constant 4 : i32
      %shift_right_arithmetic3A_239 = vector.broadcast %shift_right_arithmetic3A_238 : i32 to vector<16xi32>
      %shift_right_arithmetic3A_240 = arith.shrsi %get3A_237, %shift_right_arithmetic3A_239 : vector<16xi32>
      %add3A_241 = arith.constant 10112 : i32
      %add3A_242 = vector.broadcast %add3A_241 : i32 to vector<16xi32>
      %add3A_243 = arith.addi %add3A_242, %shift_right_arithmetic3A_240 : vector<16xi32>
      %swap3A_244 = arith.index_cast %sub3A_143 : i32 to index
      %swap3A_245 = arith.constant 32 : index
      %swap3A_246 = tpu.vector_load %arg12[%swap3A_244, %swap3A_245] {strides = array<i32>} : memref<2x80xi32, #tpu.memory_space<vmem>>, vector<16xi32>,
      tpu.vector_store %arg12[%swap3A_244, %swap3A_245], %add3A_243 {strides = array<i32>} : memref<2x80xi32, #tpu.memory_space<vmem>>, vector<16xi32>,
      %get3A_247 = arith.index_cast %sub3A_143 : i32 to index
      %get3A_248 = arith.constant 48 : index
      %get3A_249 = tpu.vector_load %arg11[%get3A_247, %get3A_248] {strides = array<i32>} : memref<2x80xi32, #tpu.memory_space<vmem>>, vector<16xi32>,
      %shift_right_arithmetic3A_250 = arith.constant 4 : i32
      %shift_right_arithmetic3A_251 = vector.broadcast %shift_right_arithmetic3A_250 : i32 to vector<16xi32>
      %shift_right_arithmetic3A_252 = arith.shrsi %get3A_249, %shift_right_arithmetic3A_251 : vector<16xi32>
      %add3A_253 = arith.constant 10112 : i32
      %add3A_254 = vector.broadcast %add3A_253 : i32 to vector<16xi32>
      %add3A_255 = arith.addi %add3A_254, %shift_right_arithmetic3A_252 : vector<16xi32>
      %swap3A_256 = arith.index_cast %sub3A_143 : i32 to index
      %swap3A_257 = arith.constant 48 : index
      %swap3A_258 = tpu.vector_load %arg12[%swap3A_256, %swap3A_257] {strides = array<i32>} : memref<2x80xi32, #tpu.memory_space<vmem>>, vector<16xi32>,
      tpu.vector_store %arg12[%swap3A_256, %swap3A_257], %add3A_255 {strides = array<i32>} : memref<2x80xi32, #tpu.memory_space<vmem>>, vector<16xi32>,
      %get3A_259 = arith.index_cast %sub3A_143 : i32 to index
      %get3A_260 = arith.constant 64 : index
      %get3A_261 = tpu.vector_load %arg11[%get3A_259, %get3A_260] {strides = array<i32>} : memref<2x80xi32, #tpu.memory_space<vmem>>, vector<16xi32>,
      %shift_right_arithmetic3A_262 = arith.constant 4 : i32
      %shift_right_arithmetic3A_263 = vector.broadcast %shift_right_arithmetic3A_262 : i32 to vector<16xi32>
      %shift_right_arithmetic3A_264 = arith.shrsi %get3A_261, %shift_right_arithmetic3A_263 : vector<16xi32>
      %add3A_265 = arith.constant 10112 : i32
      %add3A_266 = vector.broadcast %add3A_265 : i32 to vector<16xi32>
      %add3A_267 = arith.addi %add3A_266, %shift_right_arithmetic3A_264 : vector<16xi32>
      %swap3A_268 = arith.index_cast %sub3A_143 : i32 to index
      %swap3A_269 = arith.constant 64 : index
      %swap3A_270 = tpu.vector_load %arg12[%swap3A_268, %swap3A_269] {strides = array<i32>} : memref<2x80xi32, #tpu.memory_space<vmem>>, vector<16xi32>,
      tpu.vector_store %arg12[%swap3A_268, %swap3A_269], %add3A_267 {strides = array<i32>} : memref<2x80xi32, #tpu.memory_space<vmem>>, vector<16xi32>,
      %dma_start3A_271 = arith.constant 0 : i32
      %dma_start3A_272 = tpu.memref_slice %arg11[%sub3A_143, %dma_start3A_271] : memref<2x80xi32, #tpu.memory_space<vmem>> -> memref<1x80xi32, #tpu.memory_space<vmem>>
      %dma_start3A_273 = tpu.memref_squeeze %dma_start3A_272 : memref<1x80xi32, #tpu.memory_space<vmem>> -> memref<80xi32, #tpu.memory_space<vmem>>
      %dma_start3A_274 = arith.constant 0 : i32
      %dma_start3A_275 = arith.constant 0 : i32
      %dma_start3A_276 = tpu.memref_slice %arg2[%dma_start3A_274, %dma_start3A_275] : memref<10000x128xi32, #tpu.memory_space<hbm>> -> memref<10000x128xi32, #tpu.memory_space<hbm>>
      tpu.enqueue_indirect_dma source(%dma_start3A_276 : memref<10000x128xi32, #tpu.memory_space<hbm>>) target(%arg14 : memref<80x128xi32, #tpu.memory_space<vmem>>) offsets(%dma_start3A_273 : memref<80xi32, #tpu.memory_space<vmem>>) semaphore(%arg18 : memref<!tpu.dma_semaphore, #tpu.memory_space<semaphore_mem>>)
      %dma_start3A_277 = arith.constant 0 : i32
      %dma_start3A_278 = arith.constant 0 : i32
      %dma_start3A_279 = tpu.memref_slice %arg3[%dma_start3A_277, %dma_start3A_278] : memref<10000x128xi32, #tpu.memory_space<hbm>> -> memref<10000x128xi32, #tpu.memory_space<hbm>>
      tpu.enqueue_indirect_dma source(%dma_start3A_279 : memref<10000x128xi32, #tpu.memory_space<hbm>>) target(%arg15 : memref<80x128xi32, #tpu.memory_space<vmem>>) offsets(%arg10 : memref<80xi32, #tpu.memory_space<vmem>>) semaphore(%arg18 : memref<!tpu.dma_semaphore, #tpu.memory_space<semaphore_mem>>)
      %dma_start3A_280 = arith.constant 0 : i32
      %dma_start3A_281 = tpu.memref_slice %arg11[%and3A_142, %dma_start3A_280] : memref<2x80xi32, #tpu.memory_space<vmem>> -> memref<1x80xi32, #tpu.memory_space<vmem>>
      %dma_start3A_282 = tpu.memref_squeeze %dma_start3A_281 : memref<1x80xi32, #tpu.memory_space<vmem>> -> memref<80xi32, #tpu.memory_space<vmem>>
      %dma_start3A_283 = arith.constant 0 : i32
      %dma_start3A_284 = arith.constant 0 : i32
      %dma_start3A_285 = tpu.memref_slice %arg9[%dma_start3A_283, %dma_start3A_284] : memref<10752x128xf32, #tpu.memory_space<vmem_shared>> -> memref<10752x128xf32, #tpu.memory_space<vmem_shared>>
      tpu.enqueue_indirect_dma source(%arg16 : memref<80x128xf32, #tpu.memory_space<vmem>>) target(%dma_start3A_285 : memref<10752x128xf32, #tpu.memory_space<vmem_shared>>) offsets(%dma_start3A_282 : memref<80xi32, #tpu.memory_space<vmem>>) semaphore(%arg19 : memref<!tpu.dma_semaphore, #tpu.memory_space<semaphore_mem>>) {add = true}
      %dma_start3A_286 = arith.constant 0 : i32
      %dma_start3A_287 = tpu.memref_slice %arg12[%and3A_142, %dma_start3A_286] : memref<2x80xi32, #tpu.memory_space<vmem>> -> memref<1x80xi32, #tpu.memory_space<vmem>>
      %dma_start3A_288 = tpu.memref_squeeze %dma_start3A_287 : memref<1x80xi32, #tpu.memory_space<vmem>> -> memref<80xi32, #tpu.memory_space<vmem>>
      %dma_start3A_289 = arith.constant 0 : i32
      %dma_start3A_290 = arith.constant 0 : i32
      %dma_start3A_291 = tpu.memref_slice %arg9[%dma_start3A_289, %dma_start3A_290] : memref<10752x128xf32, #tpu.memory_space<vmem_shared>> -> memref<10752x128xf32, #tpu.memory_space<vmem_shared>>
      tpu.enqueue_indirect_dma source(%arg17 : memref<80x128xf32, #tpu.memory_space<vmem>>) target(%dma_start3A_291 : memref<10752x128xf32, #tpu.memory_space<vmem_shared>>) offsets(%dma_start3A_288 : memref<80xi32, #tpu.memory_space<vmem>>) semaphore(%arg19 : memref<!tpu.dma_semaphore, #tpu.memory_space<semaphore_mem>>) {add = true}
      %dma_wait3A_292 = arith.constant 0 : i32
      %dma_wait3A_293 = tpu.memref_slice %arg11[%and3A_142, %dma_wait3A_292] : memref<2x80xi32, #tpu.memory_space<vmem>> -> memref<1x80xi32, #tpu.memory_space<vmem>>
      %dma_wait3A_294 = tpu.memref_squeeze %dma_wait3A_293 : memref<1x80xi32, #tpu.memory_space<vmem>> -> memref<80xi32, #tpu.memory_space<vmem>>
      %dma_wait3A_295 = arith.constant 0 : i32
      %dma_wait3A_296 = arith.constant 0 : i32
      %dma_wait3A_297 = tpu.memref_slice %arg9[%dma_wait3A_295, %dma_wait3A_296] : memref<10752x128xf32, #tpu.memory_space<vmem_shared>> -> memref<10752x128xf32, #tpu.memory_space<vmem_shared>>
      tpu.wait_indirect_dma semaphore(%arg19 : memref<!tpu.dma_semaphore, #tpu.memory_space<semaphore_mem>>) src(%arg16 : memref<80x128xf32, #tpu.memory_space<vmem>>) dst(%dma_wait3A_297 : memref<10752x128xf32, #tpu.memory_space<vmem_shared>>)
      %dma_wait3A_298 = arith.constant 0 : i32
      %dma_wait3A_299 = tpu.memref_slice %arg12[%and3A_142, %dma_wait3A_298] : memref<2x80xi32, #tpu.memory_space<vmem>> -> memref<1x80xi32, #tpu.memory_space<vmem>>
      %dma_wait3A_300 = tpu.memref_squeeze %dma_wait3A_299 : memref<1x80xi32, #tpu.memory_space<vmem>> -> memref<80xi32, #tpu.memory_space<vmem>>
      %dma_wait3A_301 = arith.constant 0 : i32
      %dma_wait3A_302 = arith.constant 0 : i32
      %dma_wait3A_303 = tpu.memref_slice %arg9[%dma_wait3A_301, %dma_wait3A_302] : memref<10752x128xf32, #tpu.memory_space<vmem_shared>> -> memref<10752x128xf32, #tpu.memory_space<vmem_shared>>
      tpu.wait_indirect_dma semaphore(%arg19 : memref<!tpu.dma_semaphore, #tpu.memory_space<semaphore_mem>>) src(%arg17 : memref<80x128xf32, #tpu.memory_space<vmem>>) dst(%dma_wait3A_303 : memref<10752x128xf32, #tpu.memory_space<vmem_shared>>)
      %add3A_304 = arith.constant 0 : i32
      %add3A_305 = vector.broadcast %add3A_304 : i32 to vector<16xi32>
      %add3A_306 = arith.addi %add3A_305, %iota3A : vector<16xi32>
      %get3A_307 = arith.index_cast %and3A_142 : i32 to index
      %get3A_308 = arith.constant 0 : index
      %get3A_309 = tpu.vector_load %arg11[%get3A_307, %get3A_308] {strides = array<i32>} : memref<2x80xi32, #tpu.memory_space<vmem>>, vector<16xi32>,
      %and3A_310 = arith.constant 15 : i32
      %and3A_311 = vector.broadcast %and3A_310 : i32 to vector<16xi32>
      %and3A_312 = arith.andi %get3A_309, %and3A_311 : vector<16xi32>
      %shift_left3A = arith.constant 3 : i32
      %shift_left3A_313 = vector.broadcast %shift_left3A : i32 to vector<16xi32>
      %shift_left3A_314 = arith.shli %and3A_312, %shift_left3A_313 : vector<16xi32>
      %add3A_315 = arith.constant 0 : i32
      %add3A_316 = vector.broadcast %add3A_315 : i32 to vector<16xi32>
      %add3A_317 = arith.addi %shift_left3A_314, %add3A_316 : vector<16xi32>
      tpu.vector_store_idx %arg17[%add3A_306, %add3A_317], %broadcast_in_dim3A_5 : memref<80x128xf32, #tpu.memory_space<vmem>>[vector<16xi32>, vector<16xi32>], vector<16xf32>,
      %add3A_318 = arith.constant 1 : i32
      %add3A_319 = vector.broadcast %add3A_318 : i32 to vector<16xi32>
      %add3A_320 = arith.addi %shift_left3A_314, %add3A_319 : vector<16xi32>
      tpu.vector_store_idx %arg17[%add3A_306, %add3A_320], %broadcast_in_dim3A_5 : memref<80x128xf32, #tpu.memory_space<vmem>>[vector<16xi32>, vector<16xi32>], vector<16xf32>,
      %add3A_321 = arith.constant 2 : i32
      %add3A_322 = vector.broadcast %add3A_321 : i32 to vector<16xi32>
      %add3A_323 = arith.addi %shift_left3A_314, %add3A_322 : vector<16xi32>
      tpu.vector_store_idx %arg17[%add3A_306, %add3A_323], %broadcast_in_dim3A_5 : memref<80x128xf32, #tpu.memory_space<vmem>>[vector<16xi32>, vector<16xi32>], vector<16xf32>,
      %add3A_324 = arith.constant 3 : i32
      %add3A_325 = vector.broadcast %add3A_324 : i32 to vector<16xi32>
      %add3A_326 = arith.addi %shift_left3A_314, %add3A_325 : vector<16xi32>
      tpu.vector_store_idx %arg17[%add3A_306, %add3A_326], %broadcast_in_dim3A_5 : memref<80x128xf32, #tpu.memory_space<vmem>>[vector<16xi32>, vector<16xi32>], vector<16xf32>,
      %add3A_327 = arith.constant 4 : i32
      %add3A_328 = vector.broadcast %add3A_327 : i32 to vector<16xi32>
      %add3A_329 = arith.addi %shift_left3A_314, %add3A_328 : vector<16xi32>
      tpu.vector_store_idx %arg17[%add3A_306, %add3A_329], %broadcast_in_dim3A_5 : memref<80x128xf32, #tpu.memory_space<vmem>>[vector<16xi32>, vector<16xi32>], vector<16xf32>,
      %add3A_330 = arith.constant 5 : i32
      %add3A_331 = vector.broadcast %add3A_330 : i32 to vector<16xi32>
      %add3A_332 = arith.addi %shift_left3A_314, %add3A_331 : vector<16xi32>
      tpu.vector_store_idx %arg17[%add3A_306, %add3A_332], %broadcast_in_dim3A_5 : memref<80x128xf32, #tpu.memory_space<vmem>>[vector<16xi32>, vector<16xi32>], vector<16xf32>,
      %add3A_333 = arith.constant 6 : i32
      %add3A_334 = vector.broadcast %add3A_333 : i32 to vector<16xi32>
      %add3A_335 = arith.addi %shift_left3A_314, %add3A_334 : vector<16xi32>
      tpu.vector_store_idx %arg17[%add3A_306, %add3A_335], %broadcast_in_dim3A_5 : memref<80x128xf32, #tpu.memory_space<vmem>>[vector<16xi32>, vector<16xi32>], vector<16xf32>,
      %add3A_336 = arith.constant 7 : i32
      %add3A_337 = vector.broadcast %add3A_336 : i32 to vector<16xi32>
      %add3A_338 = arith.addi %shift_left3A_314, %add3A_337 : vector<16xi32>
      tpu.vector_store_idx %arg17[%add3A_306, %add3A_338], %broadcast_in_dim3A_5 : memref<80x128xf32, #tpu.memory_space<vmem>>[vector<16xi32>, vector<16xi32>], vector<16xf32>,
      %add3A_339 = arith.constant 16 : i32
      %add3A_340 = vector.broadcast %add3A_339 : i32 to vector<16xi32>
      %add3A_341 = arith.addi %add3A_340, %iota3A : vector<16xi32>
      %get3A_342 = arith.index_cast %and3A_142 : i32 to index
      %get3A_343 = arith.constant 16 : index
      %get3A_344 = tpu.vector_load %arg11[%get3A_342, %get3A_343] {strides = array<i32>} : memref<2x80xi32, #tpu.memory_space<vmem>>, vector<16xi32>,
      %and3A_345 = arith.constant 15 : i32
      %and3A_346 = vector.broadcast %and3A_345 : i32 to vector<16xi32>
      %and3A_347 = arith.andi %get3A_344, %and3A_346 : vector<16xi32>
      %shift_left3A_348 = arith.constant 3 : i32
      %shift_left3A_349 = vector.broadcast %shift_left3A_348 : i32 to vector<16xi32>
      %shift_left3A_350 = arith.shli %and3A_347, %shift_left3A_349 : vector<16xi32>
      %add3A_351 = arith.constant 0 : i32
      %add3A_352 = vector.broadcast %add3A_351 : i32 to vector<16xi32>
      %add3A_353 = arith.addi %shift_left3A_350, %add3A_352 : vector<16xi32>
      tpu.vector_store_idx %arg17[%add3A_341, %add3A_353], %broadcast_in_dim3A_5 : memref<80x128xf32, #tpu.memory_space<vmem>>[vector<16xi32>, vector<16xi32>], vector<16xf32>,
      %add3A_354 = arith.constant 1 : i32
      %add3A_355 = vector.broadcast %add3A_354 : i32 to vector<16xi32>
      %add3A_356 = arith.addi %shift_left3A_350, %add3A_355 : vector<16xi32>
      tpu.vector_store_idx %arg17[%add3A_341, %add3A_356], %broadcast_in_dim3A_5 : memref<80x128xf32, #tpu.memory_space<vmem>>[vector<16xi32>, vector<16xi32>], vector<16xf32>,
      %add3A_357 = arith.constant 2 : i32
      %add3A_358 = vector.broadcast %add3A_357 : i32 to vector<16xi32>
      %add3A_359 = arith.addi %shift_left3A_350, %add3A_358 : vector<16xi32>
      tpu.vector_store_idx %arg17[%add3A_341, %add3A_359], %broadcast_in_dim3A_5 : memref<80x128xf32, #tpu.memory_space<vmem>>[vector<16xi32>, vector<16xi32>], vector<16xf32>,
      %add3A_360 = arith.constant 3 : i32
      %add3A_361 = vector.broadcast %add3A_360 : i32 to vector<16xi32>
      %add3A_362 = arith.addi %shift_left3A_350, %add3A_361 : vector<16xi32>
      tpu.vector_store_idx %arg17[%add3A_341, %add3A_362], %broadcast_in_dim3A_5 : memref<80x128xf32, #tpu.memory_space<vmem>>[vector<16xi32>, vector<16xi32>], vector<16xf32>,
      %add3A_363 = arith.constant 4 : i32
      %add3A_364 = vector.broadcast %add3A_363 : i32 to vector<16xi32>
      %add3A_365 = arith.addi %shift_left3A_350, %add3A_364 : vector<16xi32>
      tpu.vector_store_idx %arg17[%add3A_341, %add3A_365], %broadcast_in_dim3A_5 : memref<80x128xf32, #tpu.memory_space<vmem>>[vector<16xi32>, vector<16xi32>], vector<16xf32>,
      %add3A_366 = arith.constant 5 : i32
      %add3A_367 = vector.broadcast %add3A_366 : i32 to vector<16xi32>
      %add3A_368 = arith.addi %shift_left3A_350, %add3A_367 : vector<16xi32>
      tpu.vector_store_idx %arg17[%add3A_341, %add3A_368], %broadcast_in_dim3A_5 : memref<80x128xf32, #tpu.memory_space<vmem>>[vector<16xi32>, vector<16xi32>], vector<16xf32>,
      %add3A_369 = arith.constant 6 : i32
      %add3A_370 = vector.broadcast %add3A_369 : i32 to vector<16xi32>
      %add3A_371 = arith.addi %shift_left3A_350, %add3A_370 : vector<16xi32>
      tpu.vector_store_idx %arg17[%add3A_341, %add3A_371], %broadcast_in_dim3A_5 : memref<80x128xf32, #tpu.memory_space<vmem>>[vector<16xi32>, vector<16xi32>], vector<16xf32>,
      %add3A_372 = arith.constant 7 : i32
      %add3A_373 = vector.broadcast %add3A_372 : i32 to vector<16xi32>
      %add3A_374 = arith.addi %shift_left3A_350, %add3A_373 : vector<16xi32>
      tpu.vector_store_idx %arg17[%add3A_341, %add3A_374], %broadcast_in_dim3A_5 : memref<80x128xf32, #tpu.memory_space<vmem>>[vector<16xi32>, vector<16xi32>], vector<16xf32>,
      %add3A_375 = arith.constant 32 : i32
      %add3A_376 = vector.broadcast %add3A_375 : i32 to vector<16xi32>
      %add3A_377 = arith.addi %add3A_376, %iota3A : vector<16xi32>
      %get3A_378 = arith.index_cast %and3A_142 : i32 to index
      %get3A_379 = arith.constant 32 : index
      %get3A_380 = tpu.vector_load %arg11[%get3A_378, %get3A_379] {strides = array<i32>} : memref<2x80xi32, #tpu.memory_space<vmem>>, vector<16xi32>,
      %and3A_381 = arith.constant 15 : i32
      %and3A_382 = vector.broadcast %and3A_381 : i32 to vector<16xi32>
      %and3A_383 = arith.andi %get3A_380, %and3A_382 : vector<16xi32>
      %shift_left3A_384 = arith.constant 3 : i32
      %shift_left3A_385 = vector.broadcast %shift_left3A_384 : i32 to vector<16xi32>
      %shift_left3A_386 = arith.shli %and3A_383, %shift_left3A_385 : vector<16xi32>
      %add3A_387 = arith.constant 0 : i32
      %add3A_388 = vector.broadcast %add3A_387 : i32 to vector<16xi32>
      %add3A_389 = arith.addi %shift_left3A_386, %add3A_388 : vector<16xi32>
      tpu.vector_store_idx %arg17[%add3A_377, %add3A_389], %broadcast_in_dim3A_5 : memref<80x128xf32, #tpu.memory_space<vmem>>[vector<16xi32>, vector<16xi32>], vector<16xf32>,
      %add3A_390 = arith.constant 1 : i32
      %add3A_391 = vector.broadcast %add3A_390 : i32 to vector<16xi32>
      %add3A_392 = arith.addi %shift_left3A_386, %add3A_391 : vector<16xi32>
      tpu.vector_store_idx %arg17[%add3A_377, %add3A_392], %broadcast_in_dim3A_5 : memref<80x128xf32, #tpu.memory_space<vmem>>[vector<16xi32>, vector<16xi32>], vector<16xf32>,
      %add3A_393 = arith.constant 2 : i32
      %add3A_394 = vector.broadcast %add3A_393 : i32 to vector<16xi32>
      %add3A_395 = arith.addi %shift_left3A_386, %add3A_394 : vector<16xi32>
      tpu.vector_store_idx %arg17[%add3A_377, %add3A_395], %broadcast_in_dim3A_5 : memref<80x128xf32, #tpu.memory_space<vmem>>[vector<16xi32>, vector<16xi32>], vector<16xf32>,
      %add3A_396 = arith.constant 3 : i32
      %add3A_397 = vector.broadcast %add3A_396 : i32 to vector<16xi32>
      %add3A_398 = arith.addi %shift_left3A_386, %add3A_397 : vector<16xi32>
      tpu.vector_store_idx %arg17[%add3A_377, %add3A_398], %broadcast_in_dim3A_5 : memref<80x128xf32, #tpu.memory_space<vmem>>[vector<16xi32>, vector<16xi32>], vector<16xf32>,
      %add3A_399 = arith.constant 4 : i32
      %add3A_400 = vector.broadcast %add3A_399 : i32 to vector<16xi32>
      %add3A_401 = arith.addi %shift_left3A_386, %add3A_400 : vector<16xi32>
      tpu.vector_store_idx %arg17[%add3A_377, %add3A_401], %broadcast_in_dim3A_5 : memref<80x128xf32, #tpu.memory_space<vmem>>[vector<16xi32>, vector<16xi32>], vector<16xf32>,
      %add3A_402 = arith.constant 5 : i32
      %add3A_403 = vector.broadcast %add3A_402 : i32 to vector<16xi32>
      %add3A_404 = arith.addi %shift_left3A_386, %add3A_403 : vector<16xi32>
      tpu.vector_store_idx %arg17[%add3A_377, %add3A_404], %broadcast_in_dim3A_5 : memref<80x128xf32, #tpu.memory_space<vmem>>[vector<16xi32>, vector<16xi32>], vector<16xf32>,
      %add3A_405 = arith.constant 6 : i32
      %add3A_406 = vector.broadcast %add3A_405 : i32 to vector<16xi32>
      %add3A_407 = arith.addi %shift_left3A_386, %add3A_406 : vector<16xi32>
      tpu.vector_store_idx %arg17[%add3A_377, %add3A_407], %broadcast_in_dim3A_5 : memref<80x128xf32, #tpu.memory_space<vmem>>[vector<16xi32>, vector<16xi32>], vector<16xf32>,
      %add3A_408 = arith.constant 7 : i32
      %add3A_409 = vector.broadcast %add3A_408 : i32 to vector<16xi32>
      %add3A_410 = arith.addi %shift_left3A_386, %add3A_409 : vector<16xi32>
      tpu.vector_store_idx %arg17[%add3A_377, %add3A_410], %broadcast_in_dim3A_5 : memref<80x128xf32, #tpu.memory_space<vmem>>[vector<16xi32>, vector<16xi32>], vector<16xf32>,
      %add3A_411 = arith.constant 48 : i32
      %add3A_412 = vector.broadcast %add3A_411 : i32 to vector<16xi32>
      %add3A_413 = arith.addi %add3A_412, %iota3A : vector<16xi32>
      %get3A_414 = arith.index_cast %and3A_142 : i32 to index
      %get3A_415 = arith.constant 48 : index
      %get3A_416 = tpu.vector_load %arg11[%get3A_414, %get3A_415] {strides = array<i32>} : memref<2x80xi32, #tpu.memory_space<vmem>>, vector<16xi32>,
      %and3A_417 = arith.constant 15 : i32
      %and3A_418 = vector.broadcast %and3A_417 : i32 to vector<16xi32>
      %and3A_419 = arith.andi %get3A_416, %and3A_418 : vector<16xi32>
      %shift_left3A_420 = arith.constant 3 : i32
      %shift_left3A_421 = vector.broadcast %shift_left3A_420 : i32 to vector<16xi32>
      %shift_left3A_422 = arith.shli %and3A_419, %shift_left3A_421 : vector<16xi32>
      %add3A_423 = arith.constant 0 : i32
      %add3A_424 = vector.broadcast %add3A_423 : i32 to vector<16xi32>
      %add3A_425 = arith.addi %shift_left3A_422, %add3A_424 : vector<16xi32>
      tpu.vector_store_idx %arg17[%add3A_413, %add3A_425], %broadcast_in_dim3A_5 : memref<80x128xf32, #tpu.memory_space<vmem>>[vector<16xi32>, vector<16xi32>], vector<16xf32>,
      %add3A_426 = arith.constant 1 : i32
      %add3A_427 = vector.broadcast %add3A_426 : i32 to vector<16xi32>
      %add3A_428 = arith.addi %shift_left3A_422, %add3A_427 : vector<16xi32>
      tpu.vector_store_idx %arg17[%add3A_413, %add3A_428], %broadcast_in_dim3A_5 : memref<80x128xf32, #tpu.memory_space<vmem>>[vector<16xi32>, vector<16xi32>], vector<16xf32>,
      %add3A_429 = arith.constant 2 : i32
      %add3A_430 = vector.broadcast %add3A_429 : i32 to vector<16xi32>
      %add3A_431 = arith.addi %shift_left3A_422, %add3A_430 : vector<16xi32>
      tpu.vector_store_idx %arg17[%add3A_413, %add3A_431], %broadcast_in_dim3A_5 : memref<80x128xf32, #tpu.memory_space<vmem>>[vector<16xi32>, vector<16xi32>], vector<16xf32>,
      %add3A_432 = arith.constant 3 : i32
      %add3A_433 = vector.broadcast %add3A_432 : i32 to vector<16xi32>
      %add3A_434 = arith.addi %shift_left3A_422, %add3A_433 : vector<16xi32>
      tpu.vector_store_idx %arg17[%add3A_413, %add3A_434], %broadcast_in_dim3A_5 : memref<80x128xf32, #tpu.memory_space<vmem>>[vector<16xi32>, vector<16xi32>], vector<16xf32>,
      %add3A_435 = arith.constant 4 : i32
      %add3A_436 = vector.broadcast %add3A_435 : i32 to vector<16xi32>
      %add3A_437 = arith.addi %shift_left3A_422, %add3A_436 : vector<16xi32>
      tpu.vector_store_idx %arg17[%add3A_413, %add3A_437], %broadcast_in_dim3A_5 : memref<80x128xf32, #tpu.memory_space<vmem>>[vector<16xi32>, vector<16xi32>], vector<16xf32>,
      %add3A_438 = arith.constant 5 : i32
      %add3A_439 = vector.broadcast %add3A_438 : i32 to vector<16xi32>
      %add3A_440 = arith.addi %shift_left3A_422, %add3A_439 : vector<16xi32>
      tpu.vector_store_idx %arg17[%add3A_413, %add3A_440], %broadcast_in_dim3A_5 : memref<80x128xf32, #tpu.memory_space<vmem>>[vector<16xi32>, vector<16xi32>], vector<16xf32>,
      %add3A_441 = arith.constant 6 : i32
      %add3A_442 = vector.broadcast %add3A_441 : i32 to vector<16xi32>
      %add3A_443 = arith.addi %shift_left3A_422, %add3A_442 : vector<16xi32>
      tpu.vector_store_idx %arg17[%add3A_413, %add3A_443], %broadcast_in_dim3A_5 : memref<80x128xf32, #tpu.memory_space<vmem>>[vector<16xi32>, vector<16xi32>], vector<16xf32>,
      %add3A_444 = arith.constant 7 : i32
      %add3A_445 = vector.broadcast %add3A_444 : i32 to vector<16xi32>
      %add3A_446 = arith.addi %shift_left3A_422, %add3A_445 : vector<16xi32>
      tpu.vector_store_idx %arg17[%add3A_413, %add3A_446], %broadcast_in_dim3A_5 : memref<80x128xf32, #tpu.memory_space<vmem>>[vector<16xi32>, vector<16xi32>], vector<16xf32>,
      %add3A_447 = arith.constant 64 : i32
      %add3A_448 = vector.broadcast %add3A_447 : i32 to vector<16xi32>
      %add3A_449 = arith.addi %add3A_448, %iota3A : vector<16xi32>
      %get3A_450 = arith.index_cast %and3A_142 : i32 to index
      %get3A_451 = arith.constant 64 : index
      %get3A_452 = tpu.vector_load %arg11[%get3A_450, %get3A_451] {strides = array<i32>} : memref<2x80xi32, #tpu.memory_space<vmem>>, vector<16xi32>,
      %and3A_453 = arith.constant 15 : i32
      %and3A_454 = vector.broadcast %and3A_453 : i32 to vector<16xi32>
      %and3A_455 = arith.andi %get3A_452, %and3A_454 : vector<16xi32>
      %shift_left3A_456 = arith.constant 3 : i32
      %shift_left3A_457 = vector.broadcast %shift_left3A_456 : i32 to vector<16xi32>
      %shift_left3A_458 = arith.shli %and3A_455, %shift_left3A_457 : vector<16xi32>
      %add3A_459 = arith.constant 0 : i32
      %add3A_460 = vector.broadcast %add3A_459 : i32 to vector<16xi32>
      %add3A_461 = arith.addi %shift_left3A_458, %add3A_460 : vector<16xi32>
      tpu.vector_store_idx %arg17[%add3A_449, %add3A_461], %broadcast_in_dim3A_5 : memref<80x128xf32, #tpu.memory_space<vmem>>[vector<16xi32>, vector<16xi32>], vector<16xf32>,
      %add3A_462 = arith.constant 1 : i32
      %add3A_463 = vector.broadcast %add3A_462 : i32 to vector<16xi32>
      %add3A_464 = arith.addi %shift_left3A_458, %add3A_463 : vector<16xi32>
      tpu.vector_store_idx %arg17[%add3A_449, %add3A_464], %broadcast_in_dim3A_5 : memref<80x128xf32, #tpu.memory_space<vmem>>[vector<16xi32>, vector<16xi32>], vector<16xf32>,
      %add3A_465 = arith.constant 2 : i32
      %add3A_466 = vector.broadcast %add3A_465 : i32 to vector<16xi32>
      %add3A_467 = arith.addi %shift_left3A_458, %add3A_466 : vector<16xi32>
      tpu.vector_store_idx %arg17[%add3A_449, %add3A_467], %broadcast_in_dim3A_5 : memref<80x128xf32, #tpu.memory_space<vmem>>[vector<16xi32>, vector<16xi32>], vector<16xf32>,
      %add3A_468 = arith.constant 3 : i32
      %add3A_469 = vector.broadcast %add3A_468 : i32 to vector<16xi32>
      %add3A_470 = arith.addi %shift_left3A_458, %add3A_469 : vector<16xi32>
      tpu.vector_store_idx %arg17[%add3A_449, %add3A_470], %broadcast_in_dim3A_5 : memref<80x128xf32, #tpu.memory_space<vmem>>[vector<16xi32>, vector<16xi32>], vector<16xf32>,
      %add3A_471 = arith.constant 4 : i32
      %add3A_472 = vector.broadcast %add3A_471 : i32 to vector<16xi32>
      %add3A_473 = arith.addi %shift_left3A_458, %add3A_472 : vector<16xi32>
      tpu.vector_store_idx %arg17[%add3A_449, %add3A_473], %broadcast_in_dim3A_5 : memref<80x128xf32, #tpu.memory_space<vmem>>[vector<16xi32>, vector<16xi32>], vector<16xf32>,
      %add3A_474 = arith.constant 5 : i32
      %add3A_475 = vector.broadcast %add3A_474 : i32 to vector<16xi32>
      %add3A_476 = arith.addi %shift_left3A_458, %add3A_475 : vector<16xi32>
      tpu.vector_store_idx %arg17[%add3A_449, %add3A_476], %broadcast_in_dim3A_5 : memref<80x128xf32, #tpu.memory_space<vmem>>[vector<16xi32>, vector<16xi32>], vector<16xf32>,
      %add3A_477 = arith.constant 6 : i32
      %add3A_478 = vector.broadcast %add3A_477 : i32 to vector<16xi32>
      %add3A_479 = arith.addi %shift_left3A_458, %add3A_478 : vector<16xi32>
      tpu.vector_store_idx %arg17[%add3A_449, %add3A_479], %broadcast_in_dim3A_5 : memref<80x128xf32, #tpu.memory_space<vmem>>[vector<16xi32>, vector<16xi32>], vector<16xf32>,
      %add3A_480 = arith.constant 7 : i32
      %add3A_481 = vector.broadcast %add3A_480 : i32 to vector<16xi32>
      %add3A_482 = arith.addi %shift_left3A_458, %add3A_481 : vector<16xi32>
      tpu.vector_store_idx %arg17[%add3A_449, %add3A_482], %broadcast_in_dim3A_5 : memref<80x128xf32, #tpu.memory_space<vmem>>[vector<16xi32>, vector<16xi32>], vector<16xf32>,
    }
    %scan3A_125 = arith.constant 125 : i32
    %dma_wait3A_126 = arith.constant 0 : i32
    %dma_wait3A_127 = arith.constant 0 : i32
    %dma_wait3A_128 = tpu.memref_slice %arg11[%dma_wait3A_126, %dma_wait3A_127] : memref<2x80xi32, #tpu.memory_space<vmem>> -> memref<1x80xi32, #tpu.memory_space<vmem>>
    %dma_wait3A_129 = tpu.memref_squeeze %dma_wait3A_128 : memref<1x80xi32, #tpu.memory_space<vmem>> -> memref<80xi32, #tpu.memory_space<vmem>>
    %dma_wait3A_130 = arith.constant 0 : i32
    %dma_wait3A_131 = arith.constant 0 : i32
    %dma_wait3A_132 = tpu.memref_slice %arg2[%dma_wait3A_130, %dma_wait3A_131] : memref<10000x128xi32, #tpu.memory_space<hbm>> -> memref<10000x128xi32, #tpu.memory_space<hbm>>
    tpu.wait_indirect_dma semaphore(%arg18 : memref<!tpu.dma_semaphore, #tpu.memory_space<semaphore_mem>>) src(%dma_wait3A_132 : memref<10000x128xi32, #tpu.memory_space<hbm>>) dst(%arg14 : memref<80x128xi32, #tpu.memory_space<vmem>>)
    %dma_wait3A_133 = arith.constant 0 : i32
    %dma_wait3A_134 = arith.constant 0 : i32
    %dma_wait3A_135 = tpu.memref_slice %arg3[%dma_wait3A_133, %dma_wait3A_134] : memref<10000x128xi32, #tpu.memory_space<hbm>> -> memref<10000x128xi32, #tpu.memory_space<hbm>>
    tpu.wait_indirect_dma semaphore(%arg18 : memref<!tpu.dma_semaphore, #tpu.memory_space<semaphore_mem>>) src(%dma_wait3A_135 : memref<10000x128xi32, #tpu.memory_space<hbm>>) dst(%arg15 : memref<80x128xi32, #tpu.memory_space<vmem>>)
    %barrier3A_136 = arith.constant 0 : index
    tpu.barrier barrier_id(%barrier3A_136)
    %mul3A_137 = arith.constant 672 : i32
    %mul3A_138 = arith.muli %arg1, %mul3A_137 : i32
    %mul3A_139 = arith.constant 672 : i32
    %mul3A_140 = arith.muli %arg1, %mul3A_139 : i32
    "tpu.region"() ({
      %run_scoped3A = tpu.sem_alloc : memref<!tpu.dma_semaphore, #tpu.memory_space<semaphore_mem>>
      %dma_start3A_141 = arith.constant 0 : i32
      %dma_start3A_142 = tpu.memref_slice %arg8[%arg0, %mul3A_140, %dma_start3A_141] : memref<2x10752x128xf32, #tpu.memory_space<hbm>> -> memref<1x672x128xf32, #tpu.memory_space<hbm>>
      %dma_start3A_143 = tpu.memref_squeeze %dma_start3A_142 : memref<1x672x128xf32, #tpu.memory_space<hbm>> -> memref<672x128xf32, #tpu.memory_space<hbm>>
      %dma_start3A_144 = arith.constant 0 : i32
      %dma_start3A_145 = tpu.memref_slice %arg9[%mul3A_138, %dma_start3A_144] : memref<10752x128xf32, #tpu.memory_space<vmem_shared>> -> memref<672x128xf32, #tpu.memory_space<vmem_shared>>
      tpu.enqueue_dma source(%dma_start3A_145 : memref<672x128xf32, #tpu.memory_space<vmem_shared>>) target(%dma_start3A_143 : memref<672x128xf32, #tpu.memory_space<hbm>>) target_semaphore(%run_scoped3A : memref<!tpu.dma_semaphore, #tpu.memory_space<semaphore_mem>>)
      %dma_wait3A_146 = arith.constant 0 : i32
      %dma_wait3A_147 = tpu.memref_slice %arg8[%arg0, %mul3A_140, %dma_wait3A_146] : memref<2x10752x128xf32, #tpu.memory_space<hbm>> -> memref<1x672x128xf32, #tpu.memory_space<hbm>>
      %dma_wait3A_148 = tpu.memref_squeeze %dma_wait3A_147 : memref<1x672x128xf32, #tpu.memory_space<hbm>> -> memref<672x128xf32, #tpu.memory_space<hbm>>
      %dma_wait3A_149 = arith.constant 0 : i32
      %dma_wait3A_150 = tpu.memref_slice %arg9[%mul3A_138, %dma_wait3A_149] : memref<10752x128xf32, #tpu.memory_space<vmem_shared>> -> memref<672x128xf32, #tpu.memory_space<vmem_shared>>
      tpu.wait_dma2 semaphore(%run_scoped3A : memref<!tpu.dma_semaphore, #tpu.memory_space<semaphore_mem>>) src(%dma_wait3A_150 : memref<672x128xf32, #tpu.memory_space<vmem_shared>>) dst(%dma_wait3A_148 : memref<672x128xf32, #tpu.memory_space<hbm>>)
      tpu.yield
    }) : () -> ()
    return
  }
}

module attributes {stable_mosaic.version = 14 : i64} {
  func.func @_proj_body(%arg0: i32, %arg1: memref<1000x128xf32, #tpu.memory_space<vmem>>, %arg2: memref<2000x256xf32, #tpu.memory_space<vmem>>, %arg3: memref<128x128xf32, #tpu.memory_space<vmem>>, %arg4: memref<128x128xf32, #tpu.memory_space<vmem>>, %arg5: memref<128x128xf32, #tpu.memory_space<vmem>>, %arg6: memref<1x128xf32, #tpu.memory_space<vmem>>, %arg7: memref<1x128xf32, #tpu.memory_space<vmem>>, %arg8: memref<1x128xf32, #tpu.memory_space<vmem>>, %arg9: memref<256x128xf32, #tpu.memory_space<vmem>>, %arg10: memref<1x128xf32, #tpu.memory_space<vmem>>, %arg11: memref<1000x128xi32, #tpu.memory_space<vmem>>, %arg12: memref<1000x128xi32, #tpu.memory_space<vmem>>, %arg13: memref<2000x128xf32, #tpu.memory_space<vmem>>) attributes {dimension_semantics = [#tpu.dimension_semantics<arbitrary>], iteration_bounds = array<i64: 10>, scalar_prefetch = 0 : i64, scratch_operands = 0 : i64, tpu.core_type = #tpu.core_type<tc>, window_params = [{transform_indices = @transform_0, window_bounds = array<i64: 1000, 128>}, {transform_indices = @transform_1, window_bounds = array<i64: 2000, 256>}, {pipeline_mode = #tpu.pipeline_mode<synchronous>, transform_indices = @transform_2, window_bounds = array<i64: 128, 128>}, {pipeline_mode = #tpu.pipeline_mode<synchronous>, transform_indices = @transform_3, window_bounds = array<i64: 128, 128>}, {pipeline_mode = #tpu.pipeline_mode<synchronous>, transform_indices = @transform_4, window_bounds = array<i64: 128, 128>}, {pipeline_mode = #tpu.pipeline_mode<synchronous>, transform_indices = @transform_5, window_bounds = array<i64: 1, 128>}, {pipeline_mode = #tpu.pipeline_mode<synchronous>, transform_indices = @transform_6, window_bounds = array<i64: 1, 128>}, {pipeline_mode = #tpu.pipeline_mode<synchronous>, transform_indices = @transform_7, window_bounds = array<i64: 1, 128>}, {pipeline_mode = #tpu.pipeline_mode<synchronous>, transform_indices = @transform_8, window_bounds = array<i64: 256, 128>}, {pipeline_mode = #tpu.pipeline_mode<synchronous>, transform_indices = @transform_9, window_bounds = array<i64: 1, 128>}, {transform_indices = @transform_10, window_bounds = array<i64: 1000, 128>}, {transform_indices = @transform_11, window_bounds = array<i64: 1000, 128>}, {transform_indices = @transform_12, window_bounds = array<i64: 2000, 128>}]} {
    %get3A = arith.constant 0 : index
    %get3A_0 = arith.constant 0 : index
    %get3A_1 = vector.load %arg1[%get3A, %get3A_0] : memref<1000x128xf32, #tpu.memory_space<vmem>>, vector<1000x128xf32>
    %get3A_2 = arith.constant 0 : index
    %get3A_3 = arith.constant 0 : index
    %get3A_4 = vector.load %arg3[%get3A_2, %get3A_3] : memref<128x128xf32, #tpu.memory_space<vmem>>, vector<128x128xf32>
    %dot_general3A = arith.constant dense<0.000000e+00> : vector<1000x128xf32>
    %dot_general3A_5 = tpu.matmul %get3A_1, %get3A_4, %dot_general3A {dimension_numbers = #tpu.dot_dimension_numbers<[1], [0], [0], [1], [0, 0, 1, 1], [], []>, transpose_lhs_hint = false} : vector<1000x128xf32>, vector<128x128xf32>, vector<1000x128xf32> -> vector<1000x128xf32>
    %get3A_6 = arith.constant 0 : index
    %get3A_7 = arith.constant 0 : index
    %get3A_8 = vector.load %arg6[%get3A_6, %get3A_7] : memref<1x128xf32, #tpu.memory_space<vmem>>, vector<1x128xf32>
    %add3A = vector.broadcast %get3A_8 : vector<1x128xf32> to vector<1000x128xf32>
    %add3A_9 = arith.addf %dot_general3A_5, %add3A : vector<1000x128xf32>
    %get3A_10 = arith.constant 0 : index
    %get3A_11 = arith.constant 0 : index
    %get3A_12 = vector.load %arg4[%get3A_10, %get3A_11] : memref<128x128xf32, #tpu.memory_space<vmem>>, vector<128x128xf32>
    %dot_general3A_13 = arith.constant dense<0.000000e+00> : vector<1000x128xf32>
    %dot_general3A_14 = tpu.matmul %get3A_1, %get3A_12, %dot_general3A_13 {dimension_numbers = #tpu.dot_dimension_numbers<[1], [0], [0], [1], [0, 0, 1, 1], [], []>, transpose_lhs_hint = false} : vector<1000x128xf32>, vector<128x128xf32>, vector<1000x128xf32> -> vector<1000x128xf32>
    %get3A_15 = arith.constant 0 : index
    %get3A_16 = arith.constant 0 : index
    %get3A_17 = vector.load %arg7[%get3A_15, %get3A_16] : memref<1x128xf32, #tpu.memory_space<vmem>>, vector<1x128xf32>
    %add3A_18 = vector.broadcast %get3A_17 : vector<1x128xf32> to vector<1000x128xf32>
    %add3A_19 = arith.addf %dot_general3A_14, %add3A_18 : vector<1000x128xf32>
    %get3A_20 = arith.constant 0 : index
    %get3A_21 = arith.constant 0 : index
    %get3A_22 = vector.load %arg5[%get3A_20, %get3A_21] : memref<128x128xf32, #tpu.memory_space<vmem>>, vector<128x128xf32>
    %dot_general3A_23 = arith.constant dense<0.000000e+00> : vector<1000x128xf32>
    %dot_general3A_24 = tpu.matmul %get3A_1, %get3A_22, %dot_general3A_23 {dimension_numbers = #tpu.dot_dimension_numbers<[1], [0], [0], [1], [0, 0, 1, 1], [], []>, transpose_lhs_hint = false} : vector<1000x128xf32>, vector<128x128xf32>, vector<1000x128xf32> -> vector<1000x128xf32>
    %get3A_25 = arith.constant 0 : index
    %get3A_26 = arith.constant 0 : index
    %get3A_27 = vector.load %arg8[%get3A_25, %get3A_26] : memref<1x128xf32, #tpu.memory_space<vmem>>, vector<1x128xf32>
    %add3A_28 = vector.broadcast %get3A_27 : vector<1x128xf32> to vector<1000x128xf32>
    %add3A_29 = arith.addf %dot_general3A_24, %add3A_28 : vector<1000x128xf32>
    %slice3A = vector.extract_strided_slice %add3A_9 {offsets = [0, 0], sizes = [1000, 64], strides = [1, 1]} : vector<1000x128xf32> to vector<1000x64xf32>
    %convert_element_type3A = arith.truncf %slice3A : vector<1000x64xf32> to vector<1000x64xbf16>
    %convert_element_type3A_30 = arith.extf %convert_element_type3A : vector<1000x64xbf16> to vector<1000x64xf32>
    %slice3A_31 = vector.extract_strided_slice %add3A_9 {offsets = [0, 64], sizes = [1000, 64], strides = [1, 1]} : vector<1000x128xf32> to vector<1000x64xf32>
    %convert_element_type3A_32 = arith.truncf %slice3A_31 : vector<1000x64xf32> to vector<1000x64xbf16>
    %convert_element_type3A_33 = arith.extf %convert_element_type3A_32 : vector<1000x64xbf16> to vector<1000x64xf32>
    %bitcast_convert_type3A = tpu.bitcast %convert_element_type3A_30 : vector<1000x64xf32> -> vector<1000x64xi32>
    %bitcast_convert_type3A_34 = tpu.bitcast %convert_element_type3A_33 : vector<1000x64xf32> -> vector<1000x64xi32>
    %shift_right_logical3A = arith.constant 16 : i32
    %shift_right_logical3A_35 = vector.broadcast %shift_right_logical3A : i32 to vector<1000x64xi32>
    %shift_right_logical3A_36 = arith.shrui %bitcast_convert_type3A, %shift_right_logical3A_35 : vector<1000x64xi32>
    %and3A = arith.constant -65536 : i32
    %and3A_37 = vector.broadcast %and3A : i32 to vector<1000x64xi32>
    %and3A_38 = arith.andi %bitcast_convert_type3A_34, %and3A_37 : vector<1000x64xi32>
    %or3A = arith.ori %shift_right_logical3A_36, %and3A_38 : vector<1000x64xi32>
    %swap3A = arith.constant 0 : index
    %swap3A_39 = arith.constant 0 : index
    %swap3A_40 = vector.load %arg11[%swap3A, %swap3A_39] : memref<1000x128xi32, #tpu.memory_space<vmem>>, vector<1000x64xi32>
    tpu.vector_store %arg11[%swap3A, %swap3A_39], %or3A {strides = array<i32>} : memref<1000x128xi32, #tpu.memory_space<vmem>>, vector<1000x64xi32>,
    %broadcast_in_dim3A = arith.constant 0 : i32
    %broadcast_in_dim3A_41 = vector.broadcast %broadcast_in_dim3A : i32 to vector<1000x64xi32>
    %swap3A_42 = arith.constant 0 : index
    %swap3A_43 = arith.constant 64 : index
    %swap3A_44 = vector.load %arg11[%swap3A_42, %swap3A_43] : memref<1000x128xi32, #tpu.memory_space<vmem>>, vector<1000x64xi32>
    tpu.vector_store %arg11[%swap3A_42, %swap3A_43], %broadcast_in_dim3A_41 {strides = array<i32>} : memref<1000x128xi32, #tpu.memory_space<vmem>>, vector<1000x64xi32>,
    %slice3A_45 = vector.extract_strided_slice %add3A_19 {offsets = [0, 0], sizes = [1000, 64], strides = [1, 1]} : vector<1000x128xf32> to vector<1000x64xf32>
    %convert_element_type3A_46 = arith.truncf %slice3A_45 : vector<1000x64xf32> to vector<1000x64xbf16>
    %convert_element_type3A_47 = arith.extf %convert_element_type3A_46 : vector<1000x64xbf16> to vector<1000x64xf32>
    %slice3A_48 = vector.extract_strided_slice %add3A_19 {offsets = [0, 64], sizes = [1000, 64], strides = [1, 1]} : vector<1000x128xf32> to vector<1000x64xf32>
    %convert_element_type3A_49 = arith.truncf %slice3A_48 : vector<1000x64xf32> to vector<1000x64xbf16>
    %convert_element_type3A_50 = arith.extf %convert_element_type3A_49 : vector<1000x64xbf16> to vector<1000x64xf32>
    %bitcast_convert_type3A_51 = tpu.bitcast %convert_element_type3A_47 : vector<1000x64xf32> -> vector<1000x64xi32>
    %bitcast_convert_type3A_52 = tpu.bitcast %convert_element_type3A_50 : vector<1000x64xf32> -> vector<1000x64xi32>
    %shift_right_logical3A_53 = arith.constant 16 : i32
    %shift_right_logical3A_54 = vector.broadcast %shift_right_logical3A_53 : i32 to vector<1000x64xi32>
    %shift_right_logical3A_55 = arith.shrui %bitcast_convert_type3A_51, %shift_right_logical3A_54 : vector<1000x64xi32>
    %and3A_56 = arith.constant -65536 : i32
    %and3A_57 = vector.broadcast %and3A_56 : i32 to vector<1000x64xi32>
    %and3A_58 = arith.andi %bitcast_convert_type3A_52, %and3A_57 : vector<1000x64xi32>
    %or3A_59 = arith.ori %shift_right_logical3A_55, %and3A_58 : vector<1000x64xi32>
    %swap3A_60 = arith.constant 0 : index
    %swap3A_61 = arith.constant 0 : index
    %swap3A_62 = vector.load %arg12[%swap3A_60, %swap3A_61] : memref<1000x128xi32, #tpu.memory_space<vmem>>, vector<1000x64xi32>
    tpu.vector_store %arg12[%swap3A_60, %swap3A_61], %or3A_59 {strides = array<i32>} : memref<1000x128xi32, #tpu.memory_space<vmem>>, vector<1000x64xi32>,
    %slice3A_63 = vector.extract_strided_slice %add3A_29 {offsets = [0, 0], sizes = [1000, 64], strides = [1, 1]} : vector<1000x128xf32> to vector<1000x64xf32>
    %convert_element_type3A_64 = arith.truncf %slice3A_63 : vector<1000x64xf32> to vector<1000x64xbf16>
    %convert_element_type3A_65 = arith.extf %convert_element_type3A_64 : vector<1000x64xbf16> to vector<1000x64xf32>
    %slice3A_66 = vector.extract_strided_slice %add3A_29 {offsets = [0, 64], sizes = [1000, 64], strides = [1, 1]} : vector<1000x128xf32> to vector<1000x64xf32>
    %convert_element_type3A_67 = arith.truncf %slice3A_66 : vector<1000x64xf32> to vector<1000x64xbf16>
    %convert_element_type3A_68 = arith.extf %convert_element_type3A_67 : vector<1000x64xbf16> to vector<1000x64xf32>
    %bitcast_convert_type3A_69 = tpu.bitcast %convert_element_type3A_65 : vector<1000x64xf32> -> vector<1000x64xi32>
    %bitcast_convert_type3A_70 = tpu.bitcast %convert_element_type3A_68 : vector<1000x64xf32> -> vector<1000x64xi32>
    %shift_right_logical3A_71 = arith.constant 16 : i32
    %shift_right_logical3A_72 = vector.broadcast %shift_right_logical3A_71 : i32 to vector<1000x64xi32>
    %shift_right_logical3A_73 = arith.shrui %bitcast_convert_type3A_69, %shift_right_logical3A_72 : vector<1000x64xi32>
    %and3A_74 = arith.constant -65536 : i32
    %and3A_75 = vector.broadcast %and3A_74 : i32 to vector<1000x64xi32>
    %and3A_76 = arith.andi %bitcast_convert_type3A_70, %and3A_75 : vector<1000x64xi32>
    %or3A_77 = arith.ori %shift_right_logical3A_73, %and3A_76 : vector<1000x64xi32>
    %swap3A_78 = arith.constant 0 : index
    %swap3A_79 = arith.constant 64 : index
    %swap3A_80 = vector.load %arg12[%swap3A_78, %swap3A_79] : memref<1000x128xi32, #tpu.memory_space<vmem>>, vector<1000x64xi32>
    tpu.vector_store %arg12[%swap3A_78, %swap3A_79], %or3A_77 {strides = array<i32>} : memref<1000x128xi32, #tpu.memory_space<vmem>>, vector<1000x64xi32>,
    %get3A_81 = arith.constant 0 : index
    %get3A_82 = arith.constant 0 : index
    %get3A_83 = vector.load %arg2[%get3A_81, %get3A_82] : memref<2000x256xf32, #tpu.memory_space<vmem>>, vector<2000x256xf32>
    %get3A_84 = arith.constant 0 : index
    %get3A_85 = arith.constant 0 : index
    %get3A_86 = vector.load %arg9[%get3A_84, %get3A_85] : memref<256x128xf32, #tpu.memory_space<vmem>>, vector<256x128xf32>
    %dot_general3A_87 = arith.constant dense<0.000000e+00> : vector<2000x128xf32>
    %dot_general3A_88 = tpu.matmul %get3A_83, %get3A_86, %dot_general3A_87 {dimension_numbers = #tpu.dot_dimension_numbers<[1], [0], [0], [1], [0, 0, 1, 1], [], []>, transpose_lhs_hint = false} : vector<2000x256xf32>, vector<256x128xf32>, vector<2000x128xf32> -> vector<2000x128xf32>
    %get3A_89 = arith.constant 0 : index
    %get3A_90 = arith.constant 0 : index
    %get3A_91 = vector.load %arg10[%get3A_89, %get3A_90] : memref<1x128xf32, #tpu.memory_space<vmem>>, vector<1x128xf32>
    %add3A_92 = vector.broadcast %get3A_91 : vector<1x128xf32> to vector<2000x128xf32>
    %add3A_93 = arith.addf %dot_general3A_88, %add3A_92 : vector<2000x128xf32>
    %swap3A_94 = arith.constant 0 : index
    %swap3A_95 = arith.constant 0 : index
    %swap3A_96 = vector.load %arg13[%swap3A_94, %swap3A_95] : memref<2000x128xf32, #tpu.memory_space<vmem>>, vector<2000x128xf32>
    tpu.vector_store %arg13[%swap3A_94, %swap3A_95], %add3A_93 {strides = array<i32>} : memref<2000x128xf32, #tpu.memory_space<vmem>>, vector<2000x128xf32>,
    return
  }
  func.func @transform_0(%arg0: i32) -> (i32, i32) {
    %c0_i32 = arith.constant 0 : i32
    %c0_i32_0 = arith.constant 0 : i32
    return %arg0, %c0_i32 : i32, i32
  }
  func.func @transform_1(%arg0: i32) -> (i32, i32) {
    %c0_i32 = arith.constant 0 : i32
    %c0_i32_0 = arith.constant 0 : i32
    return %arg0, %c0_i32 : i32, i32
  }
  func.func @transform_2(%arg0: i32) -> (i32, i32) {
    %c0_i32 = arith.constant 0 : i32
    %c0_i32_0 = arith.constant 0 : i32
    %c0_i32_1 = arith.constant 0 : i32
    return %c0_i32, %c0_i32_0 : i32, i32
  }
  func.func @transform_3(%arg0: i32) -> (i32, i32) {
    %c0_i32 = arith.constant 0 : i32
    %c0_i32_0 = arith.constant 0 : i32
    %c0_i32_1 = arith.constant 0 : i32
    return %c0_i32, %c0_i32_0 : i32, i32
  }
  func.func @transform_4(%arg0: i32) -> (i32, i32) {
    %c0_i32 = arith.constant 0 : i32
    %c0_i32_0 = arith.constant 0 : i32
    %c0_i32_1 = arith.constant 0 : i32
    return %c0_i32, %c0_i32_0 : i32, i32
  }
  func.func @transform_5(%arg0: i32) -> (i32, i32) {
    %c0_i32 = arith.constant 0 : i32
    %c0_i32_0 = arith.constant 0 : i32
    %c0_i32_1 = arith.constant 0 : i32
    return %c0_i32, %c0_i32_0 : i32, i32
  }
  func.func @transform_6(%arg0: i32) -> (i32, i32) {
    %c0_i32 = arith.constant 0 : i32
    %c0_i32_0 = arith.constant 0 : i32
    %c0_i32_1 = arith.constant 0 : i32
    return %c0_i32, %c0_i32_0 : i32, i32
  }
  func.func @transform_7(%arg0: i32) -> (i32, i32) {
    %c0_i32 = arith.constant 0 : i32
    %c0_i32_0 = arith.constant 0 : i32
    %c0_i32_1 = arith.constant 0 : i32
    return %c0_i32, %c0_i32_0 : i32, i32
  }
  func.func @transform_8(%arg0: i32) -> (i32, i32) {
    %c0_i32 = arith.constant 0 : i32
    %c0_i32_0 = arith.constant 0 : i32
    %c0_i32_1 = arith.constant 0 : i32
    return %c0_i32, %c0_i32_0 : i32, i32
  }
  func.func @transform_9(%arg0: i32) -> (i32, i32) {
    %c0_i32 = arith.constant 0 : i32
    %c0_i32_0 = arith.constant 0 : i32
    %c0_i32_1 = arith.constant 0 : i32
    return %c0_i32, %c0_i32_0 : i32, i32
  }
  func.func @transform_10(%arg0: i32) -> (i32, i32) {
    %c0_i32 = arith.constant 0 : i32
    %c0_i32_0 = arith.constant 0 : i32
    return %arg0, %c0_i32 : i32, i32
  }
  func.func @transform_11(%arg0: i32) -> (i32, i32) {
    %c0_i32 = arith.constant 0 : i32
    %c0_i32_0 = arith.constant 0 : i32
    return %arg0, %c0_i32 : i32, i32
  }
  func.func @transform_12(%arg0: i32) -> (i32, i32) {
    %c0_i32 = arith.constant 0 : i32
    %c0_i32_0 = arith.constant 0 : i32
    return %arg0, %c0_i32 : i32, i32
  }
}

module attributes {stable_mosaic.version = 14 : i64} {
  func.func @_combine_body(%arg0: i32, %arg1: memref<2x1000x128xf32, #tpu.memory_space<vmem>>, %arg2: memref<2x1000x8xf32, #tpu.memory_space<vmem>>, %arg3: memref<1000x128xf32, #tpu.memory_space<vmem>>, %arg4: memref<128x128xf32, #tpu.memory_space<vmem>>, %arg5: memref<1x128xf32, #tpu.memory_space<vmem>>, %arg6: memref<1x128xf32, #tpu.memory_space<vmem>>, %arg7: memref<1x128xf32, #tpu.memory_space<vmem>>, %arg8: memref<8x128xf32, #tpu.memory_space<vmem>>, %arg9: memref<1000x128xf32, #tpu.memory_space<vmem>>) attributes {dimension_semantics = [#tpu.dimension_semantics<arbitrary>], iteration_bounds = array<i64: 10>, scalar_prefetch = 0 : i64, scratch_operands = 0 : i64, tpu.core_type = #tpu.core_type<tc>, window_params = [{transform_indices = @transform_0, window_bounds = array<i64: 2, 1000, 128>}, {transform_indices = @transform_1, window_bounds = array<i64: 2, 1000, 8>}, {transform_indices = @transform_2, window_bounds = array<i64: 1000, 128>}, {pipeline_mode = #tpu.pipeline_mode<synchronous>, transform_indices = @transform_3, window_bounds = array<i64: 128, 128>}, {pipeline_mode = #tpu.pipeline_mode<synchronous>, transform_indices = @transform_4, window_bounds = array<i64: 1, 128>}, {pipeline_mode = #tpu.pipeline_mode<synchronous>, transform_indices = @transform_5, window_bounds = array<i64: 1, 128>}, {pipeline_mode = #tpu.pipeline_mode<synchronous>, transform_indices = @transform_6, window_bounds = array<i64: 1, 128>}, {pipeline_mode = #tpu.pipeline_mode<synchronous>, transform_indices = @transform_7, window_bounds = array<i64: 8, 128>}, {transform_indices = @transform_8, window_bounds = array<i64: 1000, 128>}]} {
    %get3A = arith.constant 0 : index
    %get3A_0 = arith.constant 0 : index
    %get3A_1 = arith.constant 0 : index
    %get3A_2 = vector.load %arg1[%get3A, %get3A_0, %get3A_1] : memref<2x1000x128xf32, #tpu.memory_space<vmem>>, vector<1x1000x128xf32>
    %get3A_3 = vector.shape_cast %get3A_2 : vector<1x1000x128xf32> to vector<1000x128xf32>
    %get3A_4 = arith.constant 1 : index
    %get3A_5 = arith.constant 0 : index
    %get3A_6 = arith.constant 0 : index
    %get3A_7 = vector.load %arg1[%get3A_4, %get3A_5, %get3A_6] : memref<2x1000x128xf32, #tpu.memory_space<vmem>>, vector<1x1000x128xf32>
    %get3A_8 = vector.shape_cast %get3A_7 : vector<1x1000x128xf32> to vector<1000x128xf32>
    %add3A = arith.addf %get3A_3, %get3A_8 : vector<1000x128xf32>
    %get3A_9 = arith.constant 0 : index
    %get3A_10 = arith.constant 0 : index
    %get3A_11 = arith.constant 0 : index
    %get3A_12 = vector.load %arg2[%get3A_9, %get3A_10, %get3A_11] : memref<2x1000x8xf32, #tpu.memory_space<vmem>>, vector<1x1000x8xf32>
    %get3A_13 = vector.shape_cast %get3A_12 : vector<1x1000x8xf32> to vector<1000x8xf32>
    %get3A_14 = arith.constant 1 : index
    %get3A_15 = arith.constant 0 : index
    %get3A_16 = arith.constant 0 : index
    %get3A_17 = vector.load %arg2[%get3A_14, %get3A_15, %get3A_16] : memref<2x1000x8xf32, #tpu.memory_space<vmem>>, vector<1x1000x8xf32>
    %get3A_18 = vector.shape_cast %get3A_17 : vector<1x1000x8xf32> to vector<1000x8xf32>
    %add3A_19 = arith.addf %get3A_13, %get3A_18 : vector<1000x8xf32>
    %add3A_20 = arith.constant 9.99999993E-9 : f32
    %add3A_21 = vector.broadcast %add3A_20 : f32 to vector<1000x8xf32>
    %add3A_22 = arith.addf %add3A_19, %add3A_21 : vector<1000x8xf32>
    %div3A = arith.constant 1.000000e+00 : f32
    %div3A_23 = vector.broadcast %div3A : f32 to vector<1000x8xf32>
    %div3A_24 = arith.divf %div3A_23, %add3A_22 : vector<1000x8xf32>
    %get3A_25 = arith.constant 0 : index
    %get3A_26 = arith.constant 0 : index
    %get3A_27 = vector.load %arg8[%get3A_25, %get3A_26] : memref<8x128xf32, #tpu.memory_space<vmem>>, vector<8x128xf32>
    %dot_general3A = arith.constant dense<0.000000e+00> : vector<1000x128xf32>
    %dot_general3A_28 = tpu.matmul %div3A_24, %get3A_27, %dot_general3A {dimension_numbers = #tpu.dot_dimension_numbers<[1], [0], [0], [1], [0, 0, 1, 1], [], []>, transpose_lhs_hint = false} : vector<1000x8xf32>, vector<8x128xf32>, vector<1000x128xf32> -> vector<1000x128xf32>
    %mul3A = arith.mulf %add3A, %dot_general3A_28 : vector<1000x128xf32>
    %get3A_29 = arith.constant 0 : index
    %get3A_30 = arith.constant 0 : index
    %get3A_31 = vector.load %arg4[%get3A_29, %get3A_30] : memref<128x128xf32, #tpu.memory_space<vmem>>, vector<128x128xf32>
    %dot_general3A_32 = arith.constant dense<0.000000e+00> : vector<1000x128xf32>
    %dot_general3A_33 = tpu.matmul %mul3A, %get3A_31, %dot_general3A_32 {dimension_numbers = #tpu.dot_dimension_numbers<[1], [0], [0], [1], [0, 0, 1, 1], [], []>, transpose_lhs_hint = false} : vector<1000x128xf32>, vector<128x128xf32>, vector<1000x128xf32> -> vector<1000x128xf32>
    %get3A_34 = arith.constant 0 : index
    %get3A_35 = arith.constant 0 : index
    %get3A_36 = vector.load %arg5[%get3A_34, %get3A_35] : memref<1x128xf32, #tpu.memory_space<vmem>>, vector<1x128xf32>
    %add3A_37 = vector.broadcast %get3A_36 : vector<1x128xf32> to vector<1000x128xf32>
    %add3A_38 = arith.addf %dot_general3A_33, %add3A_37 : vector<1000x128xf32>
    %get3A_39 = arith.constant 0 : index
    %get3A_40 = arith.constant 0 : index
    %get3A_41 = vector.load %arg3[%get3A_39, %get3A_40] : memref<1000x128xf32, #tpu.memory_space<vmem>>, vector<1000x128xf32>
    %add3A_42 = arith.addf %add3A_38, %get3A_41 : vector<1000x128xf32>
    %reduce_sum3A = arith.constant dense<0.000000e+00> : vector<1000xf32>
    %reduce_sum3A_43 = vector.multi_reduction <add>, %add3A_42, %reduce_sum3A [1] : vector<1000x128xf32> to vector<1000xf32>
    %broadcast_in_dim3A = vector.shape_cast %reduce_sum3A_43 : vector<1000xf32> to vector<1000x1xf32>
    %div3A_44 = arith.constant 1.280000e+02 : f32
    %div3A_45 = vector.broadcast %div3A_44 : f32 to vector<1000x1xf32>
    %div3A_46 = arith.divf %broadcast_in_dim3A, %div3A_45 : vector<1000x1xf32>
    %sub3A = vector.broadcast %div3A_46 : vector<1000x1xf32> to vector<1000x128xf32>
    %sub3A_47 = arith.subf %add3A_42, %sub3A : vector<1000x128xf32>
    %integer_pow3A = arith.mulf %sub3A_47, %sub3A_47 : vector<1000x128xf32>
    %reduce_sum3A_48 = arith.constant dense<0.000000e+00> : vector<1000xf32>
    %reduce_sum3A_49 = vector.multi_reduction <add>, %integer_pow3A, %reduce_sum3A_48 [1] : vector<1000x128xf32> to vector<1000xf32>
    %broadcast_in_dim3A_50 = vector.shape_cast %reduce_sum3A_49 : vector<1000xf32> to vector<1000x1xf32>
    %div3A_51 = arith.constant 1.280000e+02 : f32
    %div3A_52 = vector.broadcast %div3A_51 : f32 to vector<1000x1xf32>
    %div3A_53 = arith.divf %broadcast_in_dim3A_50, %div3A_52 : vector<1000x1xf32>
    %get3A_54 = arith.constant 0 : index
    %get3A_55 = arith.constant 0 : index
    %get3A_56 = vector.load %arg6[%get3A_54, %get3A_55] : memref<1x128xf32, #tpu.memory_space<vmem>>, vector<1x128xf32>
    %sub3A_57 = vector.broadcast %div3A_46 : vector<1000x1xf32> to vector<1000x128xf32>
    %sub3A_58 = arith.subf %add3A_42, %sub3A_57 : vector<1000x128xf32>
    %mul3A_59 = vector.broadcast %get3A_56 : vector<1x128xf32> to vector<1000x128xf32>
    %mul3A_60 = arith.mulf %mul3A_59, %sub3A_58 : vector<1000x128xf32>
    %add3A_61 = arith.constant 9.99999974E-6 : f32
    %add3A_62 = vector.broadcast %add3A_61 : f32 to vector<1000x1xf32>
    %add3A_63 = arith.addf %div3A_53, %add3A_62 : vector<1000x1xf32>
    %rsqrt3A = math.rsqrt %add3A_63 : vector<1000x1xf32>
    %mul3A_64 = vector.broadcast %rsqrt3A : vector<1000x1xf32> to vector<1000x128xf32>
    %mul3A_65 = arith.mulf %mul3A_60, %mul3A_64 : vector<1000x128xf32>
    %get3A_66 = arith.constant 0 : index
    %get3A_67 = arith.constant 0 : index
    %get3A_68 = vector.load %arg7[%get3A_66, %get3A_67] : memref<1x128xf32, #tpu.memory_space<vmem>>, vector<1x128xf32>
    %add3A_69 = vector.broadcast %get3A_68 : vector<1x128xf32> to vector<1000x128xf32>
    %add3A_70 = arith.addf %mul3A_65, %add3A_69 : vector<1000x128xf32>
    %swap3A = arith.constant 0 : index
    %swap3A_71 = arith.constant 0 : index
    %swap3A_72 = vector.load %arg9[%swap3A, %swap3A_71] : memref<1000x128xf32, #tpu.memory_space<vmem>>, vector<1000x128xf32>
    tpu.vector_store %arg9[%swap3A, %swap3A_71], %add3A_70 {strides = array<i32>} : memref<1000x128xf32, #tpu.memory_space<vmem>>, vector<1000x128xf32>,
    return
  }
  func.func @transform_0(%arg0: i32) -> (i32, i32, i32) {
    %c0_i32 = arith.constant 0 : i32
    %c0_i32_0 = arith.constant 0 : i32
    %c0_i32_1 = arith.constant 0 : i32
    return %c0_i32, %arg0, %c0_i32_0 : i32, i32, i32
  }
  func.func @transform_1(%arg0: i32) -> (i32, i32, i32) {
    %c0_i32 = arith.constant 0 : i32
    %c0_i32_0 = arith.constant 0 : i32
    %c0_i32_1 = arith.constant 0 : i32
    return %c0_i32, %arg0, %c0_i32_0 : i32, i32, i32
  }
  func.func @transform_2(%arg0: i32) -> (i32, i32) {
    %c0_i32 = arith.constant 0 : i32
    %c0_i32_0 = arith.constant 0 : i32
    return %arg0, %c0_i32 : i32, i32
  }
  func.func @transform_3(%arg0: i32) -> (i32, i32) {
    %c0_i32 = arith.constant 0 : i32
    %c0_i32_0 = arith.constant 0 : i32
    %c0_i32_1 = arith.constant 0 : i32
    return %c0_i32, %c0_i32_0 : i32, i32
  }
  func.func @transform_4(%arg0: i32) -> (i32, i32) {
    %c0_i32 = arith.constant 0 : i32
    %c0_i32_0 = arith.constant 0 : i32
    %c0_i32_1 = arith.constant 0 : i32
    return %c0_i32, %c0_i32_0 : i32, i32
  }
  func.func @transform_5(%arg0: i32) -> (i32, i32) {
    %c0_i32 = arith.constant 0 : i32
    %c0_i32_0 = arith.constant 0 : i32
    %c0_i32_1 = arith.constant 0 : i32
    return %c0_i32, %c0_i32_0 : i32, i32
  }
  func.func @transform_6(%arg0: i32) -> (i32, i32) {
    %c0_i32 = arith.constant 0 : i32
    %c0_i32_0 = arith.constant 0 : i32
    %c0_i32_1 = arith.constant 0 : i32
    return %c0_i32, %c0_i32_0 : i32, i32
  }
  func.func @transform_7(%arg0: i32) -> (i32, i32) {
    %c0_i32 = arith.constant 0 : i32
    %c0_i32_0 = arith.constant 0 : i32
    %c0_i32_1 = arith.constant 0 : i32
    return %c0_i32, %c0_i32_0 : i32, i32
  }
  func.func @transform_8(%arg0: i32) -> (i32, i32) {
    %c0_i32 = arith.constant 0 : i32
    %c0_i32_0 = arith.constant 0 : i32
    return %arg0, %c0_i32 : i32, i32
  }
}

</mosaic_0001>

<sc_bundles>
// kernel: kernel.5.cloned.1.call-start
scs
__scs_entry_jumppad:
0x0: {  	(pc) =	sbr.rel $0x88, $3  }
0x1: {  	(tag) =	ssettag $0x0;
	lr =	simm.s32 $0x1  }
0x2: {  	[smem:$0x3F92] =	sst lr;
	_ =	strace $0xD0000000  }
0x3: {  	_ = 	snop  }
0x4: {  	_ = 	snop  }
0x5: {  	_ = 	snop  }
0x6: {  	_ = 	snop  }
0x7: {  	_ = 	snop  }
__scs_overlays_trampoline_lowered:
0x8: {  	[smem:$0x3FA1] =	sst s0  }
0x9: {  	[smem:$0x3FA2] =	sst s1  }
0xa: {  	[smem:$0x3FA3] =	sst s2  }
0xb: {  	[smem:$0x3FA4] =	sst s3  }
0xc: {  	[smem:$0x3FA5] =	sst s4  }
0xd: {  	[smem:$0x3FA6] =	sst s5  }
0xe: {  	[smem:$0x3FA7] =	sst s6  }
0xf: {  	[smem:$0x3FA8] =	sst s7  }
0x10: {  	[smem:$0x3FA9] =	sst s8  }
0x11: {  	[smem:$0x3FAA] =	sst s9;
	s0 =	simm.s32 @!p0 $0x0  }
0x12: {  	s1 =	sld [smem:$0x3F90];
	s0 =	simm.s32 @p0 $0x1  }
0x13: {  	[smem:$0x3FAB] =	sst s0;
	s0 =	simm.s32 @!p1 $0x0  }
0x14: {  	s2 =	sld [smem:$0x3F8F];
	s0 =	simm.s32 @p1 $0x1  }
0x15: {  	[smem:$0x3FAC] =	sst s0;
	s0 =	simm.s32 @!p2 $0x0  }
0x16: {  	s3 =	sld [smem:$0x3FDB];
	s0 =	simm.s32 @p2 $0x1  }
0x17: {  	s4 =	simm.s32 $0x1BF5;
	[smem:$0x3FAE] =	sst s0  }
0x18: {  	s0 =	sld [smem:$0x3F91];
	_ =	swait.ge [sflag:s4], $0x0  }
0x19: {  	s7 =	sld [smem:$0x3F92]  }
0x1a: {  	s8 =	sadd.s32 $0xFFFFE003, lr  }
0x1b: {  	s9 =	sadd.s32 $0xFFFFFEF7, lr;
	s5 =	simm.s32 $0xFFFFFFFF;
	p2 =	slt.u32 s8, $0xFFFFF086  }
0x1c: {  	p1 =	slt.u32 s9, $0xF7A;
	s5 =	simm.s32 @!p2 $0x0  }
0x1d: {  	s5 =	simm.s32 @p1 $0x1;
	p0 =	seq.s32 s7, s2  }
0x1e: {  	s7 =	smul.u32 @!p0 $0xF7A, s2;
	p2 =	seq.s32 @!p0 s5, $0x0  }
0x1f: {  	s9 =	smul.u32 $0xF7A, s1;
	s8 =	simm.s32 @!p0 $0x1BF5;
	p2 =	por !p2, p0  }
0x20: {  	[sflag:s8] =	ssyncset.s32 @!p0 $0xFFFFF086;
	s6 =	sadd.s32 @!p0 s3, s7;
	s7 =	simm.s32 @!p0 $0x108  }
0x21: {  	s3 =	sadd.s32 s3, s9;
	s6 =	sadd.s32 @!p0 $0x88, s6;
	s7 =	simm.s32 @p2 $0x1082  }
0x22: {  	[simem:s7], [sflag:s8] =	dma.local @!p0 [hbm:s6], $0xF7A  }
0x23: {  	s9 =	sor.u32 $0xD0000000, s2;
	s6 =	simm.s32 $0x108;
	_ =	swait.ge @!p0 [sflag:s8], $0x0  }
0x24: {  	s3 =	sadd.s32 $0x88, s3;
	s6 =	simm.s32 @!p1 $0x1082;
	[sflag:s4] =	ssyncset.s32 $0xFFFFF086  }
0x25: {  	[simem:s6], [sflag:s4] =	dma.local [hbm:s3], $0xF7A  }
0x26: {  	[smem:$0x3F92] =	sst s1;
	(tag) =	ssettag s2;
	_ =	strace s9  }
0x27: {  	s1 =	sld [smem:$0x3FA2]  }
0x28: {  	s2 =	sld [smem:$0x3FA3]  }
0x29: {  	s4 =	sld [smem:$0x3FA5]  }
0x2a: {  	p0 =	seq.s32 s5, $0x0;
	s5 =	sld [smem:$0x3FA6]  }
0x2b: {  	s6 =	sld [smem:$0x3FA7]  }
0x2c: {  	s7 =	sld [smem:$0x3FA8]  }
0x2d: {  	s3 =	simm.s32 $0x108;
	s8 =	sld [smem:$0x3FA9]  }
0x2e: {  	s3 =	simm.s32 @!p0 $0x1082;
	s9 =	sld [smem:$0x3FAA]  }
0x2f: {  	lr =	sadd.s32 s0, s3;
	s0 =	sld [smem:$0x3FA1]  }
0x30: {  	s3 =	sld [smem:$0x3FA4]  }
0x31: {  	[smem:$0x3FAD] =	sst s10  }
0x32: {  	s10 =	sld [smem:$0x3FAB];
	_ =	sdelay $0x3  }
0x33: {  	p0 =	seq.s32 s10, $0x1;
	s10 =	sld [smem:$0x3FAD];
	_ =	sdelay $0x3  }
0x34: {  	[smem:$0x3FAD] =	sst s10  }
0x35: {  	s10 =	sld [smem:$0x3FAC];
	_ =	sdelay $0x3  }
0x36: {  	p1 =	seq.s32 s10, $0x1;
	s10 =	sld [smem:$0x3FAD];
	_ =	sdelay $0x3  }
0x37: {  	[smem:$0x3FAD] =	sst s10  }
0x38: {  	s10 =	sld [smem:$0x3FAE]  }
0x39: {  	_ = 	snop;
	(pc) =	sbr.ind lr, $3  }
0x3a: {  	_ = 	snop  }
0x3b: {  	_ = 	snop  }
0x3c: {  	p2 =	seq.s32 s10, $0x1;
	s10 =	sld [smem:$0x3FAD]  }
0x3d: {  	_ =	shalt  }
0x3e: {  	_ =	shalt  }
0x3f: {  	_ =	shalt  }
0x40: {  	_ =	shalt  }
0x41: {  	_ =	shalt  }
0x42: {  	_ =	shalt  }
0x43: {  	_ =	shalt  }
0x44: {  	_ =	shalt  }
0x45: {  	_ =	shalt  }
0x46: {  	_ =	shalt  }
0x47: {  	_ =	shalt  }
0x48: {  	_ =	shalt  }
0x49: {  	_ =	shalt  }
0x4a: {  	_ =	shalt  }
0x4b: {  	_ =	shalt  }
0x4c: {  	_ =	shalt  }
0x4d: {  	_ =	shalt  }
0x4e: {  	_ =	shalt  }
0x4f: {  	_ =	shalt  }
0x50: {  	_ =	shalt  }
0x51: {  	_ =	shalt  }
0x52: {  	_ =	shalt  }
0x53: {  	_ =	shalt  }
0x54: {  	_ =	shalt  }
0x55: {  	_ =	shalt  }
0x56: {  	_ =	shalt  }
0x57: {  	_ =	shalt  }
0x58: {  	_ =	shalt  }
0x59: {  	_ =	shalt  }
0x5a: {  	_ =	shalt  }
0x5b: {  	_ =	shalt  }
0x5c: {  	_ =	shalt  }
0x5d: {  	_ =	shalt  }
0x5e: {  	_ =	shalt  }
0x5f: {  	_ =	shalt  }
0x60: {  	_ =	shalt  }
0x61: {  	_ =	shalt  }
0x62: {  	_ =	shalt  }
0x63: {  	_ =	shalt  }
0x64: {  	_ =	shalt  }
0x65: {  	_ =	shalt  }
0x66: {  	_ =	shalt  }
0x67: {  	_ =	shalt  }
0x68: {  	_ =	shalt  }
0x69: {  	_ =	shalt  }
0x6a: {  	_ =	shalt  }
0x6b: {  	_ =	shalt  }
0x6c: {  	_ =	shalt  }
0x6d: {  	_ =	shalt  }
0x6e: {  	_ =	shalt  }
0x6f: {  	_ =	shalt  }
0x70: {  	_ =	shalt  }
0x71: {  	_ =	shalt  }
0x72: {  	_ =	shalt  }
0x73: {  	_ =	shalt  }
0x74: {  	_ =	shalt  }
0x75: {  	_ =	shalt  }
0x76: {  	_ =	shalt  }
0x77: {  	_ =	shalt  }
0x78: {  	_ =	shalt  }
0x79: {  	_ =	shalt  }
0x7a: {  	_ =	shalt  }
0x7b: {  	_ =	shalt  }
0x7c: {  	_ =	shalt  }
0x7d: {  	_ =	shalt  }
0x7e: {  	_ =	shalt  }
0x7f: {  	_ =	shalt  }
0x80: {  	_ =	shalt  }
0x81: {  	_ =	shalt  }
0x82: {  	_ =	shalt  }
0x83: {  	_ =	shalt  }
0x84: {  	_ =	shalt  }
0x85: {  	_ =	shalt  }
0x86: {  	_ =	shalt  }
0x87: {  	_ =	shalt  }
.Lfunc_end0:
.L_simem_size_0:
called_computation_lowered:
.L_overlay_start_0:
0x88: {  	s2 =	sld [smem:$0x3FD9]  }
0x89: {  	s3 =	sld [smem:$0x3FFE];
	_ =	sdelay $0x1  }
0x8a: {  	s1 =	srdreg.scid  }
0x8b: {  	s0 =	sand.u32 $0x1, s1  }
0x8c: {  	s17 =	sshll.u32 s0, $0xA;
	s2 =	sadd.s32 s3, s2  }
0x8d: {  	s2 =	sadd.s32 s2, s17  }
0x8e: {  	[smem:$0x3FB9] =	sst s2  }
0x8f: {  	_ = 	snop  }
0x90: {  	s2 =	sld [smem:$0x3FD0];
	(tm) =	ssettm $0x1  }
0x91: {  	s18 =	sld [smem:$0x3FFB];
	_ =	sdelay $0x3  }
0x92: {  	_ =	strace s18  }
0x93: {  	s3 =	sld [smem:$0x3FFC];
	_ =	sdelay $0x3  }
0x94: {  	_ =	strace s3  }
0x95: {  	s3 =	sld [smem:$0x3FFD];
	_ =	sdelay $0x3  }
0x96: {  	_ =	strace s3  }
0x97: {  	_ =	strace $0x8FFFFFFF  }
0x98: {  	s19 =	sld [smem:$0x3FDB];
	_ =	sdelay $0x1  }
0x99: {  	s4 =	simm.s32 $_scs_section_size  }
0x9a: {  	s5 =	simm.s32 $_size__tile_overlayer_lowered;
	s6 =	simm.s32 $_tile_overlayer_lowered  }
0x9b: {  	s22 =	simm.s32 $0x1BFF;
	s21 =	sshll.u32 s6, $0x1;
	s3 =	sadd.s32 s4, s19  }
0x9c: {  	s7 =	simm.s32 $0x0;
	s20 =	sshll.u32 s5, $0x1;
	s5 =	sadd.s32 s21, s3  }
0x9d: {  	[timem:s7], [sflag:s22] =	dma.local [hbm:s5], s20  }
0x9e: {  	_ =	swait.ge [sflag:s22], s20  }
0x9f: {  	s4 =	ssub.s32 $0x0, s20;
	[sflag:s22] =	ssyncset.done $0x0  }
0xa0: {  	[sflag:s22] =	ssyncadd.s32 s4;
	_ =	sdelay $0x1  }
0xa1: {  	s23 =	simm.s32 $0x1B8B  }
0xa2: {  	_ =	swait.ge [sflag:s23], $0x1  }
0xa3: {  	[sflag:s23] =	ssyncset.done $0x0  }
0xa4: {  	s25 =	simm.s32 $0x1B8E;
	s24 =	sld [smem:$0x3FFE];
	[sflag:s23] =	ssyncadd.s32 $0xFFFFFFFF  }
0xa5: {  	s26 =	simm.s32 $execute0_lowered;
	[smem:$0x3FD2] =	sst s25  }
0xa6: {  	s5 =	sshll.u32 s26, $0x1;
	_ =	strace $0x80000046;
	[dreg:$0x1] =	wrdreg $0xFFFFFFFF  }
0xa7: {  	s28 =	simm.s32 $_size_execute0_lowered;
	s3 =	sadd.s32 s3, s5;
	[dreg:$0x0] =	wrdreg $0x0  }
0xa8: {  	s5 =	sshll.u32 s28, $0x1;
	[dreg:$0x2] =	wrdreg s3  }
0xa9: {  	[dreg:$0x3] =	wrdreg s5  }
0xaa: {  	[dreg:$0x4] =	wrdreg $0xC0  }
0xab: {  	_ =	task [dreg:s7], $0x5FFFF  }
0xac: {  	[dreg:$0x1] =	wrdreg $0xFFFFFFFF  }
0xad: {  	[dreg:$0x0] =	wrdreg $0x60  }
0xae: {  	[dreg:$0x2] =	wrdreg s2  }
0xaf: {  	[dreg:$0x3] =	wrdreg s24  }
0xb0: {  	[dreg:$0x4] =	wrdreg $0x0  }
0xb1: {  	[dreg:$0x5] =	wrdreg $0x9  }
0xb2: {  	_ =	task.clear_ibuf [dreg:s7], $0x6FFFF;
	_ =	strace $0x90000046  }
0xb3: {  	s29 =	simm.s32 $0x9;
	_ =	strace $0x80000048  }
0xb4: {  	_ =	swait.ge [sflag:s29], $0x1  }
0xb5: {  	[sflag:s29] =	ssyncadd.s32 $0xFFFFFFFF  }
0xb6: {  	_ =	strace $0x90000048  }
0xb7: {  	_ =	sfence  }
0xb8: {  	s30 =	sld [smem:$0x0];
	_ =	sdelay $0x2  }
0xb9: {  	s31 =	sshll.u32 s1, $0xD;
	s1 =	sshrl.u32 s1, $0x2  }
0xba: {  	s3 =	sand.u32 $0x4000, s31;
	s1 =	sadd.s32 s1, s30  }
0xbb: {  	s0 =	sor.u32 s3, s0;
	s1 =	sshll.u32 s1, $0x11  }
0xbc: {  	s0 =	sor.u32 s1, s0  }
0xbd: {  	s0 =	sadd.s32 $0x8F2B, s0  }
0xbe: {  	[sflag:s0] =	ssyncadd.remote.s32 $0x1  }
0xbf: {  	_ =	sfence.sel $0xFFFF  }
0xc0: {  	[dreg:$0x0] =	wrdreg $0xFFFFFFFF;
	(pc) =	sbr.abs _section_cstart, $3  }
0xc1: {  	[dreg:$0x1] =	wrdreg $0xFFFFFFFF  }
0xc2: {  	_ =	task.clear_ibuf [dreg:s7], $0x2FFFF;
	_ =	strace $0x9FFFFFFF  }
0xc3: {  	(tm) =	ssettm $0x7FFFFFFF  }
tec
execute0_lowered:
.L_overlay_start_1:
0x0: {  	(tag) =	ssettag $0x1  }
0x1: {  	v0 =	vimm.s32 $0xFEDCBA9;
	v1 =	vimm.s32 $0x87654321  }
0x2: {  	v2 =	vimm.s32 $0x10FEDCBA;
	v48 =	vimm.s32 $0x98765432;
	v19 =	vlaneseq.u32  }
0x3: {  	v49 =	vimm.s32 $0x210FEDCB;
	v7 =	vimm.s32 $0xA9876543;
	v8 =	vimm.s32 $0x3210FEDC  }
0x4: {  	v9 =	vimm.s32 $0xBA987654;
	v10 =	vimm.s32 $0x43210FED;
	v11 =	vimm.s32 $0xCBA98765  }
0x5: {  	v13 =	vimm.s32 $0x543210FE;
	v14 =	vimm.s32 $0xDCBA9876;
	v15 =	vimm.s32 $0x6543210F  }
0x6: {  	v16 =	vimm.s32 $0xEDCBA987;
	v17 =	vimm.s32 $0xFEDCBA98;
	v18 =	vimm.s32 $0x76543210  }
0x7: {  	v0 =	vunpack.c.l.s4.s8 v0;
	v1 =	vunpack.c.l.s4.s8 v1;
	v47 =	vunpack.c.l.s4.s8 v2  }
0x8: {  	v2 =	vunpack.c.l.s4.s8 v48;
	v50 =	vmul.u32 $0x80, v19;
	v8 =	vunpack.c.l.s4.s8 v8  }
0x9: {  	v9 =	vunpack.c.l.s4.s8 v9;
	v10 =	vunpack.c.l.s4.s8 v10;
	v11 =	vunpack.c.l.s4.s8 v11  }
0xa: {  	v13 =	vunpack.c.l.s4.s8 v13;
	v14 =	vunpack.c.l.s4.s8 v14;
	v15 =	vunpack.c.l.s4.s8 v15  }
0xb: {  	v16 =	vunpack.c.l.s4.s8 v16;
	v17 =	vunpack.c.l.s4.s8 v17;
	v18 =	vunpack.c.l.s4.s8 v18  }
0xc: {  	v0 =	vunpack.c.0.s8.s32 v0;
	v3 =	vunpack.c.0.s8.s32 v1;
	v5 =	vunpack.c.0.s8.s32 v47  }
0xd: {  	v2 =	vunpack.c.0.s8.s32 v2;
	v8 =	vunpack.c.0.s8.s32 v8;
	v9 =	vunpack.c.0.s8.s32 v9  }
0xe: {  	v10 =	vunpack.c.0.s8.s32 v10;
	v11 =	vunpack.c.0.s8.s32 v11;
	v4 =	vcombine.low v3, v0  }
0xf: {  	v13 =	vunpack.c.0.s8.s32 v13;
	v14 =	vunpack.c.0.s8.s32 v14;
	v53 =	vcombine.low v2, v5  }
0x10: {  	[tilespmem:$0x1FD50] =	vst v50;
	v15 =	vunpack.c.0.s8.s32 v15;
	v56 =	vcombine.low v9, v8;
	v51 =	vand.u32 $0xF, v4  }
0x11: {  	v16 =	vunpack.c.0.s8.s32 v16;
	v57 =	vcombine.low v11, v10;
	v54 =	vand.u32 $0xF, v53;
	[tilespmem:$0x1FD60] =	vst v51  }
0x12: {  	v17 =	vunpack.c.0.s8.s32 v17;
	v59 =	vcombine.low v14, v13;
	v58 =	vand.u32 $0xF, v56;
	[tilespmem:$0x1FD70] =	vst v54  }
0x13: {  	v18 =	vunpack.c.0.s8.s32 v18;
	v61 =	vcombine.low v16, v15;
	v60 =	vand.u32 $0xF, v57;
	[tilespmem:$0x1FD90] =	vst v58  }
0x14: {  	v6 =	vunpack.c.l.s4.s8 v49;
	v63 =	vand.u32 $0xF, v17;
	v62 =	vand.u32 $0xF, v59;
	[tilespmem:$0x1FDA0] =	vst v60  }
0x15: {  	v0 =	vcombine.low v0, v3;
	v20 =	vcombine.low v63, v18;
	v17 =	vand.u32 $0xF, v61;
	[tilespmem:$0x1FDB0] =	vst v62  }
0x16: {  	v52 =	vunpack.c.l.s4.s8 v7;
	v2 =	vcombine.low v5, v2;
	[tilespmem:$0x1FDC0] =	vst v17  }
0x17: {  	v6 =	vunpack.c.0.s8.s32 v6;
	v22 =	vcombine.low v8, v9;
	v0 =	vand.u32 $0xF, v0;
	[tilespmem:$0x1FDD0] =	vst v20  }
0x18: {  	v24 =	vcombine.low v10, v11;
	v4 =	vunpack.c.0.s8.s32 v52;
	v23 =	vand.u32 $0xF, v2;
	[tilespmem:$0x1FDE0] =	vst v0  }
0x19: {  	v30 =	vimm.s32 $0x4C4B4A49;
	v25 =	vcombine.low v13, v14;
	v26 =	vand.u32 $0xF, v22;
	[tilespmem:$0x1FDF0] =	vst v23  }
0x1a: {  	v32 =	vimm.s32 $0x404F4E4D;
	v28 =	vand.u32 $0xF, v24;
	[tilespmem:$0x1FE10] =	vst v26;
	v12 =	vcombine.low v4, v6  }
0x1b: {  	v33 =	vimm.s32 $0x44434241;
	v29 =	vand.u32 $0xF, v25;
	[tilespmem:$0x1FE20] =	vst v28;
	v21 =	vcombine.low v6, v4  }
0x1c: {  	v34 =	vimm.s32 $0x48474645;
	v27 =	vcombine.low v15, v16;
	[tilespmem:$0x1FE30] =	vst v29;
	v55 =	vand.u32 $0xF, v12  }
0x1d: {  	s0 =	rddreg [dreg:$0x0];
	v31 =	vunpack.c.0.s8.s32 v30;
	v3 =	vunpack.c.0.s8.s32 v33;
	v0 =	vand.u32 $0xF, v21;
	[tilespmem:$0x1FD80] =	vst v55  }
0x1e: {  	s1 =	rddreg [dreg:$0x1];
	s5 =	simm.s32 $0x0;
	v2 =	vunpack.c.0.s8.s32 v32;
	v4 =	vunpack.c.0.s8.s32 v34;
	[tilespmem:$0x1FE00] =	vst v0;
	v0 =	vand.u32 $0xF, v27  }
0x1f: {  	vm0 =	vcmask $0x1F10;
	[smem:$0x7FF] =	sst s5;
	v35 =	vor.u32 $0x40, v19;
	[tilespmem:$0x1FE40] =	vst v0  }
0x20: {  	s2 =	rddreg [dreg:$0x2];
	v36 =	vsel vm0, v2, v31;
	v38 =	vsel vm0, v4, v3;
	_ =	strace $0x80000047;
	[tilespmem:$0x1FE50] =	vst v35  }
0x21: {  	v37 =	vimm.s32 $0x4D4C4B4A;
	v1 =	vcombine.low v38, v36;
	[tilespmem:$0x1FE60] =	vst v36  }
0x22: {  	v40 =	vimm.s32 $0x41404F4E;
	v42 =	vimm.s32 $0x49484746;
	v39 =	vunpack.c.0.s8.s32 v37;
	[tilespmem:$0x1FE70] =	vst v38  }
0x23: {  	v43 =	vunpack.c.0.s8.s32 v42;
	v5 =	vunpack.c.0.s8.s32 v40;
	[tilespmem:$0x1FE80] =	vst v1  }
0x24: {  	v45 =	vimm.s32 $0x4E4D4C4B;
	[tilespmem:$0x1FE90] =	vst v39  }
0x25: {  	v46 =	vimm.s32 $0x4241404F;
	v47 =	vunpack.c.0.s8.s32 v45;
	v44 =	vsel vm0, v5, v39;
	[tilespmem:$0x1FEA0] =	vst v43  }
0x26: {  	v48 =	vunpack.c.0.s8.s32 v46;
	v49 =	vimm.s32 $0x46454443;
	[tilespmem:$0x1FEB0] =	vst v44  }
0x27: {  	v50 =	vimm.s32 $0x4A494847;
	v52 =	vunpack.c.0.s8.s32 v49;
	[tilespmem:$0x1FEE0] =	vst v47  }
0x28: {  	v53 =	vunpack.c.0.s8.s32 v50;
	[tilespmem:$0x1FEF0] =	vst v48  }
0x29: {  	[tilespmem:$0x1FF00] =	vst v52  }
0x2a: {  	s3 =	srdreg.scid;
	s12 =	stileid.u32;
	s19 =	simm.s32 $0x3;
	v51 =	vimm.s32 $0x4F4E4D4C;
	v58 =	vsel vm0, v48, v47;
	[tilespmem:$0x1FF10] =	vst v53  }
0x2b: {  	s28 =	simm.s32 $0x17F80;
	s29 =	simm.s32 $0x1;
	s30 =	simm.s32 $0x1A780;
	v56 =	vimm.s32 $0x47464544;
	v54 =	vunpack.c.0.s8.s32 v51;
	v59 =	vsel vm0, v53, v52;
	[tilespmem:$0x1FF20] =	vst v58  }
0x2c: {  	s31 =	simm.s32 $0x0;
	s3 =	sand.u32 $0x1, s3;
	s4 =	smul.u32 $0x15000, s12;
	v57 =	vimm.s32 $0x4B4A4948;
	v8 =	vunpack.c.0.s8.s32 v56;
	[tilespmem:$0x1FF30] =	vst v59  }
0x2d: {  	s5 =	sadd.s32 $0x64E00, s1;
	s6 =	sadd.s32 $0xCE00, s1;
	s11 =	smul.u32 $0x54000, s12;
	v9 =	vunpack.c.0.s8.s32 v57;
	[tilespmem:$0x1FF50] =	vst v54  }
0x2e: {  	s7 =	sadd.s32 $0x3000, s1;
	s13 =	sadd.s32 $0x8C000, s1;
	s8 =	smul.u32 $0x150000, s3;
	[tilespmem:$0x1FF70] =	vst v8  }
0x2f: {  	v41 =	vimm.s32 $0x45444342;
	s22 =	sshll.u32 s12, $0x6;
	s10 =	ssub.s32 $0x2, s3;
	s3 =	sshll.u32 s3, $0x4;
	v61 =	vsel vm0, v9, v8;
	[tilespmem:$0x1FF80] =	vst v9  }
0x30: {  	s20 =	sshrl.u32 s10, $0x1;
	s3 =	sor.u32 s12, s3;
	s9 =	sadd.s32 s4, s8;
	v6 =	vunpack.c.0.s8.s32 v41;
	v62 =	vsel vm0, v3, v2;
	[tilespmem:$0x1FFA0] =	vst v61  }
0x31: {  	s11 =	sshrl.u32 s11, $0x2;
	s8 =	sadd.s32 $0x16C00, s1;
	s9 =	sshrl.u32 s9, $0x3;
	v0 =	vsel vm0, v31, v4;
	[tilespmem:$0x1FFC0] =	vst v62  }
0x32: {  	s1 =	sadd.s32 s9, s1;
	s9 =	ssub.s32 s10, s20;
	s10 =	smul.u32 $0x2710, s3;
	v63 =	vsel vm0, v6, v5;
	v55 =	vimm.s32 $0x43424140;
	[tilespmem:$0x1FFD0] =	vst v0  }
0x33: {  	s12 =	sor.u32 $0x1C03, s22;
	s21 =	sadd.s32 s11, s2;
	s4 =	sshrl.u32 s4, $0x3;
	v7 =	vunpack.c.0.s8.s32 v55;
	v1 =	vsel vm0, v43, v6;
	[tilespmem:$0x1FFF0] =	vst v63  }
0x34: {  	s4 =	sadd.s32 s13, s4;
	s23 =	sshrl.u32 s10, $0x3;
	[dreg:$0x4] =	wrdreg s13;
	[tilespmem:$0x1FEC0] =	vst v1;
	v1 =	vcombine.low v1, v44  }
0x35: {  	s18 =	sshrl.u32 s21, $0x3;
	s24 =	sadd.s32 s6, s23;
	[dreg:$0x5] =	wrdreg s4;
	[tilespmem:$0x1FF60] =	vst v7  }
0x36: {  	s21 =	simm.s32 $0x15000;
	s25 =	sadd.s32 s8, s10;
	[dreg:$0x6] =	wrdreg s24;
	v60 =	vsel vm0, v7, v54;
	[tilespmem:$0x1FED0] =	vst v1;
	v1 =	vcombine.low v59, v58  }
0x37: {  	s20 =	simm.s32 $0x1CF80;
	s1 =	sadd.s32 $0xB6000, s1;
	[dreg:$0x8] =	wrdreg s25;
	v0 =	vcombine.low v0, v62;
	[tilespmem:$0x1FF90] =	vst v60  }
0x38: {  	s26 =	smax.u32 s9, $0x1;
	s4 =	sadd.s32 s7, s23;
	[dreg:$0x9] =	wrdreg s1;
	[tilespmem:$0x1FF40] =	vst v1;
	v1 =	vcombine.low v61, v60  }
0x39: {  	[dreg:$0xa] =	wrdreg s26;
	s24 =	simm.s32 $0x2;
	s25 =	simm.s32 $0x50;
	[tilespmem:$0x1FFE0] =	vst v0  }
0x3a: {  	s26 =	simm.s32 $0x15780;
	s13 =	simm.s32 $0x0;
	[dreg:$0x7] =	wrdreg s4;
	[tilespmem:$0x1FFB0] =	vst v1  }
.LBB2_1:
0x3b: {  	s1 =	rddreg [dreg:$0x5]  }
0x3c: {  	[spmem:s18], [sflag:s12] =	dma.local [hbm:s1], $0x2A00  }
0x3d: {  	_ =	swait.ge [sflag:s19], $0x2A00  }
0x3e: {  	[sflag:s19] =	ssyncset.done $0x0  }
0x3f: {  	s16 =	simm.s32 $0x0;
	s3 =	rddreg [dreg:$0x4];
	[sflag:s19] =	ssyncadd.s32 $0xFFFFD600  }
0x40: {  	[tilespmem:s20], [sflag:$0x3] =	stream.linear.gather [hbm4b:s3+s16], $0x2800, $0x38;
	[tilespmem:$0x1F780] =	vst v63  }
0x41: {  	_ =	swait.ge [sflag:s19], $0x2800  }
0x42: {  	[sflag:s19] =	ssyncset.done $0x0  }
0x43: {  	[sflag:s19] =	ssyncadd.s32 $0xFFFFD800  }
0x44: {  	[bflag:$0x0] =	sbarrier.arrive $0xFFFF  }
0x45: {  	s17 =	rddreg [dreg:$0x6]  }
0x46: {  	[tilespmem:s21], [sflag:$0x2] =	stream.linear.gather [hbm4b:s17+s16], $0x50, $0x38;
	[tilespmem:$0x1F780] =	vst v63  }
0x47: {  	s4 =	simm.s32 $0x15080;
	s22 =	rddreg [dreg:$0x7]  }
0x48: {  	[tilespmem:s4], [sflag:$0x2] =	stream.linear.gather [hbm4b:s22+s16], $0x50, $0x38;
	[tilespmem:$0x1F780] =	vst v63  }
0x49: {  	s9 =	simm.s32 $0x15280;
	s23 =	rddreg [dreg:$0x8]  }
0x4a: {  	[tilespmem:s9], [sflag:$0x2] =	stream.linear.gather [hbm4b:s23+s16], $0x280, $0x38;
	[tilespmem:$0x1F780] =	vst v63  }
0x4b: {  	_ =	swait.ge [sflag:s24], $0x50  }
0x4c: {  	[sflag:s24] =	ssyncset.done $0x0  }
0x4d: {  	[sflag:s24] =	ssyncadd.s32 $0xFFFFFFB0  }
0x4e: {  	_ =	swait.ge [sflag:s24], $0x50  }
0x4f: {  	[sflag:s24] =	ssyncset.done $0x0  }
0x50: {  	[sflag:s24] =	ssyncadd.s32 $0xFFFFFFB0  }
0x51: {  	_ =	swait.ge [sflag:s24], $0x280  }
0x52: {  	[sflag:s24] =	ssyncset.done $0x0  }
0x53: {  	[sflag:s24] =	ssyncadd.s32 $0xFFFFFD80  }
0x54: {  	v0 =	vld [tilespmem:$0x15080]  }
0x55: {  	v2 =	vld [tilespmem:$0x15090]  }
0x56: {  	v3 =	vld [tilespmem:$0x150A0]  }
0x57: {  	v4 =	vld [tilespmem:$0x150B0]  }
0x58: {  	v5 =	vld [tilespmem:$0x150C0]  }
0x59: {  	v0 =	vshra.s32 v0, $0x4  }
0x5a: {  	v2 =	vshra.s32 v2, $0x4;
	v0 =	vadd.s32 $0x2780, v0  }
0x5b: {  	v58 =	vshra.s32 v3, $0x4;
	v57 =	vadd.s32 $0x2780, v2;
	[tilespmem:$0x15180] =	vst v0  }
0x5c: {  	v60 =	vshra.s32 v4, $0x4;
	v59 =	vadd.s32 $0x2780, v58;
	[tilespmem:$0x15190] =	vst v57  }
0x5d: {  	v62 =	vshra.s32 v5, $0x4;
	v61 =	vadd.s32 $0x2780, v60;
	[tilespmem:$0x151A0] =	vst v59  }
0x5e: {  	v63 =	vadd.s32 $0x2780, v62;
	[tilespmem:$0x151B0] =	vst v61  }
0x5f: {  	[tilespmem:$0x151C0] =	vst v63  }
0x60: {  	[tilespmem:s26], [sflag:$0x1] =	stream.indirect.gather [hbm4b:s0+s25], $0x80, s4, s25, $0xb8;
	[tilespmem:$0x1F780] =	vst v63  }
0x61: {  	p0 =	por $0x0, $0x0;
	s1 =	simm.s32 $0x0  }
0x62: {  	[tilespmem:s28], [sflag:$0x1] =	stream.indirect.gather [hbm4b:s5+s25], $0x80, s21, s25, $0xb8;
	[tilespmem:$0x1F780] =	vst v63  }
.LBB2_2:
0x63: {  	s3 =	sand.u32 $0x1, s1;
	s1 =	sadd.s32 $0x1, s1  }
0x64: {  	_ =	swait.ge [sflag:s29], $0x2800;
	s15 =	simm.s32 $0x1;
	s4 =	smin.u32 s1, $0x7C  }
0x65: {  	[sflag:s29] =	ssyncset.done $0x0;
	s9 =	sxor.u32 $0x1, s3;
	s4 =	smul.u32 $0x50, s4  }
0x66: {  	s15 =	simm.s32 @!p0 $0x0;
	s23 =	sshll.u32 s9, $0x7;
	s9 =	smul.u32 $0xA00, s9  }
0x67: {  	s3 =	sshll.u32 s3, $0x7;
	[sflag:s29] =	ssyncadd.s32 $0xFFFFD800;
	s16 =	smul.u32 $0xA00, s15  }
0x68: {  	s22 =	sadd.s32 $0x15080, s3;
	_ =	swait.ge [sflag:s29], $0x2800;
	s4 =	sadd.s32 s10, s4  }
0x69: {  	s15 =	simm.s32 $0x0;
	[sflag:s29] =	ssyncset.done $0x0;
	s14 =	sshrl.u32 s4, $0x3  }
0x6a: {  	s9 =	sshrl.u32 s9, $0x2;
	[sflag:s29] =	ssyncadd.s32 $0xFFFFD800;
	s11 =	sadd.s32 s6, s14  }
0x6b: {  	[tilespmem:s21], [sflag:$0x2] =	stream.linear.gather [hbm4b:s11+s13], $0x50, $0x38;
	[tilespmem:$0x1F780] =	vst v63  }
0x6c: {  	s17 =	sshrl.u32 s16, $0x2;
	s14 =	sadd.s32 s7, s14;
	s11 =	sadd.s32 $0x15080, s23  }
0x6d: {  	v0 =	vmov s22;
	[tilespmem:s11], [sflag:$0x2] =	stream.linear.gather [hbm4b:s14+s13], $0x50, $0x38;
	[tilespmem:$0x1F780] =	vst v63  }
0x6e: {  	[tilespmem:$0x1FD40] =	vst v0;
	s9 =	sadd.s32 $0x15280, s9;
	s4 =	sadd.s32 s8, s4;
	s17 =	sadd.s32 $0x152C0, s17  }
0x6f: {  	[tilespmem:s9], [sflag:$0x2] =	stream.linear.gather [hbm4b:s4+s13], $0x280, $0x38;
	[tilespmem:$0x1F780] =	vst v63  }
.LBB2_3:
0x70: {  	v1 =	vld [tilespmem:$0x1FD50];
	_ =	sdelay $0x1  }
0x71: {  	s4 =	sshll.u32 s15, $0x4  }
0x72: {  	v0 =	vmov s4  }
0x73: {  	v0 =	vshll.u32 v0, $0x7  }
0x74: {  	v16 =	vor.u32 v1, v0;
	v0 =	vlaneseq.u32  }
0x75: {  	v0 =	vor.u32 v0, v16  }
0x76: {  	[tilespmem:$0x1FD30] =	vst v0;
	v3 =	vor.u32 s13, v0;
	v0 =	vld [tilespmem:$0x1FD60];
	_ =	sdelay $0x4  }
0x77: {  	v1 =	vor.u32 v0, v16;
	v0 =	vld [tilespmem:$0x1FD70];
	_ =	sdelay $0x4  }
0x78: {  	v2 =	vor.u32 v0, v16;
	v0 =	vld [tilespmem:$0x1FD80];
	_ =	sdelay $0x4  }
0x79: {  	v6 =	vor.u32 v0, v16;
	v0 =	vld [tilespmem:$0x1FD90];
	_ =	sdelay $0x4  }
0x7a: {  	v7 =	vor.u32 v0, v16;
	v0 =	vld [tilespmem:$0x1FDA0];
	_ =	sdelay $0x4  }
0x7b: {  	v8 =	vor.u32 v0, v16;
	v0 =	vld [tilespmem:$0x1FDB0];
	_ =	sdelay $0x4  }
0x7c: {  	v9 =	vor.u32 v0, v16;
	v0 =	vld [tilespmem:$0x1FDC0];
	_ =	sdelay $0x2  }
0x7d: {  	v48 =	vmov v1;
	v4 =	vor.u32 s13, v1;
	v1 =	vld [tilespmem:$0x1FE10];
	_ =	sdelay $0x1  }
0x7e: {  	v10 =	vor.u32 v0, v16;
	v0 =	vld [tilespmem:$0x1FDD0];
	_ =	sdelay $0x2  }
0x7f: {  	v58 =	vor.u32 v1, v16;
	v1 =	vld [tilespmem:$0x1FE20];
	_ =	sdelay $0x1  }
0x80: {  	v54 =	vor.u32 v0, v16;
	v0 =	vld [tilespmem:$0x1FDE0];
	_ =	sdelay $0x1  }
0x81: {  	v5 =	vor.u32 s13, v2  }
0x82: {  	v59 =	vor.u32 v1, v16;
	v1 =	vld [tilespmem:$0x1FE30]  }
0x83: {  	v49 =	vmov v2;
	v2 =	vld.idx.msk [tilespmem:v3+s28+$0x0], $0xffff;
	v51 =	vmov v7;
	v7 =	vor.u32 s13, v7  }
0x84: {  	v55 =	vor.u32 v0, v16;
	v0 =	vld [tilespmem:$0x1FDF0]  }
0x85: {  	v19 =	vld.idx.msk [tilespmem:v4+s28+$0x0], $0xffff;
	v52 =	vmov v8;
	v8 =	vor.u32 s13, v8  }
0x86: {  	v22 =	vld.idx.msk [tilespmem:v5+s28+$0x0], $0xffff;
	v53 =	vmov v9;
	v9 =	vor.u32 s13, v9  }
0x87: {  	v60 =	vor.u32 v1, v16;
	v1 =	vld [tilespmem:$0x1FE40];
	v47 =	vmov v10;
	v10 =	vor.u32 s13, v10  }
0x88: {  	v26 =	vld.idx.msk [tilespmem:v7+s28+$0x0], $0xffff;
	v11 =	vor.u32 s13, v54  }
0x89: {  	v56 =	vor.u32 v0, v16;
	v0 =	vld [tilespmem:$0x1FE00]  }
0x8a: {  	v63 =	vld.idx.msk [tilespmem:v8+s26+$0x0], $0xffff  }
0x8b: {  	v28 =	vld.idx.msk [tilespmem:v9+s28+$0x0], $0xffff;
	v13 =	vor.u32 s13, v56  }
0x8c: {  	v50 =	vmov v6;
	v6 =	vor.u32 s13, v6;
	v29 =	vld.idx.msk [tilespmem:v10+s28+$0x0], $0xffff  }
0x8d: {  	v23 =	vshll.u32 v2, $0x10;
	v2 =	vand.u32 $0xFFFF0000, v2;
	v25 =	vshll.u32 v19, $0x10;
	v35 =	vld.idx.msk [tilespmem:v11+s28+$0x0], $0xffff  }
0x8e: {  	v19 =	vand.u32 $0xFFFF0000, v19;
	v18 =	vor.u32 s13, v59;
	v57 =	vor.u32 v0, v16;
	v0 =	vld.idx.msk [tilespmem:v3+s26+$0x0], $0xffff  }
0x8f: {  	v15 =	vld.idx.msk [tilespmem:v4+s26+$0x0], $0xffff;
	v27 =	vshll.u32 v22, $0x10;
	v17 =	vor.u32 s13, v60;
	v61 =	vor.u32 v1, v16  }
0x90: {  	v62 =	vor.u32 s13, v61;
	v32 =	vshll.u32 v26, $0x10;
	v26 =	vand.u32 $0xFFFF0000, v26;
	v42 =	vld.idx.msk [tilespmem:v13+s28+$0x0], $0xffff  }
0x91: {  	v34 =	vand.u32 $0xFFFF0000, v63;
	v38 =	vshll.u32 v28, $0x10;
	v28 =	vand.u32 $0xFFFF0000, v28  }
0x92: {  	v20 =	vld.idx.msk [tilespmem:v5+s26+$0x0], $0xffff;
	v12 =	vor.u32 s13, v55;
	v37 =	vshll.u32 v29, $0x10;
	v29 =	vand.u32 $0xFFFF0000, v29  }
0x93: {  	v41 =	vand.u32 $0xFFFF0000, v35;
	v21 =	vshll.u32 v0, $0x10;
	v0 =	vand.u32 $0xFFFF0000, v0  }
0x94: {  	v14 =	vor.u32 s13, v57;
	v21 =	vmul.f32 v23, v21;
	v23 =	vld.idx.msk [tilespmem:v6+s26+$0x0], $0xffff;
	v0 =	vmul.f32 v2, v0  }
0x95: {  	v24 =	vld.idx.msk [tilespmem:v6+s28+$0x0], $0xffff;
	v2 =	vand.u32 $0xFFFF0000, v15;
	v15 =	vshll.u32 v15, $0x10;
	v31 =	vshll.u32 v42, $0x10  }
0x96: {  	v15 =	vmul.f32 v25, v15;
	v2 =	vmul.f32 v19, v2;
	v21 =	vadd.f32 $0.0e+00, v21  }
0x97: {  	v46 =	vld.idx.msk [tilespmem:v7+s26+$0x0], $0xffff;
	v19 =	vshll.u32 v20, $0x10;
	v20 =	vand.u32 $0xFFFF0000, v20;
	v0 =	vadd.f32 $0.0e+00, v0  }
0x98: {  	v25 =	vshll.u32 v35, $0x10;
	v19 =	vmul.f32 v27, v19;
	v15 =	vadd.f32 v15, v21  }
0x99: {  	v21 =	vand.u32 $0xFFFF0000, v22;
	v22 =	vld.idx.msk [tilespmem:v8+s28+$0x0], $0xffff;
	v0 =	vadd.f32 v2, v0;
	v2 =	vand.u32 $0xFFFF0000, v23  }
0x9a: {  	v40 =	vld.idx.msk [tilespmem:v12+s26+$0x0], $0xffff;
	v20 =	vmul.f32 v21, v20;
	v21 =	vshll.u32 v23, $0x10;
	v23 =	vshll.u32 v24, $0x10  }
0x9b: {  	v19 =	vadd.f32 v19, v15;
	v21 =	vmul.f32 v23, v21;
	v15 =	vand.u32 $0xFFFF0000, v24  }
0x9c: {  	v44 =	vld.idx.msk [tilespmem:v14+s28+$0x0], $0xffff;
	v23 =	vshll.u32 v46, $0x10;
	v0 =	vadd.f32 v20, v0;
	v2 =	vmul.f32 v15, v2  }
0x9d: {  	v20 =	vld.idx.msk [tilespmem:v9+s26+$0x0], $0xffff;
	v15 =	vor.u32 s13, v58;
	v19 =	vadd.f32 v21, v19;
	v21 =	vmul.f32 v32, v23  }
0x9e: {  	v23 =	vld.idx.msk [tilespmem:v10+s26+$0x0], $0xffff;
	v0 =	vadd.f32 v2, v0;
	v2 =	vshll.u32 v63, $0x10;
	v33 =	vshll.u32 v22, $0x10  }
0x9f: {  	v63 =	vand.u32 $0xFFFF0000, v40;
	v19 =	vadd.f32 v21, v19;
	v2 =	vmul.f32 v33, v2  }
0xa0: {  	v21 =	vand.u32 $0xFFFF0000, v22;
	v22 =	vand.u32 $0xFFFF0000, v46;
	v46 =	vshll.u32 v40, $0x10  }
0xa1: {  	v22 =	vmul.f32 v26, v22;
	v21 =	vmul.f32 v21, v34;
	v2 =	vadd.f32 v2, v19;
	v19 =	vld.idx.msk [tilespmem:v11+s26+$0x0], $0xffff  }
0xa2: {  	v34 =	vand.u32 $0xFFFF0000, v44;
	v36 =	vshll.u32 v20, $0x10;
	v20 =	vand.u32 $0xFFFF0000, v20;
	v32 =	vld.idx.msk [tilespmem:v15+s28+$0x0], $0xffff  }
0xa3: {  	v33 =	vld.idx.msk [tilespmem:v15+s26+$0x0], $0xffff;
	v0 =	vadd.f32 v22, v0;
	v24 =	vmul.f32 v38, v36;
	v39 =	vshll.u32 v23, $0x10  }
0xa4: {  	v22 =	vld.idx.msk [tilespmem:v12+s28+$0x0], $0xffff;
	v23 =	vand.u32 $0xFFFF0000, v23;
	v20 =	vmul.f32 v28, v20;
	v28 =	vshll.u32 v44, $0x10  }
0xa5: {  	v26 =	vmul.f32 v37, v39;
	v2 =	vadd.f32 v24, v2;
	v0 =	vadd.f32 v21, v0  }
0xa6: {  	v23 =	vmul.f32 v29, v23;
	v29 =	vand.u32 $0xFFFF0000, v42;
	v21 =	vld.idx.msk [tilespmem:v13+s26+$0x0], $0xffff;
	v43 =	vshll.u32 v19, $0x10  }
0xa7: {  	v19 =	vand.u32 $0xFFFF0000, v19;
	v2 =	vadd.f32 v26, v2;
	v0 =	vadd.f32 v20, v0  }
0xa8: {  	v20 =	vld.idx.msk [tilespmem:v14+s26+$0x0], $0xffff;
	v38 =	vshll.u32 v33, $0x10;
	v27 =	vand.u32 $0xFFFF0000, v32;
	v25 =	vmul.f32 v25, v43  }
0xa9: {  	v19 =	vmul.f32 v41, v19;
	v45 =	vshll.u32 v22, $0x10;
	v22 =	vand.u32 $0xFFFF0000, v22  }
0xaa: {  	v24 =	vmul.f32 v45, v46;
	v0 =	vadd.f32 v23, v0;
	v22 =	vmul.f32 v22, v63  }
0xab: {  	v36 =	vld.idx.msk [tilespmem:v18+s26+$0x0], $0xffff;
	v2 =	vadd.f32 v25, v2;
	v23 =	vshll.u32 v21, $0x10;
	v21 =	vand.u32 $0xFFFF0000, v21  }
0xac: {  	v23 =	vmul.f32 v31, v23;
	v0 =	vadd.f32 v19, v0;
	v19 =	vld.idx.msk [tilespmem:v18+s28+$0x0], $0xffff;
	v21 =	vmul.f32 v29, v21  }
0xad: {  	v2 =	vadd.f32 v24, v2;
	v35 =	vshll.u32 v20, $0x10;
	v20 =	vand.u32 $0xFFFF0000, v20  }
0xae: {  	v37 =	vld.idx.msk [tilespmem:v17+s26+$0x0], $0xffff;
	v24 =	vand.u32 $0xFFFF0000, v33;
	v25 =	vmul.f32 v28, v35;
	v0 =	vadd.f32 v22, v0  }
0xaf: {  	v20 =	vmul.f32 v34, v20;
	v22 =	vshll.u32 v32, $0x10;
	v2 =	vadd.f32 v23, v2;
	v23 =	vld.idx.msk [tilespmem:v17+s28+$0x0], $0xffff  }
0xb0: {  	v24 =	vmul.f32 v27, v24;
	v22 =	vmul.f32 v22, v38;
	v0 =	vadd.f32 v21, v0  }
0xb1: {  	v39 =	vld.idx.msk [tilespmem:v62+s28+$0x0], $0xffff;
	v21 =	vshll.u32 v36, $0x10;
	v2 =	vadd.f32 v25, v2;
	v40 =	vshll.u32 v19, $0x10  }
0xb2: {  	v41 =	vld.idx.msk [tilespmem:v62+s26+$0x0], $0xffff;
	v19 =	vand.u32 $0xFFFF0000, v19;
	v0 =	vadd.f32 v20, v0;
	v20 =	vand.u32 $0xFFFF0000, v36  }
0xb3: {  	v21 =	vmul.f32 v40, v21;
	v2 =	vadd.f32 v22, v2;
	v19 =	vmul.f32 v19, v20  }
0xb4: {  	v20 =	vshll.u32 v37, $0x10;
	v22 =	vand.u32 $0xFFFF0000, v23;
	v0 =	vadd.f32 v24, v0  }
0xb5: {  	v2 =	vadd.f32 v21, v2;
	v21 =	vshll.u32 v23, $0x10;
	v23 =	vand.u32 $0xFFFF0000, v37  }
0xb6: {  	v20 =	vmul.f32 v21, v20;
	v21 =	vmul.f32 v22, v23;
	v22 =	vshll.u32 v39, $0x10  }
0xb7: {  	v1 =	vld [tilespmem:$0x1FD40];
	v0 =	vadd.f32 v19, v0;
	v19 =	vshll.u32 v41, $0x10;
	v23 =	vand.u32 $0xFFFF0000, v41  }
0xb8: {  	v19 =	vmul.f32 v22, v19;
	v2 =	vadd.f32 v20, v2;
	v20 =	vand.u32 $0xFFFF0000, v39  }
0xb9: {  	v0 =	vadd.f32 v21, v0;
	v21 =	vld [tilespmem:s17+$0xFFFFFFC0];
	v20 =	vmul.f32 v20, v23  }
0xba: {  	v2 =	vadd.f32 v19, v2;
	v19 =	vld [tilespmem:s17+$0x0]  }
0xbb: {  	v0 =	vadd.f32 v20, v0  }
0xbc: {  	v2 =	vmul.f32 $2.500000000e-01, v2  }
0xbd: {  	v0 =	vmul.f32 $2.500000000e-01, v0  }
0xbe: {  	v2 =	vadd.f32 v2, v21  }
0xbf: {  	v20 =	vld.idx.msk [tilespmem:v1+s4+$0x0 ss:$0x1], $0xffff;
	v0 =	vadd.f32 v0, v19  }
0xc0: {  	v2 =	vmul.f32 $1.442695020e+00, v2  }
0xc1: {  	v0 =	vmul.f32 $1.442695020e+00, v0  }
0xc2: {  	(erf) = vpow2.f32 v2  }
0xc3: {  	v1 =	vld [tilespmem:$0x1FE50];
	(erf) = vpow2.f32 v0  }
0xc4: {  	v0 =	vshll.u32 v20, $0x3  }
0xc5: {  	v0 =	vand.u32 $0x78, v0  }
0xc6: {  	v63 =	vor.u32 v16, v0  }
0xc7: {  	v0 =	vor.u32 $0x4, v63;
	v2 =	vor.u32 s13, v63  }
0xc8: {  	v44 =	vor.u32 v1, v16;
	v19 =	vor.u32 s13, v0  }
0xc9: {  	v22 =	vor.u32 s13, v44;
	_ =	sdelay $0x1  }
0xca: {  	v20 =	vpop (erf)  }
0xcb: {  	[tilespmem:v2+s20+$0x0] =	vst.idx.msk $0xffff, v20;
	v21 =	vpop (erf)  }
0xcc: {  	v1 =	vld [tilespmem:$0x1FE80];
	[tilespmem:v19+s20+$0x0] =	vst.idx.msk $0xffff, v21  }
0xcd: {  	v19 =	vld.idx.msk [tilespmem:v22+s28+$0x0], $0xffff;
	_ =	sdelay $0x3  }
0xce: {  	v2 =	vor.u32 v1, v16  }
0xcf: {  	v42 =	vor.u32 s13, v2;
	v23 =	vshll.u32 v19, $0x10  }
0xd0: {  	v19 =	vand.u32 $0xFFFF0000, v19;
	v23 =	vmul.f32 v23, v20  }
0xd1: {  	v19 =	vmul.f32 v19, v21  }
0xd2: {  	[tilespmem:v3+s30+$0x0] =	vst.idx.msk $0xffff, v23  }
0xd3: {  	v1 =	vld [tilespmem:$0x1FED0];
	[tilespmem:v22+s30+$0x0] =	vst.idx.msk $0xffff, v19  }
0xd4: {  	v19 =	vld.idx.msk [tilespmem:v42+s28+$0x0], $0xffff;
	_ =	sdelay $0x3  }
0xd5: {  	v3 =	vor.u32 v1, v16  }
0xd6: {  	v23 =	vor.u32 s13, v3;
	v22 =	vshll.u32 v19, $0x10  }
0xd7: {  	v19 =	vand.u32 $0xFFFF0000, v19;
	v22 =	vmul.f32 v22, v20  }
0xd8: {  	v19 =	vmul.f32 v19, v21  }
0xd9: {  	[tilespmem:v4+s30+$0x0] =	vst.idx.msk $0xffff, v22  }
0xda: {  	v1 =	vld [tilespmem:$0x1FF40];
	[tilespmem:v42+s30+$0x0] =	vst.idx.msk $0xffff, v19  }
0xdb: {  	v19 =	vld.idx.msk [tilespmem:v23+s28+$0x0], $0xffff;
	_ =	sdelay $0x3  }
0xdc: {  	v4 =	vor.u32 v1, v16  }
0xdd: {  	v43 =	vor.u32 s13, v4;
	v22 =	vshll.u32 v19, $0x10  }
0xde: {  	v19 =	vand.u32 $0xFFFF0000, v19;
	v22 =	vmul.f32 v22, v20  }
0xdf: {  	v19 =	vmul.f32 v19, v21  }
0xe0: {  	[tilespmem:v5+s30+$0x0] =	vst.idx.msk $0xffff, v22  }
0xe1: {  	v1 =	vld [tilespmem:$0x1FFB0];
	[tilespmem:v23+s30+$0x0] =	vst.idx.msk $0xffff, v19  }
0xe2: {  	v19 =	vld.idx.msk [tilespmem:v43+s28+$0x0], $0xffff;
	_ =	sdelay $0x3  }
0xe3: {  	v5 =	vor.u32 v1, v16  }
0xe4: {  	v23 =	vor.u32 s13, v5;
	v22 =	vshll.u32 v19, $0x10  }
0xe5: {  	v19 =	vand.u32 $0xFFFF0000, v19;
	v22 =	vmul.f32 v22, v20  }
0xe6: {  	v19 =	vmul.f32 v19, v21  }
0xe7: {  	[tilespmem:v6+s30+$0x0] =	vst.idx.msk $0xffff, v22  }
0xe8: {  	v1 =	vld [tilespmem:$0x1FFE0];
	[tilespmem:v43+s30+$0x0] =	vst.idx.msk $0xffff, v19  }
0xe9: {  	v19 =	vld.idx.msk [tilespmem:v23+s28+$0x0], $0xffff;
	_ =	sdelay $0x3  }
0xea: {  	v6 =	vor.u32 v1, v16  }
0xeb: {  	v45 =	vor.u32 s13, v6;
	v22 =	vshll.u32 v19, $0x10  }
0xec: {  	v19 =	vand.u32 $0xFFFF0000, v19;
	v22 =	vmul.f32 v22, v20  }
0xed: {  	v1 =	vld [tilespmem:$0x1FE90];
	v19 =	vmul.f32 v19, v21  }
0xee: {  	[tilespmem:v7+s30+$0x0] =	vst.idx.msk $0xffff, v22;
	v7 =	vld [tilespmem:$0x1FEA0]  }
0xef: {  	v28 =	vld [tilespmem:$0x1FFF0];
	[tilespmem:v23+s30+$0x0] =	vst.idx.msk $0xffff, v19  }
0xf0: {  	v19 =	vld.idx.msk [tilespmem:v45+s28+$0x0], $0xffff;
	_ =	sdelay $0x2  }
0xf1: {  	v22 =	vsel vm0, v1, v7  }
0xf2: {  	v7 =	vcombine.low v22, v28  }
0xf3: {  	v23 =	vshll.u32 v19, $0x10  }
0xf4: {  	v7 =	vor.u32 v7, v16;
	v23 =	vmul.f32 v23, v20  }
0xf5: {  	v1 =	vld [tilespmem:$0x1FEF0];
	v46 =	vor.u32 s13, v7  }
0xf6: {  	v19 =	vand.u32 $0xFFFF0000, v19;
	[tilespmem:v8+s30+$0x0] =	vst.idx.msk $0xffff, v23;
	v8 =	vld [tilespmem:$0x1FF00]  }
0xf7: {  	v19 =	vmul.f32 v19, v21;
	_ =	sdelay $0x1  }
0xf8: {  	[tilespmem:v45+s30+$0x0] =	vst.idx.msk $0xffff, v19  }
0xf9: {  	v19 =	vld.idx.msk [tilespmem:v46+s28+$0x0], $0xffff  }
0xfa: {  	v23 =	vsel vm0, v8, v1;
	v1 =	vld [tilespmem:$0x1FEE0]  }
0xfb: {  	v8 =	vld [tilespmem:$0x1FF10];
	_ =	sdelay $0x2  }
0xfc: {  	v30 =	vshll.u32 v19, $0x10  }
0xfd: {  	v26 =	vmul.f32 v30, v20  }
0xfe: {  	v24 =	vsel vm0, v1, v8;
	v1 =	vld [tilespmem:$0x1FF60]  }
0xff: {  	v8 =	vcombine.low v24, v23;
	[tilespmem:v9+s30+$0x0] =	vst.idx.msk $0xffff, v26;
	v9 =	vld [tilespmem:$0x1FF70];
	_ =	sdelay $0x1  }
0x100: {  	v8 =	vor.u32 v8, v16  }
0x101: {  	v31 =	vor.u32 s13, v8  }
0x102: {  	v32 =	vld [tilespmem:$0x1FF80];
	v19 =	vand.u32 $0xFFFF0000, v19  }
0x103: {  	v19 =	vmul.f32 v19, v21;
	v9 =	vsel vm0, v9, v1;
	v1 =	vld [tilespmem:$0x1FF50];
	_ =	sdelay $0x1  }
0x104: {  	[tilespmem:v46+s30+$0x0] =	vst.idx.msk $0xffff, v19  }
0x105: {  	v19 =	vld.idx.msk [tilespmem:v31+s28+$0x0], $0xffff;
	_ =	sdelay $0x1  }
0x106: {  	v25 =	vsel vm0, v1, v32  }
0x107: {  	v9 =	vcombine.low v25, v9;
	_ =	sdelay $0x1  }
0x108: {  	v33 =	vshll.u32 v19, $0x10;
	v9 =	vor.u32 v9, v16  }
0x109: {  	v25 =	vmul.f32 v33, v20;
	v34 =	vor.u32 s13, v9  }
0x10a: {  	v1 =	vld [tilespmem:$0x1FE60];
	v19 =	vand.u32 $0xFFFF0000, v19  }
0x10b: {  	v19 =	vmul.f32 v19, v21;
	[tilespmem:v10+s30+$0x0] =	vst.idx.msk $0xffff, v25;
	v10 =	vld [tilespmem:$0x1FE70];
	_ =	sdelay $0x1  }
0x10c: {  	[tilespmem:v31+s30+$0x0] =	vst.idx.msk $0xffff, v19  }
0x10d: {  	v19 =	vld.idx.msk [tilespmem:v34+s28+$0x0], $0xffff;
	_ =	sdelay $0x1  }
0x10e: {  	v10 =	vcombine.low v1, v10;
	_ =	sdelay $0x1  }
0x10f: {  	v10 =	vor.u32 v10, v16  }
0x110: {  	v36 =	vor.u32 s13, v10;
	v35 =	vshll.u32 v19, $0x10  }
0x111: {  	v19 =	vand.u32 $0xFFFF0000, v19;
	v25 =	vmul.f32 v35, v20  }
0x112: {  	v1 =	vld [tilespmem:$0x1FEB0];
	v19 =	vmul.f32 v19, v21  }
0x113: {  	[tilespmem:v11+s30+$0x0] =	vst.idx.msk $0xffff, v25;
	v11 =	vld [tilespmem:$0x1FEC0]  }
0x114: {  	[tilespmem:v34+s30+$0x0] =	vst.idx.msk $0xffff, v19  }
0x115: {  	v19 =	vld.idx.msk [tilespmem:v36+s28+$0x0], $0xffff;
	_ =	sdelay $0x2  }
0x116: {  	v11 =	vcombine.low v1, v11;
	_ =	sdelay $0x1  }
0x117: {  	v11 =	vor.u32 v11, v16;
	v37 =	vshll.u32 v19, $0x10  }
0x118: {  	v38 =	vor.u32 s13, v11;
	v25 =	vmul.f32 v37, v20  }
0x119: {  	v1 =	vld [tilespmem:$0x1FF20];
	v19 =	vand.u32 $0xFFFF0000, v19  }
0x11a: {  	v19 =	vmul.f32 v19, v21;
	[tilespmem:v12+s30+$0x0] =	vst.idx.msk $0xffff, v25;
	v12 =	vld [tilespmem:$0x1FF30];
	_ =	sdelay $0x1  }
0x11b: {  	[tilespmem:v36+s30+$0x0] =	vst.idx.msk $0xffff, v19  }
0x11c: {  	v19 =	vld.idx.msk [tilespmem:v38+s28+$0x0], $0xffff;
	_ =	sdelay $0x1  }
0x11d: {  	v12 =	vcombine.low v1, v12;
	_ =	sdelay $0x1  }
0x11e: {  	v12 =	vor.u32 v12, v16  }
0x11f: {  	v39 =	vshll.u32 v19, $0x10;
	v40 =	vor.u32 s13, v12  }
0x120: {  	v19 =	vand.u32 $0xFFFF0000, v19;
	v25 =	vmul.f32 v39, v20  }
0x121: {  	v1 =	vld [tilespmem:$0x1FF90];
	v19 =	vmul.f32 v19, v21  }
0x122: {  	[tilespmem:v13+s30+$0x0] =	vst.idx.msk $0xffff, v25;
	v13 =	vld [tilespmem:$0x1FFA0]  }
0x123: {  	[tilespmem:v38+s30+$0x0] =	vst.idx.msk $0xffff, v19  }
0x124: {  	v19 =	vld.idx.msk [tilespmem:v40+s28+$0x0], $0xffff;
	_ =	sdelay $0x2  }
0x125: {  	v13 =	vcombine.low v1, v13;
	_ =	sdelay $0x1  }
0x126: {  	v13 =	vor.u32 v13, v16;
	v41 =	vshll.u32 v19, $0x10  }
0x127: {  	v42 =	vor.u32 s13, v13;
	v25 =	vmul.f32 v41, v20  }
0x128: {  	v1 =	vld [tilespmem:$0x1FFC0];
	v19 =	vand.u32 $0xFFFF0000, v19  }
0x129: {  	v19 =	vmul.f32 v19, v21;
	[tilespmem:v14+s30+$0x0] =	vst.idx.msk $0xffff, v25;
	v14 =	vld [tilespmem:$0x1FFD0];
	_ =	sdelay $0x1  }
0x12a: {  	[tilespmem:v40+s30+$0x0] =	vst.idx.msk $0xffff, v19  }
0x12b: {  	v19 =	vld.idx.msk [tilespmem:v42+s28+$0x0], $0xffff;
	_ =	sdelay $0x1  }
0x12c: {  	v14 =	vcombine.low v1, v14;
	_ =	sdelay $0x1  }
0x12d: {  	v14 =	vor.u32 v14, v16  }
0x12e: {  	v43 =	vshll.u32 v19, $0x10;
	v45 =	vor.u32 s13, v14  }
0x12f: {  	v19 =	vand.u32 $0xFFFF0000, v19;
	v25 =	vmul.f32 v43, v20  }
0x130: {  	v19 =	vmul.f32 v19, v21  }
0x131: {  	[tilespmem:v15+s30+$0x0] =	vst.idx.msk $0xffff, v25  }
0x132: {  	[tilespmem:v42+s30+$0x0] =	vst.idx.msk $0xffff, v19  }
0x133: {  	v19 =	vld.idx.msk [tilespmem:v45+s28+$0x0], $0xffff;
	_ =	sdelay $0x1  }
0x134: {  	v15 =	vcombine.low v28, v22;
	_ =	sdelay $0x1  }
0x135: {  	v15 =	vor.u32 v15, v16  }
0x136: {  	v46 =	vor.u32 s13, v15;
	v22 =	vshll.u32 v19, $0x10  }
0x137: {  	v19 =	vand.u32 $0xFFFF0000, v19;
	v22 =	vmul.f32 v22, v20  }
0x138: {  	v19 =	vmul.f32 v19, v21  }
0x139: {  	[tilespmem:v18+s30+$0x0] =	vst.idx.msk $0xffff, v22  }
0x13a: {  	[tilespmem:v45+s30+$0x0] =	vst.idx.msk $0xffff, v19  }
0x13b: {  	v18 =	vld.idx.msk [tilespmem:v46+s28+$0x0], $0xffff;
	_ =	sdelay $0x4  }
0x13c: {  	v19 =	vshll.u32 v18, $0x10  }
0x13d: {  	v22 =	vcombine.low v23, v24;
	v18 =	vand.u32 $0xFFFF0000, v18;
	v19 =	vmul.f32 v19, v20  }
0x13e: {  	v18 =	vmul.f32 v18, v21  }
0x13f: {  	v16 =	vor.u32 v22, v16;
	[tilespmem:v17+s30+$0x0] =	vst.idx.msk $0xffff, v19  }
0x140: {  	s9 =	simm.s32 $0x1;
	s16 =	simm.s32 $0x10;
	s14 =	smov.u32 s17;
	v19 =	vor.u32 s13, v16;
	[tilespmem:v46+s30+$0x0] =	vst.idx.msk $0xffff, v18  }
.LBB2_4:
0x141: {  	_ =	sdelay $0x3  }
0x142: {  	v18 =	vld.idx.msk [tilespmem:v19+s28+$0x0], $0xffff  }
0x143: {  	v1 =	vld [tilespmem:$0x1FD30];
	_ =	sdelay $0x4  }
0x144: {  	v33 =	vor.u32 s16, v1;
	v22 =	vshll.u32 v18, $0x10  }
0x145: {  	v18 =	vand.u32 $0xFFFF0000, v18;
	v20 =	vmul.f32 v22, v20  }
0x146: {  	v32 =	vor.u32 s16, v48;
	v18 =	vmul.f32 v18, v21  }
0x147: {  	v31 =	vor.u32 s16, v49;
	[tilespmem:v62+s30+$0x0] =	vst.idx.msk $0xffff, v20  }
0x148: {  	[tilespmem:v19+s30+$0x0] =	vst.idx.msk $0xffff, v18  }
0x149: {  	v20 =	vld.idx.msk [tilespmem:v33+s26+$0x0], $0xffff  }
0x14a: {  	v21 =	vld.idx.msk [tilespmem:v33+s28+$0x0], $0xffff  }
0x14b: {  	v26 =	vor.u32 s16, v52;
	v17 =	vor.u32 s16, v59;
	v35 =	vld.idx.msk [tilespmem:v32+s28+$0x0], $0xffff  }
0x14c: {  	v30 =	vor.u32 s16, v50;
	v24 =	vor.u32 s16, v55;
	v23 =	vor.u32 s16, v56;
	v38 =	vld.idx.msk [tilespmem:v31+s28+$0x0], $0xffff  }
0x14d: {  	v29 =	vor.u32 s16, v51;
	v25 =	vor.u32 s16, v54;
	v28 =	vor.u32 s16, v53;
	v34 =	vld.idx.msk [tilespmem:v32+s26+$0x0], $0xffff  }
0x14e: {  	v27 =	vor.u32 s16, v47;
	v22 =	vor.u32 s16, v57;
	v62 =	vor.u32 s16, v61;
	v36 =	vld.idx.msk [tilespmem:v31+s26+$0x0], $0xffff  }
0x14f: {  	v37 =	vshll.u32 v20, $0x10;
	v39 =	vshll.u32 v21, $0x10;
	v20 =	vand.u32 $0xFFFF0000, v20  }
0x150: {  	v21 =	vand.u32 $0xFFFF0000, v21;
	v41 =	vshll.u32 v35, $0x10;
	v35 =	vand.u32 $0xFFFF0000, v35  }
0x151: {  	v40 =	vld.idx.msk [tilespmem:v30+s26+$0x0], $0xffff;
	v43 =	vshll.u32 v38, $0x10;
	v38 =	vand.u32 $0xFFFF0000, v38;
	v37 =	vmul.f32 v39, v37  }
0x152: {  	v20 =	vmul.f32 v21, v20;
	v21 =	vand.u32 $0xFFFF0000, v34;
	v39 =	vld.idx.msk [tilespmem:v30+s28+$0x0], $0xffff;
	v34 =	vshll.u32 v34, $0x10  }
0x153: {  	v34 =	vmul.f32 v41, v34;
	v21 =	vmul.f32 v35, v21;
	v35 =	vshll.u32 v36, $0x10  }
0x154: {  	v42 =	vld.idx.msk [tilespmem:v29+s28+$0x0], $0xffff;
	v36 =	vand.u32 $0xFFFF0000, v36;
	v37 =	vadd.f32 $0.0e+00, v37;
	v20 =	vadd.f32 $0.0e+00, v20  }
0x155: {  	v18 =	vor.u32 s16, v60;
	v19 =	vor.u32 s16, v58;
	v41 =	vld.idx.msk [tilespmem:v29+s26+$0x0], $0xffff;
	v36 =	vmul.f32 v38, v36  }
0x156: {  	v45 =	vld.idx.msk [tilespmem:v26+s28+$0x0], $0xffff;
	v34 =	vadd.f32 v34, v37;
	v20 =	vadd.f32 v21, v20;
	v21 =	vmul.f32 v43, v35  }
0x157: {  	v38 =	vshll.u32 v40, $0x10;
	v35 =	vand.u32 $0xFFFF0000, v40;
	v37 =	vld.idx.msk [tilespmem:v26+s26+$0x0], $0xffff;
	v46 =	vshll.u32 v39, $0x10  }
0x158: {  	v43 =	vand.u32 $0xFFFF0000, v39;
	v21 =	vadd.f32 v21, v34;
	v46 =	vmul.f32 v46, v38  }
0x159: {  	v40 =	vand.u32 $0xFFFF0000, v42;
	v39 =	vld.idx.msk [tilespmem:v28+s26+$0x0], $0xffff;
	v20 =	vadd.f32 v36, v20;
	v35 =	vmul.f32 v43, v35  }
0x15a: {  	v36 =	vshll.u32 v41, $0x10;
	v38 =	vld.idx.msk [tilespmem:v27+s28+$0x0], $0xffff;
	v21 =	vadd.f32 v46, v21;
	v46 =	vshll.u32 v42, $0x10  }
0x15b: {  	v1 =	vld.idx.msk [tilespmem:v28+s28+$0x0], $0xffff;
	v20 =	vadd.f32 v35, v20;
	v35 =	vand.u32 $0xFFFF0000, v45;
	v45 =	vshll.u32 v45, $0x10  }
0x15c: {  	v42 =	vld.idx.msk [tilespmem:v27+s26+$0x0], $0xffff;
	v34 =	vmul.f32 v46, v36;
	v36 =	vand.u32 $0xFFFF0000, v41;
	v41 =	vshll.u32 v37, $0x10  }
0x15d: {  	v43 =	vld.idx.msk [tilespmem:v25+s28+$0x0], $0xffff;
	v37 =	vand.u32 $0xFFFF0000, v37;
	v46 =	vmul.f32 v45, v41;
	v36 =	vmul.f32 v40, v36  }
0x15e: {  	v35 =	vmul.f32 v35, v37;
	v37 =	vand.u32 $0xFFFF0000, v39;
	v21 =	vadd.f32 v34, v21  }
0x15f: {  	v41 =	vld.idx.msk [tilespmem:v25+s26+$0x0], $0xffff;
	v45 =	vshll.u32 v39, $0x10;
	v39 =	vshll.u32 v38, $0x10;
	v38 =	vand.u32 $0xFFFF0000, v38  }
0x160: {  	v20 =	vadd.f32 v36, v20;
	v21 =	vadd.f32 v46, v21;
	v46 =	vshll.u32 v1, $0x10  }
0x161: {  	v40 =	vld.idx.msk [tilespmem:v24+s28+$0x0], $0xffff;
	v1 =	vand.u32 $0xFFFF0000, v1;
	v36 =	vshll.u32 v42, $0x10;
	v42 =	vand.u32 $0xFFFF0000, v42  }
0x162: {  	v34 =	vmul.f32 v46, v45;
	v45 =	vld.idx.msk [tilespmem:v24+s26+$0x0], $0xffff;
	v36 =	vmul.f32 v39, v36;
	v39 =	vand.u32 $0xFFFF0000, v43  }
0x163: {  	v1 =	vmul.f32 v1, v37;
	v37 =	vshll.u32 v43, $0x10;
	v43 =	vld.idx.msk [tilespmem:v22+s28+$0x0], $0xffff;
	v20 =	vadd.f32 v35, v20  }
0x164: {  	v46 =	vld.idx.msk [tilespmem:v23+s28+$0x0], $0xffff;
	v21 =	vadd.f32 v34, v21;
	v34 =	vmul.f32 v38, v42;
	v38 =	vshll.u32 v41, $0x10  }
0x165: {  	v41 =	vand.u32 $0xFFFF0000, v41;
	v1 =	vadd.f32 v1, v20;
	v35 =	vmul.f32 v37, v38  }
0x166: {  	v42 =	vld.idx.msk [tilespmem:v23+s26+$0x0], $0xffff;
	v37 =	vmul.f32 v39, v41;
	v39 =	vand.u32 $0xFFFF0000, v40;
	v21 =	vadd.f32 v36, v21  }
0x167: {  	v38 =	vld.idx.msk [tilespmem:v22+s26+$0x0], $0xffff;
	v36 =	vshll.u32 v40, $0x10;
	v1 =	vadd.f32 v34, v1;
	v20 =	vshll.u32 v45, $0x10  }
0x168: {  	v40 =	vand.u32 $0xFFFF0000, v45;
	v34 =	vand.u32 $0xFFFF0000, v43;
	v21 =	vadd.f32 v35, v21  }
0x169: {  	v41 =	vld.idx.msk [tilespmem:v19+s28+$0x0], $0xffff;
	v20 =	vmul.f32 v36, v20;
	v35 =	vshll.u32 v46, $0x10;
	v1 =	vadd.f32 v37, v1  }
0x16a: {  	v36 =	vld.idx.msk [tilespmem:v19+s26+$0x0], $0xffff;
	v37 =	vand.u32 $0xFFFF0000, v46;
	v39 =	vmul.f32 v39, v40;
	v40 =	vshll.u32 v43, $0x10  }
0x16b: {  	v46 =	vld.idx.msk [tilespmem:v17+s26+$0x0], $0xffff;
	v45 =	vshll.u32 v42, $0x10;
	v42 =	vand.u32 $0xFFFF0000, v42;
	v20 =	vadd.f32 v20, v21  }
0x16c: {  	v21 =	vmul.f32 v35, v45;
	v45 =	vshll.u32 v38, $0x10;
	v38 =	vand.u32 $0xFFFF0000, v38  }
0x16d: {  	v35 =	vld.idx.msk [tilespmem:v17+s28+$0x0], $0xffff;
	v37 =	vmul.f32 v37, v42;
	v1 =	vadd.f32 v39, v1;
	v34 =	vmul.f32 v34, v38  }
0x16e: {  	v42 =	vld.idx.msk [tilespmem:v18+s28+$0x0], $0xffff;
	v38 =	vshll.u32 v41, $0x10;
	v41 =	vand.u32 $0xFFFF0000, v41;
	v20 =	vadd.f32 v21, v20  }
0x16f: {  	v21 =	vmul.f32 v40, v45;
	v40 =	vld.idx.msk [tilespmem:v18+s26+$0x0], $0xffff;
	v1 =	vadd.f32 v37, v1;
	v45 =	vshll.u32 v36, $0x10  }
0x170: {  	v36 =	vand.u32 $0xFFFF0000, v36;
	v37 =	vshll.u32 v46, $0x10;
	v43 =	vand.u32 $0xFFFF0000, v46  }
0x171: {  	v20 =	vadd.f32 v21, v20;
	v21 =	vmul.f32 v38, v45;
	v36 =	vmul.f32 v41, v36;
	v38 =	vld.idx.msk [tilespmem:v62+s28+$0x0], $0xffff  }
0x172: {  	v41 =	vld.idx.msk [tilespmem:v62+s26+$0x0], $0xffff;
	v1 =	vadd.f32 v34, v1;
	v45 =	vshll.u32 v35, $0x10;
	v35 =	vand.u32 $0xFFFF0000, v35  }
0x173: {  	v46 =	vshll.u32 v42, $0x10;
	v20 =	vadd.f32 v21, v20;
	v21 =	vmul.f32 v45, v37  }
0x174: {  	v37 =	vand.u32 $0xFFFF0000, v42;
	v1 =	vadd.f32 v36, v1;
	v45 =	vshll.u32 v40, $0x10  }
0x175: {  	v42 =	vand.u32 $0xFFFF0000, v40;
	v20 =	vadd.f32 v21, v20;
	v21 =	vmul.f32 v35, v43  }
0x176: {  	v34 =	vmul.f32 v46, v45;
	v43 =	vmul.f32 v37, v42;
	v45 =	vshll.u32 v38, $0x10  }
0x177: {  	v46 =	vand.u32 $0xFFFF0000, v41;
	v1 =	vadd.f32 v21, v1;
	v21 =	vshll.u32 v41, $0x10  }
0x178: {  	s14 =	sadd.s32 $0x10, s14;
	v40 =	vand.u32 $0xFFFF0000, v38;
	v20 =	vadd.f32 v34, v20;
	v21 =	vmul.f32 v45, v21  }
0x179: {  	v34 =	vmul.f32 v40, v46;
	v41 =	vld [tilespmem:s14+$0xFFFFFFC0];
	v1 =	vadd.f32 v43, v1  }
0x17a: {  	v20 =	vadd.f32 v21, v20;
	v21 =	vld [tilespmem:s14+$0x0]  }
0x17b: {  	v1 =	vadd.f32 v34, v1  }
0x17c: {  	v20 =	vmul.f32 $2.500000000e-01, v20  }
0x17d: {  	v1 =	vmul.f32 $2.500000000e-01, v1  }
0x17e: {  	v20 =	vadd.f32 v20, v41  }
0x17f: {  	v1 =	vadd.f32 v1, v21  }
0x180: {  	v20 =	vmul.f32 $1.442695020e+00, v20  }
0x181: {  	v1 =	vmul.f32 $1.442695020e+00, v1  }
0x182: {  	(erf) = vpow2.f32 v20  }
0x183: {  	(erf) = vpow2.f32 v1;
	_ =	sdelay $0x2  }
0x184: {  	s4 =	smov.u32 s9  }
0x185: {  	v1 =	vor.u32 s4, v63  }
0x186: {  	v42 =	vor.u32 s4, v0  }
0x187: {  	v43 =	vor.u32 s16, v44;
	_ =	sdelay $0x1  }
0x188: {  	v20 =	vpop (erf)  }
0x189: {  	[tilespmem:v1+s20+$0x0] =	vst.idx.msk $0xffff, v20;
	v21 =	vpop (erf)  }
0x18a: {  	[tilespmem:v42+s20+$0x0] =	vst.idx.msk $0xffff, v21  }
0x18b: {  	v1 =	vld.idx.msk [tilespmem:v43+s28+$0x0], $0xffff;
	_ =	sdelay $0x4  }
0x18c: {  	v46 =	vor.u32 s16, v2;
	v45 =	vshll.u32 v1, $0x10  }
0x18d: {  	v1 =	vand.u32 $0xFFFF0000, v1;
	v34 =	vmul.f32 v45, v20  }
0x18e: {  	v1 =	vmul.f32 v1, v21  }
0x18f: {  	[tilespmem:v33+s30+$0x0] =	vst.idx.msk $0xffff, v34  }
0x190: {  	[tilespmem:v43+s30+$0x0] =	vst.idx.msk $0xffff, v1  }
0x191: {  	v1 =	vld.idx.msk [tilespmem:v46+s28+$0x0], $0xffff;
	_ =	sdelay $0x4  }
0x192: {  	v39 =	vor.u32 s16, v3;
	v38 =	vshll.u32 v1, $0x10  }
0x193: {  	v1 =	vand.u32 $0xFFFF0000, v1;
	v33 =	vmul.f32 v38, v20  }
0x194: {  	v1 =	vmul.f32 v1, v21  }
0x195: {  	[tilespmem:v32+s30+$0x0] =	vst.idx.msk $0xffff, v33  }
0x196: {  	[tilespmem:v46+s30+$0x0] =	vst.idx.msk $0xffff, v1  }
0x197: {  	v1 =	vld.idx.msk [tilespmem:v39+s28+$0x0], $0xffff;
	_ =	sdelay $0x4  }
0x198: {  	v41 =	vor.u32 s16, v4;
	v40 =	vshll.u32 v1, $0x10  }
0x199: {  	v1 =	vand.u32 $0xFFFF0000, v1;
	v32 =	vmul.f32 v40, v20  }
0x19a: {  	v1 =	vmul.f32 v1, v21  }
0x19b: {  	[tilespmem:v31+s30+$0x0] =	vst.idx.msk $0xffff, v32  }
0x19c: {  	[tilespmem:v39+s30+$0x0] =	vst.idx.msk $0xffff, v1  }
0x19d: {  	v1 =	vld.idx.msk [tilespmem:v41+s28+$0x0], $0xffff;
	_ =	sdelay $0x4  }
0x19e: {  	v43 =	vor.u32 s16, v5;
	v42 =	vshll.u32 v1, $0x10  }
0x19f: {  	v1 =	vand.u32 $0xFFFF0000, v1;
	v31 =	vmul.f32 v42, v20  }
0x1a0: {  	v1 =	vmul.f32 v1, v21  }
0x1a1: {  	[tilespmem:v30+s30+$0x0] =	vst.idx.msk $0xffff, v31  }
0x1a2: {  	[tilespmem:v41+s30+$0x0] =	vst.idx.msk $0xffff, v1  }
0x1a3: {  	v1 =	vld.idx.msk [tilespmem:v43+s28+$0x0], $0xffff;
	_ =	sdelay $0x4  }
0x1a4: {  	v46 =	vor.u32 s16, v6;
	v45 =	vshll.u32 v1, $0x10  }
0x1a5: {  	v1 =	vand.u32 $0xFFFF0000, v1;
	v30 =	vmul.f32 v45, v20  }
0x1a6: {  	v1 =	vmul.f32 v1, v21  }
0x1a7: {  	[tilespmem:v29+s30+$0x0] =	vst.idx.msk $0xffff, v30  }
0x1a8: {  	[tilespmem:v43+s30+$0x0] =	vst.idx.msk $0xffff, v1  }
0x1a9: {  	v1 =	vld.idx.msk [tilespmem:v46+s28+$0x0], $0xffff;
	_ =	sdelay $0x4  }
0x1aa: {  	v34 =	vor.u32 s16, v7;
	v33 =	vshll.u32 v1, $0x10  }
0x1ab: {  	v1 =	vand.u32 $0xFFFF0000, v1;
	v29 =	vmul.f32 v33, v20  }
0x1ac: {  	v1 =	vmul.f32 v1, v21  }
0x1ad: {  	[tilespmem:v26+s30+$0x0] =	vst.idx.msk $0xffff, v29  }
0x1ae: {  	[tilespmem:v46+s30+$0x0] =	vst.idx.msk $0xffff, v1  }
0x1af: {  	v1 =	vld.idx.msk [tilespmem:v34+s28+$0x0], $0xffff;
	_ =	sdelay $0x4  }
0x1b0: {  	v36 =	vor.u32 s16, v8;
	v35 =	vshll.u32 v1, $0x10  }
0x1b1: {  	v1 =	vand.u32 $0xFFFF0000, v1;
	v26 =	vmul.f32 v35, v20  }
0x1b2: {  	v1 =	vmul.f32 v1, v21  }
0x1b3: {  	[tilespmem:v28+s30+$0x0] =	vst.idx.msk $0xffff, v26  }
0x1b4: {  	[tilespmem:v34+s30+$0x0] =	vst.idx.msk $0xffff, v1  }
0x1b5: {  	v1 =	vld.idx.msk [tilespmem:v36+s28+$0x0], $0xffff;
	_ =	sdelay $0x4  }
0x1b6: {  	v38 =	vor.u32 s16, v9;
	v37 =	vshll.u32 v1, $0x10  }
0x1b7: {  	v1 =	vand.u32 $0xFFFF0000, v1;
	v26 =	vmul.f32 v37, v20  }
0x1b8: {  	v1 =	vmul.f32 v1, v21  }
0x1b9: {  	[tilespmem:v27+s30+$0x0] =	vst.idx.msk $0xffff, v26  }
0x1ba: {  	[tilespmem:v36+s30+$0x0] =	vst.idx.msk $0xffff, v1  }
0x1bb: {  	v1 =	vld.idx.msk [tilespmem:v38+s28+$0x0], $0xffff;
	_ =	sdelay $0x4  }
0x1bc: {  	v40 =	vor.u32 s16, v10;
	v39 =	vshll.u32 v1, $0x10  }
0x1bd: {  	v1 =	vand.u32 $0xFFFF0000, v1;
	v26 =	vmul.f32 v39, v20  }
0x1be: {  	v1 =	vmul.f32 v1, v21  }
0x1bf: {  	[tilespmem:v25+s30+$0x0] =	vst.idx.msk $0xffff, v26  }
0x1c0: {  	[tilespmem:v38+s30+$0x0] =	vst.idx.msk $0xffff, v1  }
0x1c1: {  	v1 =	vld.idx.msk [tilespmem:v40+s28+$0x0], $0xffff;
	_ =	sdelay $0x4  }
0x1c2: {  	v42 =	vor.u32 s16, v11;
	v41 =	vshll.u32 v1, $0x10  }
0x1c3: {  	v1 =	vand.u32 $0xFFFF0000, v1;
	v25 =	vmul.f32 v41, v20  }
0x1c4: {  	v1 =	vmul.f32 v1, v21  }
0x1c5: {  	[tilespmem:v24+s30+$0x0] =	vst.idx.msk $0xffff, v25  }
0x1c6: {  	[tilespmem:v40+s30+$0x0] =	vst.idx.msk $0xffff, v1  }
0x1c7: {  	v1 =	vld.idx.msk [tilespmem:v42+s28+$0x0], $0xffff;
	_ =	sdelay $0x4  }
0x1c8: {  	v45 =	vor.u32 s16, v12;
	v43 =	vshll.u32 v1, $0x10  }
0x1c9: {  	v1 =	vand.u32 $0xFFFF0000, v1;
	v24 =	vmul.f32 v43, v20  }
0x1ca: {  	v1 =	vmul.f32 v1, v21  }
0x1cb: {  	[tilespmem:v23+s30+$0x0] =	vst.idx.msk $0xffff, v24  }
0x1cc: {  	[tilespmem:v42+s30+$0x0] =	vst.idx.msk $0xffff, v1  }
0x1cd: {  	v1 =	vld.idx.msk [tilespmem:v45+s28+$0x0], $0xffff;
	_ =	sdelay $0x4  }
0x1ce: {  	v46 =	vor.u32 s16, v13;
	v23 =	vshll.u32 v1, $0x10  }
0x1cf: {  	v1 =	vand.u32 $0xFFFF0000, v1;
	v23 =	vmul.f32 v23, v20  }
0x1d0: {  	v1 =	vmul.f32 v1, v21  }
0x1d1: {  	[tilespmem:v22+s30+$0x0] =	vst.idx.msk $0xffff, v23  }
0x1d2: {  	[tilespmem:v45+s30+$0x0] =	vst.idx.msk $0xffff, v1  }
0x1d3: {  	v1 =	vld.idx.msk [tilespmem:v46+s28+$0x0], $0xffff;
	_ =	sdelay $0x4  }
0x1d4: {  	v23 =	vor.u32 s16, v14;
	v22 =	vshll.u32 v1, $0x10  }
0x1d5: {  	v1 =	vand.u32 $0xFFFF0000, v1;
	v22 =	vmul.f32 v22, v20  }
0x1d6: {  	v1 =	vmul.f32 v1, v21  }
0x1d7: {  	[tilespmem:v19+s30+$0x0] =	vst.idx.msk $0xffff, v22  }
0x1d8: {  	[tilespmem:v46+s30+$0x0] =	vst.idx.msk $0xffff, v1  }
0x1d9: {  	v1 =	vld.idx.msk [tilespmem:v23+s28+$0x0], $0xffff;
	_ =	sdelay $0x4  }
0x1da: {  	v22 =	vor.u32 s16, v15;
	v19 =	vshll.u32 v1, $0x10  }
0x1db: {  	v1 =	vand.u32 $0xFFFF0000, v1;
	v19 =	vmul.f32 v19, v20  }
0x1dc: {  	v1 =	vmul.f32 v1, v21  }
0x1dd: {  	[tilespmem:v17+s30+$0x0] =	vst.idx.msk $0xffff, v19  }
0x1de: {  	[tilespmem:v23+s30+$0x0] =	vst.idx.msk $0xffff, v1  }
0x1df: {  	v1 =	vld.idx.msk [tilespmem:v22+s28+$0x0], $0xffff;
	_ =	sdelay $0x3  }
0x1e0: {  	p1 =	sne.s32 s9, $0x3  }
.Ltmp0:
0x1e1: {  	v17 =	vshll.u32 v1, $0x10;
	(pc) =	sbr.rel @p1 .LBB2_4-.Ltmp0, $4  }
0x1e2: {  	v1 =	vand.u32 $0xFFFF0000, v1;
	v17 =	vmul.f32 v17, v20  }
0x1e3: {  	v1 =	vmul.f32 v1, v21  }
0x1e4: {  	[tilespmem:v18+s30+$0x0] =	vst.idx.msk $0xffff, v17  }
0x1e5: {  	s9 =	sadd.s32 $0x1, s9;
	v19 =	vor.u32 s16, v16;
	s16 =	sadd.s32 $0x10, s16;
	[tilespmem:v22+s30+$0x0] =	vst.idx.msk $0xffff, v1  }
0x1e6: {  	_ =	sdelay $0x3  }
0x1e7: {  	v0 =	vld.idx.msk [tilespmem:v19+s28+$0x0], $0xffff;
	_ =	sdelay $0x2  }
0x1e8: {  	s15 =	sadd.s32 $0x1, s15  }
0x1e9: {  	p1 =	sne.s32 s15, $0x5  }
.Ltmp1:
0x1ea: {  	v1 =	vshll.u32 v0, $0x10;
	(pc) =	sbr.rel @p1 .LBB2_3-.Ltmp1, $4  }
0x1eb: {  	v0 =	vand.u32 $0xFFFF0000, v0;
	v1 =	vmul.f32 v1, v20  }
0x1ec: {  	v0 =	vmul.f32 v0, v21  }
0x1ed: {  	[tilespmem:v62+s30+$0x0] =	vst.idx.msk $0xffff, v1  }
0x1ee: {  	s17 =	sadd.s32 $0x80, s17;
	[tilespmem:v19+s30+$0x0] =	vst.idx.msk $0xffff, v0  }
0x1ef: {  	_ =	swait.ge [sflag:s24], $0x50  }
0x1f0: {  	[sflag:s24] =	ssyncset.done $0x0  }
0x1f1: {  	[sflag:s24] =	ssyncadd.s32 $0xFFFFFFB0  }
0x1f2: {  	_ =	swait.ge [sflag:s24], $0x50  }
0x1f3: {  	[sflag:s24] =	ssyncset.done $0x0  }
0x1f4: {  	[sflag:s24] =	ssyncadd.s32 $0xFFFFFFB0  }
0x1f5: {  	_ =	swait.ge [sflag:s24], $0x280  }
0x1f6: {  	[sflag:s24] =	ssyncset.done $0x0  }
0x1f7: {  	[sflag:s24] =	ssyncadd.s32 $0xFFFFFD80  }
0x1f8: {  	v0 =	vld [tilespmem:s23+$0x15080]  }
0x1f9: {  	v1 =	vld [tilespmem:s23+$0x15090]  }
0x1fa: {  	v2 =	vld [tilespmem:s23+$0x150A0]  }
0x1fb: {  	v3 =	vld [tilespmem:s23+$0x150B0]  }
0x1fc: {  	v4 =	vld [tilespmem:s23+$0x150C0]  }
0x1fd: {  	v0 =	vshra.s32 v0, $0x4  }
0x1fe: {  	v1 =	vshra.s32 v1, $0x4;
	v0 =	vadd.s32 $0x2780, v0  }
0x1ff: {  	v9 =	vshra.s32 v2, $0x4;
	v8 =	vadd.s32 $0x2780, v1;
	[tilespmem:s23+$0x15180] =	vst v0  }
0x200: {  	v11 =	vshra.s32 v3, $0x4;
	v10 =	vadd.s32 $0x2780, v9;
	[tilespmem:s23+$0x15190] =	vst v8  }
0x201: {  	v13 =	vshra.s32 v4, $0x4;
	v12 =	vadd.s32 $0x2780, v11;
	[tilespmem:s23+$0x151A0] =	vst v10  }
0x202: {  	v14 =	vadd.s32 $0x2780, v13;
	[tilespmem:s23+$0x151B0] =	vst v12  }
0x203: {  	[tilespmem:s23+$0x151C0] =	vst v14  }
0x204: {  	[tilespmem:s26], [sflag:$0x1] =	stream.indirect.gather [hbm4b:s0+s25], $0x80, s11, s25, $0xb8;
	[tilespmem:$0x1F780] =	vst v63  }
0x205: {  	_ = 	snop  }
0x206: {  	[tilespmem:s28], [sflag:$0x1] =	stream.indirect.gather [hbm4b:s5+s25], $0x80, s21, s25, $0xb8;
	[tilespmem:$0x1F780] =	vst v63  }
0x207: {  	_ = 	snop  }
0x208: {  	[spmem:s2] =	stream.indirect.scatter.add.f32 [tilespmem:s30], [sflag:$0x2], $0x80, s22, s25, $0xb8;
	[tilespmem:$0x1F780] =	vst v63  }
0x209: {  	s4 =	sadd.s32 $0x15180, s3  }
0x20a: {  	[spmem:s2] =	stream.indirect.scatter.add.f32 [tilespmem:s20], [sflag:$0x2], $0x80, s4, s25, $0xb8;
	[tilespmem:$0x1F780] =	vst v63  }
0x20b: {  	_ =	swait.ge [sflag:s24], $0x2800  }
0x20c: {  	[sflag:s24] =	ssyncset.done $0x0  }
0x20d: {  	[sflag:s24] =	ssyncadd.s32 $0xFFFFD800  }
0x20e: {  	_ =	swait.ge [sflag:s24], $0x2800  }
0x20f: {  	[sflag:s24] =	ssyncset.done $0x0  }
0x210: {  	[sflag:s24] =	ssyncadd.s32 $0xFFFFD800  }
0x211: {  	v15 =	vld [tilespmem:s3+$0x15080];
	_ =	sdelay $0x1  }
0x212: {  	v7 =	vld [tilespmem:$0x1FD50];
	_ =	sdelay $0x2  }
0x213: {  	v0 =	vshll.u32 v15, $0x3  }
0x214: {  	v0 =	vand.u32 $0x78, v0  }
0x215: {  	v17 =	vor.u32 $0x1, v7;
	v16 =	vor.u32 v7, v0  }
0x216: {  	v18 =	vor.u32 $0x2, v7;
	v2 =	vor.u32 v17, v0  }
0x217: {  	v19 =	vor.u32 $0x3, v7;
	v3 =	vor.u32 v18, v0  }
0x218: {  	v5 =	vor.u32 $0x4, v7;
	v4 =	vor.u32 v19, v0  }
0x219: {  	v8 =	vimm.f32 $0.0e+00;
	v6 =	vor.u32 $0x5, v7;
	v5 =	vor.u32 v5, v0  }
0x21a: {  	v21 =	vor.u32 $0x6, v7;
	v20 =	vor.u32 v6, v0;
	[tilespmem:v16+s20+$0x0] =	vst.idx.msk $0xffff, v8  }
0x21b: {  	v23 =	vor.u32 $0x7, v7;
	v22 =	vor.u32 v21, v0;
	[tilespmem:v2+s20+$0x0] =	vst.idx.msk $0xffff, v8  }
0x21c: {  	v0 =	vor.u32 v23, v0;
	[tilespmem:v3+s20+$0x0] =	vst.idx.msk $0xffff, v8  }
0x21d: {  	[tilespmem:v4+s20+$0x0] =	vst.idx.msk $0xffff, v8  }
0x21e: {  	[tilespmem:v5+s20+$0x0] =	vst.idx.msk $0xffff, v8  }
0x21f: {  	[tilespmem:v20+s20+$0x0] =	vst.idx.msk $0xffff, v8  }
0x220: {  	[tilespmem:v22+s20+$0x0] =	vst.idx.msk $0xffff, v8  }
0x221: {  	[tilespmem:v0+s20+$0x0] =	vst.idx.msk $0xffff, v8  }
0x222: {  	v0 =	vld [tilespmem:s3+$0x15090];
	_ =	sdelay $0x4  }
0x223: {  	v0 =	vshll.u32 v0, $0x3  }
0x224: {  	v24 =	vor.u32 $0x800, v7;
	v0 =	vand.u32 $0x78, v0  }
0x225: {  	v25 =	vor.u32 $0x801, v7;
	v1 =	vor.u32 v24, v0  }
0x226: {  	v26 =	vor.u32 $0x802, v7;
	v2 =	vor.u32 v25, v0  }
0x227: {  	v27 =	vor.u32 $0x803, v7;
	v3 =	vor.u32 v26, v0  }
0x228: {  	v28 =	vor.u32 $0x804, v7;
	v4 =	vor.u32 v27, v0  }
0x229: {  	v29 =	vor.u32 $0x805, v7;
	v5 =	vor.u32 v28, v0  }
0x22a: {  	v31 =	vor.u32 $0x806, v7;
	v30 =	vor.u32 v29, v0;
	[tilespmem:v1+s20+$0x0] =	vst.idx.msk $0xffff, v8  }
0x22b: {  	v33 =	vor.u32 $0x807, v7;
	v32 =	vor.u32 v31, v0;
	[tilespmem:v2+s20+$0x0] =	vst.idx.msk $0xffff, v8  }
0x22c: {  	v0 =	vor.u32 v33, v0;
	[tilespmem:v3+s20+$0x0] =	vst.idx.msk $0xffff, v8  }
0x22d: {  	[tilespmem:v4+s20+$0x0] =	vst.idx.msk $0xffff, v8  }
0x22e: {  	[tilespmem:v5+s20+$0x0] =	vst.idx.msk $0xffff, v8  }
0x22f: {  	[tilespmem:v30+s20+$0x0] =	vst.idx.msk $0xffff, v8  }
0x230: {  	[tilespmem:v32+s20+$0x0] =	vst.idx.msk $0xffff, v8  }
0x231: {  	[tilespmem:v0+s20+$0x0] =	vst.idx.msk $0xffff, v8  }
0x232: {  	v0 =	vld [tilespmem:s3+$0x150A0];
	_ =	sdelay $0x4  }
0x233: {  	v0 =	vshll.u32 v0, $0x3  }
0x234: {  	v34 =	vor.u32 $0x1000, v7;
	v0 =	vand.u32 $0x78, v0  }
0x235: {  	v35 =	vor.u32 $0x1001, v7;
	v1 =	vor.u32 v34, v0  }
0x236: {  	v36 =	vor.u32 $0x1002, v7;
	v2 =	vor.u32 v35, v0  }
0x237: {  	v37 =	vor.u32 $0x1003, v7;
	v3 =	vor.u32 v36, v0  }
0x238: {  	v38 =	vor.u32 $0x1004, v7;
	v4 =	vor.u32 v37, v0  }
0x239: {  	v39 =	vor.u32 $0x1005, v7;
	v5 =	vor.u32 v38, v0  }
0x23a: {  	v41 =	vor.u32 $0x1006, v7;
	v40 =	vor.u32 v39, v0;
	[tilespmem:v1+s20+$0x0] =	vst.idx.msk $0xffff, v8  }
0x23b: {  	v43 =	vor.u32 $0x1007, v7;
	v42 =	vor.u32 v41, v0;
	[tilespmem:v2+s20+$0x0] =	vst.idx.msk $0xffff, v8  }
0x23c: {  	v0 =	vor.u32 v43, v0;
	[tilespmem:v3+s20+$0x0] =	vst.idx.msk $0xffff, v8  }
0x23d: {  	[tilespmem:v4+s20+$0x0] =	vst.idx.msk $0xffff, v8  }
0x23e: {  	[tilespmem:v5+s20+$0x0] =	vst.idx.msk $0xffff, v8  }
0x23f: {  	[tilespmem:v40+s20+$0x0] =	vst.idx.msk $0xffff, v8  }
0x240: {  	[tilespmem:v42+s20+$0x0] =	vst.idx.msk $0xffff, v8  }
0x241: {  	[tilespmem:v0+s20+$0x0] =	vst.idx.msk $0xffff, v8  }
0x242: {  	v0 =	vld [tilespmem:s3+$0x150B0];
	_ =	sdelay $0x4  }
0x243: {  	v0 =	vshll.u32 v0, $0x3  }
0x244: {  	v44 =	vor.u32 $0x1800, v7;
	v0 =	vand.u32 $0x78, v0  }
0x245: {  	v45 =	vor.u32 $0x1801, v7;
	v1 =	vor.u32 v44, v0  }
0x246: {  	v46 =	vor.u32 $0x1802, v7;
	v2 =	vor.u32 v45, v0  }
0x247: {  	v47 =	vor.u32 $0x1803, v7;
	v3 =	vor.u32 v46, v0  }
0x248: {  	v48 =	vor.u32 $0x1804, v7;
	v4 =	vor.u32 v47, v0  }
0x249: {  	v49 =	vor.u32 $0x1805, v7;
	v5 =	vor.u32 v48, v0  }
0x24a: {  	v51 =	vor.u32 $0x1806, v7;
	v50 =	vor.u32 v49, v0;
	[tilespmem:v1+s20+$0x0] =	vst.idx.msk $0xffff, v8  }
0x24b: {  	v53 =	vor.u32 $0x1807, v7;
	v52 =	vor.u32 v51, v0;
	[tilespmem:v2+s20+$0x0] =	vst.idx.msk $0xffff, v8  }
0x24c: {  	v0 =	vor.u32 v53, v0;
	[tilespmem:v3+s20+$0x0] =	vst.idx.msk $0xffff, v8  }
0x24d: {  	[tilespmem:v4+s20+$0x0] =	vst.idx.msk $0xffff, v8  }
0x24e: {  	[tilespmem:v5+s20+$0x0] =	vst.idx.msk $0xffff, v8  }
0x24f: {  	[tilespmem:v50+s20+$0x0] =	vst.idx.msk $0xffff, v8  }
0x250: {  	[tilespmem:v52+s20+$0x0] =	vst.idx.msk $0xffff, v8  }
0x251: {  	[tilespmem:v0+s20+$0x0] =	vst.idx.msk $0xffff, v8  }
0x252: {  	v0 =	vld [tilespmem:s3+$0x150C0];
	_ =	sdelay $0x4  }
0x253: {  	v0 =	vshll.u32 v0, $0x3  }
0x254: {  	v54 =	vor.u32 $0x2000, v7;
	v0 =	vand.u32 $0x78, v0  }
0x255: {  	v55 =	vor.u32 $0x2001, v7;
	v1 =	vor.u32 v54, v0  }
0x256: {  	v56 =	vor.u32 $0x2002, v7;
	v2 =	vor.u32 v55, v0  }
0x257: {  	v57 =	vor.u32 $0x2003, v7;
	v3 =	vor.u32 v56, v0  }
0x258: {  	v58 =	vor.u32 $0x2004, v7;
	v4 =	vor.u32 v57, v0  }
0x259: {  	v59 =	vor.u32 $0x2005, v7;
	v5 =	vor.u32 v58, v0  }
0x25a: {  	v61 =	vor.u32 $0x2006, v7;
	v60 =	vor.u32 v59, v0;
	[tilespmem:v1+s20+$0x0] =	vst.idx.msk $0xffff, v8  }
0x25b: {  	v63 =	vor.u32 $0x2007, v7;
	v62 =	vor.u32 v61, v0;
	[tilespmem:v2+s20+$0x0] =	vst.idx.msk $0xffff, v8  }
0x25c: {  	p1 =	sne.s32 s1, $0x7D;
	v0 =	vor.u32 v63, v0;
	[tilespmem:v3+s20+$0x0] =	vst.idx.msk $0xffff, v8  }
.Ltmp2:
0x25d: {  	[tilespmem:v4+s20+$0x0] =	vst.idx.msk $0xffff, v8;
	(pc) =	sbr.rel @p1 .LBB2_2-.Ltmp2, $4  }
0x25e: {  	[tilespmem:v5+s20+$0x0] =	vst.idx.msk $0xffff, v8  }
0x25f: {  	[tilespmem:v60+s20+$0x0] =	vst.idx.msk $0xffff, v8  }
0x260: {  	[tilespmem:v62+s20+$0x0] =	vst.idx.msk $0xffff, v8  }
0x261: {  	p0 =	por !p0, !p0;
	[tilespmem:v0+s20+$0x0] =	vst.idx.msk $0xffff, v8  }
0x262: {  	_ =	swait.ge [sflag:s29], $0x2800  }
0x263: {  	[sflag:s29] =	ssyncset.done $0x0  }
0x264: {  	[sflag:s29] =	ssyncadd.s32 $0xFFFFD800  }
0x265: {  	_ =	swait.ge [sflag:s29], $0x2800  }
0x266: {  	[sflag:s29] =	ssyncset.done $0x0  }
0x267: {  	[sflag:s29] =	ssyncadd.s32 $0xFFFFD800  }
0x268: {  	[bflag:$0x0] =	sbarrier.arrive $0xFFFF  }
0x269: {  	s1 =	rddreg [dreg:$0x9]  }
0x26a: {  	[hbm:s1], [sflag:s12] =	dma.local [spmem:s18], $0x2A00  }
0x26b: {  	_ =	swait.ge [sflag:s19], $0x2A00  }
0x26c: {  	s31 =	sadd.s32 $0x1, s31;
	s23 =	rddreg [dreg:$0xa]  }
0x26d: {  	p0 =	sne.s32 s31, s23  }
.Ltmp3:
0x26e: {  	_ = 	snop;
	(pc) =	sbr.rel @p0 .LBB2_1-.Ltmp3, $3  }
0x26f: {  	_ =	sdelay $0x1  }
0x270: {  	[sflag:s19] =	ssyncset.done $0x0  }
0x271: {  	[sflag:s19] =	ssyncadd.s32 $0xFFFFD600  }
0x272: {  	_ =	sfence.sel $0x180000  }
0x273: {  	[bflag:$0x0] =	sbarrier.arrive $0xFFFF  }
0x274: {  	_ =	strace $0x90000047  }
0x275: {  	s0 =	stileid.u32;
	[bflag:$0x2] =	sbarrier.arrive $0xFFFF  }
0x276: {  	p0 =	sne.s32 s0, $0x0;
	s0 =	rddreg [dreg:$0x3]  }
0x277: {  	s0 =	sadd.s32 @!p0 $0x100000, s0  }
0x278: {  	[sflag:s0] =	ssyncadd.tile.s32 @!p0 $0x1;
	_ =	shalt  }
.Lfunc_end2:
_tile_overlayer_lowered:
.L_overlay_start_2:
0x279: {  	(tag) =	ssettag $0x2  }
0x27a: {  	s0 =	rddreg [dreg:$0x0];
	s2 =	stileid.u32  }
0x27b: {  	s1 =	rddreg [dreg:$0x1];
	p0 =	sne.s32 s2, $0x0  }
0x27c: {  	s3 =	rddreg [dreg:$0x2];
	[bflag:$0x3] =	sbarrier.arrive $0xFFFF;
	s2 =	simm.s32 @!p0 $0x1C03  }
0x27d: {  	[timem:s3], [sflag:s2] =	dma.local @!p0 [hbm:s0], s1  }
0x27e: {  	s0 =	simm.s32 @!p0 $0x3  }
0x27f: {  	_ =	swait.ge @!p0 [sflag:s0], s1  }
0x280: {  	s1 =	ssub.s32 @!p0 $0x0, s1;
	[sflag:s0] =	ssyncset.done @!p0 $0x0  }
0x281: {  	[sflag:s0] =	ssyncadd.s32 @!p0 s1  }
0x282: {  	[bflag:$0x3] =	sbarrier.arrive $0xFFFF  }
0x283: {  	_ =	shalt  }

</sc_bundles>
